<compile_context>
chip_gen: v7x
topology: tpu7x:2x2x1
jax: 0.10.2.dev20260603
libtpu: 0.0.44.dev20260713+nightly
codegen_flags: <defaults>
</compile_context>

<pallas_src>
import functools

import jax
import jax.numpy as jnp
from jax import lax
from jax.experimental import pallas as pl
from jax.experimental.pallas import tpu as pltpu
from jax.experimental.pallas import tpu_sc as plsc


def _elu(v):
    return jnp.where(v > 0, v, jnp.exp(jnp.minimum(v, 0.0)) - 1.0)


def _mask_pad_rows(x2, n_period):
    BN, F = x2.shape
    NBm = 2000

    def body(x_ref, o_ref):
        i = pl.program_id(0)
        r = i * NBm + lax.broadcasted_iota(jnp.int32, (NBm, 1), 0)
        keep = ((r + 1) % n_period != 0).astype(x_ref.dtype)
        o_ref[...] = x_ref[...] * keep

    return pl.pallas_call(
        body,
        grid=(BN // NBm,),
        in_specs=[pl.BlockSpec((NBm, F), lambda i: (i, 0))],
        out_specs=pl.BlockSpec((NBm, F), lambda i: (i, 0)),
        out_shape=jax.ShapeDtypeStruct((BN, F), x2.dtype),
    )(x2)


def _sc_gather(table, idx_flat, row0, m_rows):
    F = table.shape[1]
    NW = 32
    assert m_rows % (NW * 8) == 0 and row0 % 8 == 0
    m_per_w = m_rows // NW
    CH = next(c for c in (256, 200, 128, 80, 64, 40, 16, 8)
              if m_per_w % (2 * c) == 0)
    n_ch = m_per_w // CH
    mesh = plsc.VectorSubcoreMesh(core_axis_name="c", subcore_axis_name="s")

    @functools.partial(
        pl.kernel,
        mesh=mesh,
        out_type=jax.ShapeDtypeStruct((m_rows, F), table.dtype),
        scratch_types=[
            pltpu.VMEM((CH,), jnp.int32),
            pltpu.VMEM((CH,), jnp.int32),
            pltpu.VMEM((CH, F), table.dtype),
            pltpu.VMEM((CH, F), table.dtype),
            pltpu.SemaphoreType.DMA,
            pltpu.SemaphoreType.DMA,
        ],
    )
    def gather_kernel(table_hbm, idx_hbm, out_hbm, idx_v0, idx_v1, rows_v0,
                      rows_v1, sem0, sem1):
        wid = lax.axis_index("s") * 2 + lax.axis_index("c")
        base = wid * m_per_w

        def load_idx(c, idx_v):
            pltpu.sync_copy(idx_hbm.at[pl.ds(row0 + base + c * CH, CH)],
                            idx_v)

        load_idx(0, idx_v0)
        pltpu.async_copy(table_hbm.at[idx_v0], rows_v0, sem0)

        @pl.loop(0, n_ch // 2)
        def _(j):
            c0 = 2 * j
            load_idx(c0 + 1, idx_v1)
            pltpu.async_copy(table_hbm.at[idx_v1], rows_v1, sem1)
            pltpu.make_async_copy(table_hbm.at[idx_v0], rows_v0, sem0).wait()
            pltpu.sync_copy(rows_v0, out_hbm.at[pl.ds(base + c0 * CH, CH)])

            @pl.when(j < n_ch // 2 - 1)
            def _():
                load_idx(c0 + 2, idx_v0)
                pltpu.async_copy(table_hbm.at[idx_v0], rows_v0, sem0)

            pltpu.make_async_copy(table_hbm.at[idx_v1], rows_v1, sem1).wait()
            pltpu.sync_copy(rows_v1,
                            out_hbm.at[pl.ds(base + (c0 + 1) * CH, CH)])

    return gather_kernel(table, idx_flat)


def _tc_compute(g_c, adjw, x2m, wcr, bc2, wmt, bm2, N, K, FIN, FOUT,
                node_base, row_base, n_nodes, NB):
    nblk = n_nodes // NB

    def body(g_ref, adj_ref, x_ref, wcr_ref, bc_ref, wmt_ref, bm_ref, o_ref):
        i = pl.program_id(0)
        X = g_ref[...].reshape(NB, K, FIN).astype(jnp.bfloat16)
        A = adj_ref[...]
        Y = lax.dot_general(A, X, (((1,), (1,)), ((0,), (0,))),
                            preferred_element_type=jnp.float32
                            ).astype(jnp.bfloat16)
        acc = jnp.zeros((NB, FOUT), jnp.float32)
        for t in range(K):
            acc = acc + jnp.dot(_elu(Y[:, t, :]), wcr_ref[t],
                                preferred_element_type=jnp.float32)
        out_feat = _elu(acc + bc_ref[...])
        nidx = node_base + i * NB + lax.broadcasted_iota(jnp.int32, (NB, 1), 0)
        nmask = (nidx != N - 1).astype(jnp.float32)
        res = jnp.dot(x_ref[...], wmt_ref[...],
                      preferred_element_type=jnp.float32) + bm_ref[...]
        o_ref[...] = out_feat * nmask + res

    return pl.pallas_call(
        body,
        grid=(nblk,),
        in_specs=[
            pl.BlockSpec((NB * K, FIN), lambda i: (i, 0)),
            pl.BlockSpec((NB, K, K), lambda i: (node_base // NB + i, 0, 0)),
            pl.BlockSpec((NB, FIN), lambda i: (row_base // NB + i, 0)),
            pl.BlockSpec((K, FIN, FOUT), lambda i: (0, 0, 0)),
            pl.BlockSpec((1, FOUT), lambda i: (0, 0)),
            pl.BlockSpec((FIN, FOUT), lambda i: (0, 0)),
            pl.BlockSpec((1, FOUT), lambda i: (0, 0)),
        ],
        out_specs=pl.BlockSpec((NB, FOUT), lambda i: (i, 0)),
        out_shape=jax.ShapeDtypeStruct((n_nodes, FOUT), jnp.float32),
        compiler_params=pltpu.CompilerParams(
            dimension_semantics=("arbitrary",)),
    )(g_c, adjw, x2m, wcr, bc2, wmt, bm2)


@jax.jit
def kernel(x, neighbor_index, adjweight, Wc, bc, Wm, bm):
    b, n, fin = x.shape
    k = neighbor_index.shape[-1]
    fout = Wc.shape[0]
    x2 = x.reshape(b * n, fin)
    offs = (jnp.arange(b, dtype=jnp.int32) * n)[:, None, None]
    idx_flat = (neighbor_index.astype(jnp.int32) + offs).reshape(-1)
    x2m = _mask_pad_rows(x2, n)
    wcr = Wc.reshape(fout, k, fin).transpose(1, 2, 0).astype(jnp.bfloat16)
    wmt = Wm.T
    adjb = adjweight.astype(jnp.bfloat16)
    bc2 = bc.reshape(1, -1)
    bm2 = bm.reshape(1, -1)
    CHUNKS_PER_BATCH = 2
    n_nodes = n // CHUNKS_PER_BATCH
    NB = 1000
    m_real = n_nodes * k
    m_pad = -(-m_real // (32 * 512)) * (32 * 512)
    pad_vals = jnp.arange(m_pad - m_real, dtype=jnp.int32) % jnp.int32(b * n)
    outs = []
    for bi in range(b):
        for ci in range(CHUNKS_PER_BATCH):
            node_base = ci * n_nodes
            row_base = bi * n + node_base
            idx_c = lax.dynamic_slice_in_dim(idx_flat, row_base * k, m_real)
            idx_c = jnp.concatenate([idx_c, pad_vals])
            g_c = _sc_gather(x2m, idx_c, 0, m_pad)
            outs.append(_tc_compute(g_c, adjb, x2m, wcr, bc2, wmt, bm2,
                                    n, k, fin, fout, node_base, row_base,
                                    n_nodes, NB))
    out2 = jnp.concatenate(outs, axis=0)
    return out2.reshape(b, n, fout)

# --- scband reference (transcript-rebuilt; emitter-appended) ---
"""Pipeline reference for scband-pai-implicit-res-net-2723009266476 (READ-ONLY COPY).

The authoritative reference and input builder live on the scoring server;
editing this copy changes nothing except your own understanding.
"""

import jax, jax.numpy as jnp
import numpy as np

B, N, K, FIN, FOUT = 2, 10000, 16, 128, 128

def setup_inputs(seed: int = 0) -> dict:
    key = jax.random.key(seed)
    ks = jax.random.split(key, 6)
    x = jax.random.normal(ks[0], (B, N, FIN), dtype=jnp.float32)
    neighbor_index = jax.random.randint(ks[1], (B, N, K), 0, N)
    # learned per-point neighbor mixing weights (initialized as identity in torch; add noise to exercise compute)
    adjweight = jnp.tile(jnp.eye(K, dtype=jnp.float32)[None], (N, 1, 1)) + 0.1 * jax.random.normal(ks[2], (N, K, K), dtype=jnp.float32)
    Wc = jax.random.normal(ks[3], (FOUT, K * FIN), dtype=jnp.float32) * (1.0 / np.sqrt(K * FIN))
    bc = jnp.zeros((FOUT,), dtype=jnp.float32)
    Wm = jax.random.normal(ks[4], (FOUT, FIN), dtype=jnp.float32) * (1.0 / np.sqrt(FIN))
    bm = jnp.zeros((FOUT,), dtype=jnp.float32)
    return {"x": x, "neighbor_index": neighbor_index, "adjweight": adjweight, "Wc": Wc, "bc": bc, "Wm": Wm, "bm": bm}

def reference(x, neighbor_index, adjweight, Wc, bc, Wm, bm):
    b, n, fin = x.shape
    k = neighbor_index.shape[-1]
    fout = Wc.shape[0]
    # zero-pad mask: last point is the padding point
    zp = jnp.ones((1, n, 1), dtype=x.dtype).at[0, -1, 0].set(0.0)
    x = x * zp
    # gather neighbor features: x[batch, neighbor_index, :]
    batch_idx = jnp.arange(b)[:, None, None]
    x_nb = x[batch_idx, neighbor_index, :]  # [B, N, K, Fin]
    # einsum('bnkf, bnkt -> bntf') with adjweight broadcast over batch
    x_nb = jnp.einsum('bnkf,nkt->bntf', x_nb, adjweight)
    x_flat = jax.nn.elu(x_nb.reshape(b * n, k * fin))
    out_feat = jax.nn.elu(x_flat @ Wc.T + bc).reshape(b, n, fout)
    out_feat = out_feat * zp
    x_res = (x.reshape(-1, fin) @ Wm.T + bm).reshape(b, n, fout)
    return out_feat + x_res

if __name__ == "__main__":
    import jax
    _d = setup_inputs()
    print(jax.jit(kernel)(*tuple(_d.values())))

</pallas_src>

<mosaic_0001>
#map = affine_map<(d0, d1) -> (0, 0)>
#map1 = affine_map<(d0, d1) -> (0)>
module attributes {stable_mosaic.version = 14 : i64} {
  func.func @gather_kernel(%arg0: i32, %arg1: i32, %arg2: memref<20000x128xf32, #tpu.memory_space<hbm>>, %arg3: memref<81920xi32, #tpu.memory_space<hbm>>, %arg4: memref<81920x128xf32, #tpu.memory_space<hbm>>, %arg5: memref<256xi32, #tpu.memory_space<vmem>>, %arg6: memref<256xi32, #tpu.memory_space<vmem>>, %arg7: memref<256x128xf32, #tpu.memory_space<vmem>>, %arg8: memref<256x128xf32, #tpu.memory_space<vmem>>, %arg9: memref<!tpu.dma_semaphore, #tpu.memory_space<semaphore_mem>>, %arg10: memref<!tpu.dma_semaphore, #tpu.memory_space<semaphore_mem>>) attributes {dimension_semantics = [#tpu.dimension_semantics<core_parallel>, #tpu.dimension_semantics<subcore_parallel>], iteration_bounds = array<i64: 2, 16>, scalar_prefetch = 0 : i64, scratch_operands = 6 : i64, tpu.core_type = #tpu.core_type<sc_vector_subcore>, window_params = [{transform_indices = #map}, {transform_indices = #map1}, {transform_indices = #map}]} {
    %mul3A = arith.constant 2 : i32
    %mul3A_0 = arith.muli %arg1, %mul3A : i32
    %add3A = arith.addi %mul3A_0, %arg0 : i32
    %mul3A_1 = arith.constant 2560 : i32
    %mul3A_2 = arith.muli %add3A, %mul3A_1 : i32
    %add3A_3 = arith.constant 0 : i32
    %add3A_4 = arith.addi %add3A_3, %mul3A_2 : i32
    %add3A_5 = arith.constant 0 : i32
    %add3A_6 = arith.addi %add3A_4, %add3A_5 : i32
    "tpu.region"() ({
      %run_scoped3A = tpu.sem_alloc : memref<!tpu.dma_semaphore, #tpu.memory_space<semaphore_mem>>
      %dma_start3A_13 = tpu.memref_slice %arg3[%add3A_6] : memref<81920xi32, #tpu.memory_space<hbm>> -> memref<256xi32, #tpu.memory_space<hbm>>
      %dma_start3A_14 = tpu.memref_slice %arg3[%add3A_6] : memref<81920xi32, #tpu.memory_space<hbm>> -> memref<256xi32, #tpu.memory_space<hbm>>
      tpu.enqueue_dma source(%dma_start3A_14 : memref<256xi32, #tpu.memory_space<hbm>>) target(%arg5 : memref<256xi32, #tpu.memory_space<vmem>>) target_semaphore(%run_scoped3A : memref<!tpu.dma_semaphore, #tpu.memory_space<semaphore_mem>>)
      %dma_wait3A = tpu.memref_slice %arg3[%add3A_6] : memref<81920xi32, #tpu.memory_space<hbm>> -> memref<256xi32, #tpu.memory_space<hbm>>
      %dma_wait3A_15 = tpu.memref_slice %arg3[%add3A_6] : memref<81920xi32, #tpu.memory_space<hbm>> -> memref<256xi32, #tpu.memory_space<hbm>>
      tpu.wait_dma2 semaphore(%run_scoped3A : memref<!tpu.dma_semaphore, #tpu.memory_space<semaphore_mem>>) src(%dma_wait3A_15 : memref<256xi32, #tpu.memory_space<hbm>>) dst(%arg5 : memref<256xi32, #tpu.memory_space<vmem>>)
      tpu.yield
    }) : () -> ()
    %dma_start3A = arith.constant 0 : i32
    %dma_start3A_7 = arith.constant 0 : i32
    %dma_start3A_8 = tpu.memref_slice %arg2[%dma_start3A, %dma_start3A_7] : memref<20000x128xf32, #tpu.memory_space<hbm>> -> memref<20000x128xf32, #tpu.memory_space<hbm>>
    tpu.enqueue_indirect_dma source(%dma_start3A_8 : memref<20000x128xf32, #tpu.memory_space<hbm>>) target(%arg7 : memref<256x128xf32, #tpu.memory_space<vmem>>) offsets(%arg5 : memref<256xi32, #tpu.memory_space<vmem>>) semaphore(%arg9 : memref<!tpu.dma_semaphore, #tpu.memory_space<semaphore_mem>>)
    %scan3A = arith.constant 0 : i32
    %scan3A_9 = arith.constant 5 : i32
    %scan3A_10 = arith.addi %scan3A, %scan3A_9 : i32
    %scan3A_11 = arith.constant 1 : i32
    scf.for %scan3A_13 = %scan3A to %scan3A_10 step %scan3A_11  : i32 {
      %mul3A_14 = arith.constant 1 : i32
      %mul3A_15 = arith.muli %scan3A_13, %mul3A_14 : i32
      %add3A_16 = arith.constant 0 : i32
      %add3A_17 = arith.addi %add3A_16, %mul3A_15 : i32
      %mul3A_18 = arith.constant 2 : i32
      %mul3A_19 = arith.muli %mul3A_18, %add3A_17 : i32
      %add3A_20 = arith.constant 1 : i32
      %add3A_21 = arith.addi %mul3A_19, %add3A_20 : i32
      %add3A_22 = arith.constant 0 : i32
      %add3A_23 = arith.addi %add3A_22, %mul3A_2 : i32
      %mul3A_24 = arith.constant 256 : i32
      %mul3A_25 = arith.muli %add3A_21, %mul3A_24 : i32
      %add3A_26 = arith.addi %add3A_23, %mul3A_25 : i32
      "tpu.region"() ({
        %run_scoped3A = tpu.sem_alloc : memref<!tpu.dma_semaphore, #tpu.memory_space<semaphore_mem>>
        %dma_start3A_45 = tpu.memref_slice %arg3[%add3A_26] : memref<81920xi32, #tpu.memory_space<hbm>> -> memref<256xi32, #tpu.memory_space<hbm>>
        %dma_start3A_46 = tpu.memref_slice %arg3[%add3A_26] : memref<81920xi32, #tpu.memory_space<hbm>> -> memref<256xi32, #tpu.memory_space<hbm>>
        tpu.enqueue_dma source(%dma_start3A_46 : memref<256xi32, #tpu.memory_space<hbm>>) target(%arg6 : memref<256xi32, #tpu.memory_space<vmem>>) target_semaphore(%run_scoped3A : memref<!tpu.dma_semaphore, #tpu.memory_space<semaphore_mem>>)
        %dma_wait3A_47 = tpu.memref_slice %arg3[%add3A_26] : memref<81920xi32, #tpu.memory_space<hbm>> -> memref<256xi32, #tpu.memory_space<hbm>>
        %dma_wait3A_48 = tpu.memref_slice %arg3[%add3A_26] : memref<81920xi32, #tpu.memory_space<hbm>> -> memref<256xi32, #tpu.memory_space<hbm>>
        tpu.wait_dma2 semaphore(%run_scoped3A : memref<!tpu.dma_semaphore, #tpu.memory_space<semaphore_mem>>) src(%dma_wait3A_48 : memref<256xi32, #tpu.memory_space<hbm>>) dst(%arg6 : memref<256xi32, #tpu.memory_space<vmem>>)
        tpu.yield
      }) : () -> ()
      %dma_start3A_27 = arith.constant 0 : i32
      %dma_start3A_28 = arith.constant 0 : i32
      %dma_start3A_29 = tpu.memref_slice %arg2[%dma_start3A_27, %dma_start3A_28] : memref<20000x128xf32, #tpu.memory_space<hbm>> -> memref<20000x128xf32, #tpu.memory_space<hbm>>
      tpu.enqueue_indirect_dma source(%dma_start3A_29 : memref<20000x128xf32, #tpu.memory_space<hbm>>) target(%arg8 : memref<256x128xf32, #tpu.memory_space<vmem>>) offsets(%arg6 : memref<256xi32, #tpu.memory_space<vmem>>) semaphore(%arg10 : memref<!tpu.dma_semaphore, #tpu.memory_space<semaphore_mem>>)
      %dma_wait3A = arith.constant 0 : i32
      %dma_wait3A_30 = arith.constant 0 : i32
      %dma_wait3A_31 = tpu.memref_slice %arg2[%dma_wait3A, %dma_wait3A_30] : memref<20000x128xf32, #tpu.memory_space<hbm>> -> memref<20000x128xf32, #tpu.memory_space<hbm>>
      tpu.wait_indirect_dma semaphore(%arg9 : memref<!tpu.dma_semaphore, #tpu.memory_space<semaphore_mem>>) src(%dma_wait3A_31 : memref<20000x128xf32, #tpu.memory_space<hbm>>) dst(%arg7 : memref<256x128xf32, #tpu.memory_space<vmem>>)
      %mul3A_32 = arith.constant 256 : i32
      %mul3A_33 = arith.muli %mul3A_19, %mul3A_32 : i32
      %add3A_34 = arith.addi %mul3A_2, %mul3A_33 : i32
      "tpu.region"() ({
        %run_scoped3A = tpu.sem_alloc : memref<!tpu.dma_semaphore, #tpu.memory_space<semaphore_mem>>
        %dma_start3A_45 = arith.constant 0 : i32
        %dma_start3A_46 = tpu.memref_slice %arg4[%add3A_34, %dma_start3A_45] : memref<81920x128xf32, #tpu.memory_space<hbm>> -> memref<256x128xf32, #tpu.memory_space<hbm>>
        %dma_start3A_47 = arith.constant 0 : i32
        %dma_start3A_48 = tpu.memref_slice %arg4[%add3A_34, %dma_start3A_47] : memref<81920x128xf32, #tpu.memory_space<hbm>> -> memref<256x128xf32, #tpu.memory_space<hbm>>
        tpu.enqueue_dma source(%arg7 : memref<256x128xf32, #tpu.memory_space<vmem>>) target(%dma_start3A_48 : memref<256x128xf32, #tpu.memory_space<hbm>>) target_semaphore(%run_scoped3A : memref<!tpu.dma_semaphore, #tpu.memory_space<semaphore_mem>>)
        %dma_wait3A_49 = arith.constant 0 : i32
        %dma_wait3A_50 = tpu.memref_slice %arg4[%add3A_34, %dma_wait3A_49] : memref<81920x128xf32, #tpu.memory_space<hbm>> -> memref<256x128xf32, #tpu.memory_space<hbm>>
        %dma_wait3A_51 = arith.constant 0 : i32
        %dma_wait3A_52 = tpu.memref_slice %arg4[%add3A_34, %dma_wait3A_51] : memref<81920x128xf32, #tpu.memory_space<hbm>> -> memref<256x128xf32, #tpu.memory_space<hbm>>
        tpu.wait_dma2 semaphore(%run_scoped3A : memref<!tpu.dma_semaphore, #tpu.memory_space<semaphore_mem>>) src(%arg7 : memref<256x128xf32, #tpu.memory_space<vmem>>) dst(%dma_wait3A_52 : memref<256x128xf32, #tpu.memory_space<hbm>>)
        tpu.yield
      }) : () -> ()
      %lt3A = arith.constant 4 : i32
      %lt3A_35 = arith.cmpi slt, %add3A_17, %lt3A : i32
      %convert_element_type3A = arith.extui %lt3A_35 : i1 to i32
      %cond3A = arith.constant 0 : i32
      %cond3A_36 = arith.cmpi ne, %convert_element_type3A, %cond3A : i32
      scf.if %cond3A_36 {
        %add3A_45 = arith.constant 2 : i32
        %add3A_46 = arith.addi %mul3A_19, %add3A_45 : i32
        %add3A_47 = arith.constant 0 : i32
        %add3A_48 = arith.addi %add3A_47, %mul3A_2 : i32
        %mul3A_49 = arith.constant 256 : i32
        %mul3A_50 = arith.muli %add3A_46, %mul3A_49 : i32
        %add3A_51 = arith.addi %add3A_48, %mul3A_50 : i32
        "tpu.region"() ({
          %run_scoped3A = tpu.sem_alloc : memref<!tpu.dma_semaphore, #tpu.memory_space<semaphore_mem>>
          %dma_start3A_55 = tpu.memref_slice %arg3[%add3A_51] : memref<81920xi32, #tpu.memory_space<hbm>> -> memref<256xi32, #tpu.memory_space<hbm>>
          %dma_start3A_56 = tpu.memref_slice %arg3[%add3A_51] : memref<81920xi32, #tpu.memory_space<hbm>> -> memref<256xi32, #tpu.memory_space<hbm>>
          tpu.enqueue_dma source(%dma_start3A_56 : memref<256xi32, #tpu.memory_space<hbm>>) target(%arg5 : memref<256xi32, #tpu.memory_space<vmem>>) target_semaphore(%run_scoped3A : memref<!tpu.dma_semaphore, #tpu.memory_space<semaphore_mem>>)
          %dma_wait3A_57 = tpu.memref_slice %arg3[%add3A_51] : memref<81920xi32, #tpu.memory_space<hbm>> -> memref<256xi32, #tpu.memory_space<hbm>>
          %dma_wait3A_58 = tpu.memref_slice %arg3[%add3A_51] : memref<81920xi32, #tpu.memory_space<hbm>> -> memref<256xi32, #tpu.memory_space<hbm>>
          tpu.wait_dma2 semaphore(%run_scoped3A : memref<!tpu.dma_semaphore, #tpu.memory_space<semaphore_mem>>) src(%dma_wait3A_58 : memref<256xi32, #tpu.memory_space<hbm>>) dst(%arg5 : memref<256xi32, #tpu.memory_space<vmem>>)
          tpu.yield
        }) : () -> ()
        %dma_start3A_52 = arith.constant 0 : i32
        %dma_start3A_53 = arith.constant 0 : i32
        %dma_start3A_54 = tpu.memref_slice %arg2[%dma_start3A_52, %dma_start3A_53] : memref<20000x128xf32, #tpu.memory_space<hbm>> -> memref<20000x128xf32, #tpu.memory_space<hbm>>
        tpu.enqueue_indirect_dma source(%dma_start3A_54 : memref<20000x128xf32, #tpu.memory_space<hbm>>) target(%arg7 : memref<256x128xf32, #tpu.memory_space<vmem>>) offsets(%arg5 : memref<256xi32, #tpu.memory_space<vmem>>) semaphore(%arg9 : memref<!tpu.dma_semaphore, #tpu.memory_space<semaphore_mem>>)
      } else {
      }
      %dma_wait3A_37 = arith.constant 0 : i32
      %dma_wait3A_38 = arith.constant 0 : i32
      %dma_wait3A_39 = tpu.memref_slice %arg2[%dma_wait3A_37, %dma_wait3A_38] : memref<20000x128xf32, #tpu.memory_space<hbm>> -> memref<20000x128xf32, #tpu.memory_space<hbm>>
      tpu.wait_indirect_dma semaphore(%arg10 : memref<!tpu.dma_semaphore, #tpu.memory_space<semaphore_mem>>) src(%dma_wait3A_39 : memref<20000x128xf32, #tpu.memory_space<hbm>>) dst(%arg8 : memref<256x128xf32, #tpu.memory_space<vmem>>)
      %add3A_40 = arith.constant 1 : i32
      %add3A_41 = arith.addi %mul3A_19, %add3A_40 : i32
      %mul3A_42 = arith.constant 256 : i32
      %mul3A_43 = arith.muli %add3A_41, %mul3A_42 : i32
      %add3A_44 = arith.addi %mul3A_2, %mul3A_43 : i32
      "tpu.region"() ({
        %run_scoped3A = tpu.sem_alloc : memref<!tpu.dma_semaphore, #tpu.memory_space<semaphore_mem>>
        %dma_start3A_45 = arith.constant 0 : i32
        %dma_start3A_46 = tpu.memref_slice %arg4[%add3A_44, %dma_start3A_45] : memref<81920x128xf32, #tpu.memory_space<hbm>> -> memref<256x128xf32, #tpu.memory_space<hbm>>
        %dma_start3A_47 = arith.constant 0 : i32
        %dma_start3A_48 = tpu.memref_slice %arg4[%add3A_44, %dma_start3A_47] : memref<81920x128xf32, #tpu.memory_space<hbm>> -> memref<256x128xf32, #tpu.memory_space<hbm>>
        tpu.enqueue_dma source(%arg8 : memref<256x128xf32, #tpu.memory_space<vmem>>) target(%dma_start3A_48 : memref<256x128xf32, #tpu.memory_space<hbm>>) target_semaphore(%run_scoped3A : memref<!tpu.dma_semaphore, #tpu.memory_space<semaphore_mem>>)
        %dma_wait3A_49 = arith.constant 0 : i32
        %dma_wait3A_50 = tpu.memref_slice %arg4[%add3A_44, %dma_wait3A_49] : memref<81920x128xf32, #tpu.memory_space<hbm>> -> memref<256x128xf32, #tpu.memory_space<hbm>>
        %dma_wait3A_51 = arith.constant 0 : i32
        %dma_wait3A_52 = tpu.memref_slice %arg4[%add3A_44, %dma_wait3A_51] : memref<81920x128xf32, #tpu.memory_space<hbm>> -> memref<256x128xf32, #tpu.memory_space<hbm>>
        tpu.wait_dma2 semaphore(%run_scoped3A : memref<!tpu.dma_semaphore, #tpu.memory_space<semaphore_mem>>) src(%arg8 : memref<256x128xf32, #tpu.memory_space<vmem>>) dst(%dma_wait3A_52 : memref<256x128xf32, #tpu.memory_space<hbm>>)
        tpu.yield
      }) : () -> ()
    }
    %scan3A_12 = arith.constant 5 : i32
    return
  }
}

#map = affine_map<(d0, d1) -> (0, 0)>
#map1 = affine_map<(d0, d1) -> (0)>
module attributes {stable_mosaic.version = 14 : i64} {
  func.func @gather_kernel(%arg0: i32, %arg1: i32, %arg2: memref<20000x128xf32, #tpu.memory_space<hbm>>, %arg3: memref<81920xi32, #tpu.memory_space<hbm>>, %arg4: memref<81920x128xf32, #tpu.memory_space<hbm>>, %arg5: memref<256xi32, #tpu.memory_space<vmem>>, %arg6: memref<256xi32, #tpu.memory_space<vmem>>, %arg7: memref<256x128xf32, #tpu.memory_space<vmem>>, %arg8: memref<256x128xf32, #tpu.memory_space<vmem>>, %arg9: memref<!tpu.dma_semaphore, #tpu.memory_space<semaphore_mem>>, %arg10: memref<!tpu.dma_semaphore, #tpu.memory_space<semaphore_mem>>) attributes {dimension_semantics = [#tpu.dimension_semantics<core_parallel>, #tpu.dimension_semantics<subcore_parallel>], iteration_bounds = array<i64: 2, 16>, scalar_prefetch = 0 : i64, scratch_operands = 6 : i64, tpu.core_type = #tpu.core_type<sc_vector_subcore>, window_params = [{transform_indices = #map}, {transform_indices = #map1}, {transform_indices = #map}]} {
    %mul3A = arith.constant 2 : i32
    %mul3A_0 = arith.muli %arg1, %mul3A : i32
    %add3A = arith.addi %mul3A_0, %arg0 : i32
    %mul3A_1 = arith.constant 2560 : i32
    %mul3A_2 = arith.muli %add3A, %mul3A_1 : i32
    %add3A_3 = arith.constant 0 : i32
    %add3A_4 = arith.addi %add3A_3, %mul3A_2 : i32
    %add3A_5 = arith.constant 0 : i32
    %add3A_6 = arith.addi %add3A_4, %add3A_5 : i32
    "tpu.region"() ({
      %run_scoped3A = tpu.sem_alloc : memref<!tpu.dma_semaphore, #tpu.memory_space<semaphore_mem>>
      %dma_start3A_13 = tpu.memref_slice %arg3[%add3A_6] : memref<81920xi32, #tpu.memory_space<hbm>> -> memref<256xi32, #tpu.memory_space<hbm>>
      %dma_start3A_14 = tpu.memref_slice %arg3[%add3A_6] : memref<81920xi32, #tpu.memory_space<hbm>> -> memref<256xi32, #tpu.memory_space<hbm>>
      tpu.enqueue_dma source(%dma_start3A_14 : memref<256xi32, #tpu.memory_space<hbm>>) target(%arg5 : memref<256xi32, #tpu.memory_space<vmem>>) target_semaphore(%run_scoped3A : memref<!tpu.dma_semaphore, #tpu.memory_space<semaphore_mem>>)
      %dma_wait3A = tpu.memref_slice %arg3[%add3A_6] : memref<81920xi32, #tpu.memory_space<hbm>> -> memref<256xi32, #tpu.memory_space<hbm>>
      %dma_wait3A_15 = tpu.memref_slice %arg3[%add3A_6] : memref<81920xi32, #tpu.memory_space<hbm>> -> memref<256xi32, #tpu.memory_space<hbm>>
      tpu.wait_dma2 semaphore(%run_scoped3A : memref<!tpu.dma_semaphore, #tpu.memory_space<semaphore_mem>>) src(%dma_wait3A_15 : memref<256xi32, #tpu.memory_space<hbm>>) dst(%arg5 : memref<256xi32, #tpu.memory_space<vmem>>)
      tpu.yield
    }) : () -> ()
    %dma_start3A = arith.constant 0 : i32
    %dma_start3A_7 = arith.constant 0 : i32
    %dma_start3A_8 = tpu.memref_slice %arg2[%dma_start3A, %dma_start3A_7] : memref<20000x128xf32, #tpu.memory_space<hbm>> -> memref<20000x128xf32, #tpu.memory_space<hbm>>
    tpu.enqueue_indirect_dma source(%dma_start3A_8 : memref<20000x128xf32, #tpu.memory_space<hbm>>) target(%arg7 : memref<256x128xf32, #tpu.memory_space<vmem>>) offsets(%arg5 : memref<256xi32, #tpu.memory_space<vmem>>) semaphore(%arg9 : memref<!tpu.dma_semaphore, #tpu.memory_space<semaphore_mem>>)
    %scan3A = arith.constant 0 : i32
    %scan3A_9 = arith.constant 5 : i32
    %scan3A_10 = arith.addi %scan3A, %scan3A_9 : i32
    %scan3A_11 = arith.constant 1 : i32
    scf.for %scan3A_13 = %scan3A to %scan3A_10 step %scan3A_11  : i32 {
      %mul3A_14 = arith.constant 1 : i32
      %mul3A_15 = arith.muli %scan3A_13, %mul3A_14 : i32
      %add3A_16 = arith.constant 0 : i32
      %add3A_17 = arith.addi %add3A_16, %mul3A_15 : i32
      %mul3A_18 = arith.constant 2 : i32
      %mul3A_19 = arith.muli %mul3A_18, %add3A_17 : i32
      %add3A_20 = arith.constant 1 : i32
      %add3A_21 = arith.addi %mul3A_19, %add3A_20 : i32
      %add3A_22 = arith.constant 0 : i32
      %add3A_23 = arith.addi %add3A_22, %mul3A_2 : i32
      %mul3A_24 = arith.constant 256 : i32
      %mul3A_25 = arith.muli %add3A_21, %mul3A_24 : i32
      %add3A_26 = arith.addi %add3A_23, %mul3A_25 : i32
      "tpu.region"() ({
        %run_scoped3A = tpu.sem_alloc : memref<!tpu.dma_semaphore, #tpu.memory_space<semaphore_mem>>
        %dma_start3A_45 = tpu.memref_slice %arg3[%add3A_26] : memref<81920xi32, #tpu.memory_space<hbm>> -> memref<256xi32, #tpu.memory_space<hbm>>
        %dma_start3A_46 = tpu.memref_slice %arg3[%add3A_26] : memref<81920xi32, #tpu.memory_space<hbm>> -> memref<256xi32, #tpu.memory_space<hbm>>
        tpu.enqueue_dma source(%dma_start3A_46 : memref<256xi32, #tpu.memory_space<hbm>>) target(%arg6 : memref<256xi32, #tpu.memory_space<vmem>>) target_semaphore(%run_scoped3A : memref<!tpu.dma_semaphore, #tpu.memory_space<semaphore_mem>>)
        %dma_wait3A_47 = tpu.memref_slice %arg3[%add3A_26] : memref<81920xi32, #tpu.memory_space<hbm>> -> memref<256xi32, #tpu.memory_space<hbm>>
        %dma_wait3A_48 = tpu.memref_slice %arg3[%add3A_26] : memref<81920xi32, #tpu.memory_space<hbm>> -> memref<256xi32, #tpu.memory_space<hbm>>
        tpu.wait_dma2 semaphore(%run_scoped3A : memref<!tpu.dma_semaphore, #tpu.memory_space<semaphore_mem>>) src(%dma_wait3A_48 : memref<256xi32, #tpu.memory_space<hbm>>) dst(%arg6 : memref<256xi32, #tpu.memory_space<vmem>>)
        tpu.yield
      }) : () -> ()
      %dma_start3A_27 = arith.constant 0 : i32
      %dma_start3A_28 = arith.constant 0 : i32
      %dma_start3A_29 = tpu.memref_slice %arg2[%dma_start3A_27, %dma_start3A_28] : memref<20000x128xf32, #tpu.memory_space<hbm>> -> memref<20000x128xf32, #tpu.memory_space<hbm>>
      tpu.enqueue_indirect_dma source(%dma_start3A_29 : memref<20000x128xf32, #tpu.memory_space<hbm>>) target(%arg8 : memref<256x128xf32, #tpu.memory_space<vmem>>) offsets(%arg6 : memref<256xi32, #tpu.memory_space<vmem>>) semaphore(%arg10 : memref<!tpu.dma_semaphore, #tpu.memory_space<semaphore_mem>>)
      %dma_wait3A = arith.constant 0 : i32
      %dma_wait3A_30 = arith.constant 0 : i32
      %dma_wait3A_31 = tpu.memref_slice %arg2[%dma_wait3A, %dma_wait3A_30] : memref<20000x128xf32, #tpu.memory_space<hbm>> -> memref<20000x128xf32, #tpu.memory_space<hbm>>
      tpu.wait_indirect_dma semaphore(%arg9 : memref<!tpu.dma_semaphore, #tpu.memory_space<semaphore_mem>>) src(%dma_wait3A_31 : memref<20000x128xf32, #tpu.memory_space<hbm>>) dst(%arg7 : memref<256x128xf32, #tpu.memory_space<vmem>>)
      %mul3A_32 = arith.constant 256 : i32
      %mul3A_33 = arith.muli %mul3A_19, %mul3A_32 : i32
      %add3A_34 = arith.addi %mul3A_2, %mul3A_33 : i32
      "tpu.region"() ({
        %run_scoped3A = tpu.sem_alloc : memref<!tpu.dma_semaphore, #tpu.memory_space<semaphore_mem>>
        %dma_start3A_45 = arith.constant 0 : i32
        %dma_start3A_46 = tpu.memref_slice %arg4[%add3A_34, %dma_start3A_45] : memref<81920x128xf32, #tpu.memory_space<hbm>> -> memref<256x128xf32, #tpu.memory_space<hbm>>
        %dma_start3A_47 = arith.constant 0 : i32
        %dma_start3A_48 = tpu.memref_slice %arg4[%add3A_34, %dma_start3A_47] : memref<81920x128xf32, #tpu.memory_space<hbm>> -> memref<256x128xf32, #tpu.memory_space<hbm>>
        tpu.enqueue_dma source(%arg7 : memref<256x128xf32, #tpu.memory_space<vmem>>) target(%dma_start3A_48 : memref<256x128xf32, #tpu.memory_space<hbm>>) target_semaphore(%run_scoped3A : memref<!tpu.dma_semaphore, #tpu.memory_space<semaphore_mem>>)
        %dma_wait3A_49 = arith.constant 0 : i32
        %dma_wait3A_50 = tpu.memref_slice %arg4[%add3A_34, %dma_wait3A_49] : memref<81920x128xf32, #tpu.memory_space<hbm>> -> memref<256x128xf32, #tpu.memory_space<hbm>>
        %dma_wait3A_51 = arith.constant 0 : i32
        %dma_wait3A_52 = tpu.memref_slice %arg4[%add3A_34, %dma_wait3A_51] : memref<81920x128xf32, #tpu.memory_space<hbm>> -> memref<256x128xf32, #tpu.memory_space<hbm>>
        tpu.wait_dma2 semaphore(%run_scoped3A : memref<!tpu.dma_semaphore, #tpu.memory_space<semaphore_mem>>) src(%arg7 : memref<256x128xf32, #tpu.memory_space<vmem>>) dst(%dma_wait3A_52 : memref<256x128xf32, #tpu.memory_space<hbm>>)
        tpu.yield
      }) : () -> ()
      %lt3A = arith.constant 4 : i32
      %lt3A_35 = arith.cmpi slt, %add3A_17, %lt3A : i32
      %convert_element_type3A = arith.extui %lt3A_35 : i1 to i32
      %cond3A = arith.constant 0 : i32
      %cond3A_36 = arith.cmpi ne, %convert_element_type3A, %cond3A : i32
      scf.if %cond3A_36 {
        %add3A_45 = arith.constant 2 : i32
        %add3A_46 = arith.addi %mul3A_19, %add3A_45 : i32
        %add3A_47 = arith.constant 0 : i32
        %add3A_48 = arith.addi %add3A_47, %mul3A_2 : i32
        %mul3A_49 = arith.constant 256 : i32
        %mul3A_50 = arith.muli %add3A_46, %mul3A_49 : i32
        %add3A_51 = arith.addi %add3A_48, %mul3A_50 : i32
        "tpu.region"() ({
          %run_scoped3A = tpu.sem_alloc : memref<!tpu.dma_semaphore, #tpu.memory_space<semaphore_mem>>
          %dma_start3A_55 = tpu.memref_slice %arg3[%add3A_51] : memref<81920xi32, #tpu.memory_space<hbm>> -> memref<256xi32, #tpu.memory_space<hbm>>
          %dma_start3A_56 = tpu.memref_slice %arg3[%add3A_51] : memref<81920xi32, #tpu.memory_space<hbm>> -> memref<256xi32, #tpu.memory_space<hbm>>
          tpu.enqueue_dma source(%dma_start3A_56 : memref<256xi32, #tpu.memory_space<hbm>>) target(%arg5 : memref<256xi32, #tpu.memory_space<vmem>>) target_semaphore(%run_scoped3A : memref<!tpu.dma_semaphore, #tpu.memory_space<semaphore_mem>>)
          %dma_wait3A_57 = tpu.memref_slice %arg3[%add3A_51] : memref<81920xi32, #tpu.memory_space<hbm>> -> memref<256xi32, #tpu.memory_space<hbm>>
          %dma_wait3A_58 = tpu.memref_slice %arg3[%add3A_51] : memref<81920xi32, #tpu.memory_space<hbm>> -> memref<256xi32, #tpu.memory_space<hbm>>
          tpu.wait_dma2 semaphore(%run_scoped3A : memref<!tpu.dma_semaphore, #tpu.memory_space<semaphore_mem>>) src(%dma_wait3A_58 : memref<256xi32, #tpu.memory_space<hbm>>) dst(%arg5 : memref<256xi32, #tpu.memory_space<vmem>>)
          tpu.yield
        }) : () -> ()
        %dma_start3A_52 = arith.constant 0 : i32
        %dma_start3A_53 = arith.constant 0 : i32
        %dma_start3A_54 = tpu.memref_slice %arg2[%dma_start3A_52, %dma_start3A_53] : memref<20000x128xf32, #tpu.memory_space<hbm>> -> memref<20000x128xf32, #tpu.memory_space<hbm>>
        tpu.enqueue_indirect_dma source(%dma_start3A_54 : memref<20000x128xf32, #tpu.memory_space<hbm>>) target(%arg7 : memref<256x128xf32, #tpu.memory_space<vmem>>) offsets(%arg5 : memref<256xi32, #tpu.memory_space<vmem>>) semaphore(%arg9 : memref<!tpu.dma_semaphore, #tpu.memory_space<semaphore_mem>>)
      } else {
      }
      %dma_wait3A_37 = arith.constant 0 : i32
      %dma_wait3A_38 = arith.constant 0 : i32
      %dma_wait3A_39 = tpu.memref_slice %arg2[%dma_wait3A_37, %dma_wait3A_38] : memref<20000x128xf32, #tpu.memory_space<hbm>> -> memref<20000x128xf32, #tpu.memory_space<hbm>>
      tpu.wait_indirect_dma semaphore(%arg10 : memref<!tpu.dma_semaphore, #tpu.memory_space<semaphore_mem>>) src(%dma_wait3A_39 : memref<20000x128xf32, #tpu.memory_space<hbm>>) dst(%arg8 : memref<256x128xf32, #tpu.memory_space<vmem>>)
      %add3A_40 = arith.constant 1 : i32
      %add3A_41 = arith.addi %mul3A_19, %add3A_40 : i32
      %mul3A_42 = arith.constant 256 : i32
      %mul3A_43 = arith.muli %add3A_41, %mul3A_42 : i32
      %add3A_44 = arith.addi %mul3A_2, %mul3A_43 : i32
      "tpu.region"() ({
        %run_scoped3A = tpu.sem_alloc : memref<!tpu.dma_semaphore, #tpu.memory_space<semaphore_mem>>
        %dma_start3A_45 = arith.constant 0 : i32
        %dma_start3A_46 = tpu.memref_slice %arg4[%add3A_44, %dma_start3A_45] : memref<81920x128xf32, #tpu.memory_space<hbm>> -> memref<256x128xf32, #tpu.memory_space<hbm>>
        %dma_start3A_47 = arith.constant 0 : i32
        %dma_start3A_48 = tpu.memref_slice %arg4[%add3A_44, %dma_start3A_47] : memref<81920x128xf32, #tpu.memory_space<hbm>> -> memref<256x128xf32, #tpu.memory_space<hbm>>
        tpu.enqueue_dma source(%arg8 : memref<256x128xf32, #tpu.memory_space<vmem>>) target(%dma_start3A_48 : memref<256x128xf32, #tpu.memory_space<hbm>>) target_semaphore(%run_scoped3A : memref<!tpu.dma_semaphore, #tpu.memory_space<semaphore_mem>>)
        %dma_wait3A_49 = arith.constant 0 : i32
        %dma_wait3A_50 = tpu.memref_slice %arg4[%add3A_44, %dma_wait3A_49] : memref<81920x128xf32, #tpu.memory_space<hbm>> -> memref<256x128xf32, #tpu.memory_space<hbm>>
        %dma_wait3A_51 = arith.constant 0 : i32
        %dma_wait3A_52 = tpu.memref_slice %arg4[%add3A_44, %dma_wait3A_51] : memref<81920x128xf32, #tpu.memory_space<hbm>> -> memref<256x128xf32, #tpu.memory_space<hbm>>
        tpu.wait_dma2 semaphore(%run_scoped3A : memref<!tpu.dma_semaphore, #tpu.memory_space<semaphore_mem>>) src(%arg8 : memref<256x128xf32, #tpu.memory_space<vmem>>) dst(%dma_wait3A_52 : memref<256x128xf32, #tpu.memory_space<hbm>>)
        tpu.yield
      }) : () -> ()
    }
    %scan3A_12 = arith.constant 5 : i32
    return
  }
}

#map = affine_map<(d0, d1) -> (0, 0)>
#map1 = affine_map<(d0, d1) -> (0)>
module attributes {stable_mosaic.version = 14 : i64} {
  func.func @gather_kernel(%arg0: i32, %arg1: i32, %arg2: memref<20000x128xf32, #tpu.memory_space<hbm>>, %arg3: memref<81920xi32, #tpu.memory_space<hbm>>, %arg4: memref<81920x128xf32, #tpu.memory_space<hbm>>, %arg5: memref<256xi32, #tpu.memory_space<vmem>>, %arg6: memref<256xi32, #tpu.memory_space<vmem>>, %arg7: memref<256x128xf32, #tpu.memory_space<vmem>>, %arg8: memref<256x128xf32, #tpu.memory_space<vmem>>, %arg9: memref<!tpu.dma_semaphore, #tpu.memory_space<semaphore_mem>>, %arg10: memref<!tpu.dma_semaphore, #tpu.memory_space<semaphore_mem>>) attributes {dimension_semantics = [#tpu.dimension_semantics<core_parallel>, #tpu.dimension_semantics<subcore_parallel>], iteration_bounds = array<i64: 2, 16>, scalar_prefetch = 0 : i64, scratch_operands = 6 : i64, tpu.core_type = #tpu.core_type<sc_vector_subcore>, window_params = [{transform_indices = #map}, {transform_indices = #map1}, {transform_indices = #map}]} {
    %mul3A = arith.constant 2 : i32
    %mul3A_0 = arith.muli %arg1, %mul3A : i32
    %add3A = arith.addi %mul3A_0, %arg0 : i32
    %mul3A_1 = arith.constant 2560 : i32
    %mul3A_2 = arith.muli %add3A, %mul3A_1 : i32
    %add3A_3 = arith.constant 0 : i32
    %add3A_4 = arith.addi %add3A_3, %mul3A_2 : i32
    %add3A_5 = arith.constant 0 : i32
    %add3A_6 = arith.addi %add3A_4, %add3A_5 : i32
    "tpu.region"() ({
      %run_scoped3A = tpu.sem_alloc : memref<!tpu.dma_semaphore, #tpu.memory_space<semaphore_mem>>
      %dma_start3A_13 = tpu.memref_slice %arg3[%add3A_6] : memref<81920xi32, #tpu.memory_space<hbm>> -> memref<256xi32, #tpu.memory_space<hbm>>
      %dma_start3A_14 = tpu.memref_slice %arg3[%add3A_6] : memref<81920xi32, #tpu.memory_space<hbm>> -> memref<256xi32, #tpu.memory_space<hbm>>
      tpu.enqueue_dma source(%dma_start3A_14 : memref<256xi32, #tpu.memory_space<hbm>>) target(%arg5 : memref<256xi32, #tpu.memory_space<vmem>>) target_semaphore(%run_scoped3A : memref<!tpu.dma_semaphore, #tpu.memory_space<semaphore_mem>>)
      %dma_wait3A = tpu.memref_slice %arg3[%add3A_6] : memref<81920xi32, #tpu.memory_space<hbm>> -> memref<256xi32, #tpu.memory_space<hbm>>
      %dma_wait3A_15 = tpu.memref_slice %arg3[%add3A_6] : memref<81920xi32, #tpu.memory_space<hbm>> -> memref<256xi32, #tpu.memory_space<hbm>>
      tpu.wait_dma2 semaphore(%run_scoped3A : memref<!tpu.dma_semaphore, #tpu.memory_space<semaphore_mem>>) src(%dma_wait3A_15 : memref<256xi32, #tpu.memory_space<hbm>>) dst(%arg5 : memref<256xi32, #tpu.memory_space<vmem>>)
      tpu.yield
    }) : () -> ()
    %dma_start3A = arith.constant 0 : i32
    %dma_start3A_7 = arith.constant 0 : i32
    %dma_start3A_8 = tpu.memref_slice %arg2[%dma_start3A, %dma_start3A_7] : memref<20000x128xf32, #tpu.memory_space<hbm>> -> memref<20000x128xf32, #tpu.memory_space<hbm>>
    tpu.enqueue_indirect_dma source(%dma_start3A_8 : memref<20000x128xf32, #tpu.memory_space<hbm>>) target(%arg7 : memref<256x128xf32, #tpu.memory_space<vmem>>) offsets(%arg5 : memref<256xi32, #tpu.memory_space<vmem>>) semaphore(%arg9 : memref<!tpu.dma_semaphore, #tpu.memory_space<semaphore_mem>>)
    %scan3A = arith.constant 0 : i32
    %scan3A_9 = arith.constant 5 : i32
    %scan3A_10 = arith.addi %scan3A, %scan3A_9 : i32
    %scan3A_11 = arith.constant 1 : i32
    scf.for %scan3A_13 = %scan3A to %scan3A_10 step %scan3A_11  : i32 {
      %mul3A_14 = arith.constant 1 : i32
      %mul3A_15 = arith.muli %scan3A_13, %mul3A_14 : i32
      %add3A_16 = arith.constant 0 : i32
      %add3A_17 = arith.addi %add3A_16, %mul3A_15 : i32
      %mul3A_18 = arith.constant 2 : i32
      %mul3A_19 = arith.muli %mul3A_18, %add3A_17 : i32
      %add3A_20 = arith.constant 1 : i32
      %add3A_21 = arith.addi %mul3A_19, %add3A_20 : i32
      %add3A_22 = arith.constant 0 : i32
      %add3A_23 = arith.addi %add3A_22, %mul3A_2 : i32
      %mul3A_24 = arith.constant 256 : i32
      %mul3A_25 = arith.muli %add3A_21, %mul3A_24 : i32
      %add3A_26 = arith.addi %add3A_23, %mul3A_25 : i32
      "tpu.region"() ({
        %run_scoped3A = tpu.sem_alloc : memref<!tpu.dma_semaphore, #tpu.memory_space<semaphore_mem>>
        %dma_start3A_45 = tpu.memref_slice %arg3[%add3A_26] : memref<81920xi32, #tpu.memory_space<hbm>> -> memref<256xi32, #tpu.memory_space<hbm>>
        %dma_start3A_46 = tpu.memref_slice %arg3[%add3A_26] : memref<81920xi32, #tpu.memory_space<hbm>> -> memref<256xi32, #tpu.memory_space<hbm>>
        tpu.enqueue_dma source(%dma_start3A_46 : memref<256xi32, #tpu.memory_space<hbm>>) target(%arg6 : memref<256xi32, #tpu.memory_space<vmem>>) target_semaphore(%run_scoped3A : memref<!tpu.dma_semaphore, #tpu.memory_space<semaphore_mem>>)
        %dma_wait3A_47 = tpu.memref_slice %arg3[%add3A_26] : memref<81920xi32, #tpu.memory_space<hbm>> -> memref<256xi32, #tpu.memory_space<hbm>>
        %dma_wait3A_48 = tpu.memref_slice %arg3[%add3A_26] : memref<81920xi32, #tpu.memory_space<hbm>> -> memref<256xi32, #tpu.memory_space<hbm>>
        tpu.wait_dma2 semaphore(%run_scoped3A : memref<!tpu.dma_semaphore, #tpu.memory_space<semaphore_mem>>) src(%dma_wait3A_48 : memref<256xi32, #tpu.memory_space<hbm>>) dst(%arg6 : memref<256xi32, #tpu.memory_space<vmem>>)
        tpu.yield
      }) : () -> ()
      %dma_start3A_27 = arith.constant 0 : i32
      %dma_start3A_28 = arith.constant 0 : i32
      %dma_start3A_29 = tpu.memref_slice %arg2[%dma_start3A_27, %dma_start3A_28] : memref<20000x128xf32, #tpu.memory_space<hbm>> -> memref<20000x128xf32, #tpu.memory_space<hbm>>
      tpu.enqueue_indirect_dma source(%dma_start3A_29 : memref<20000x128xf32, #tpu.memory_space<hbm>>) target(%arg8 : memref<256x128xf32, #tpu.memory_space<vmem>>) offsets(%arg6 : memref<256xi32, #tpu.memory_space<vmem>>) semaphore(%arg10 : memref<!tpu.dma_semaphore, #tpu.memory_space<semaphore_mem>>)
      %dma_wait3A = arith.constant 0 : i32
      %dma_wait3A_30 = arith.constant 0 : i32
      %dma_wait3A_31 = tpu.memref_slice %arg2[%dma_wait3A, %dma_wait3A_30] : memref<20000x128xf32, #tpu.memory_space<hbm>> -> memref<20000x128xf32, #tpu.memory_space<hbm>>
      tpu.wait_indirect_dma semaphore(%arg9 : memref<!tpu.dma_semaphore, #tpu.memory_space<semaphore_mem>>) src(%dma_wait3A_31 : memref<20000x128xf32, #tpu.memory_space<hbm>>) dst(%arg7 : memref<256x128xf32, #tpu.memory_space<vmem>>)
      %mul3A_32 = arith.constant 256 : i32
      %mul3A_33 = arith.muli %mul3A_19, %mul3A_32 : i32
      %add3A_34 = arith.addi %mul3A_2, %mul3A_33 : i32
      "tpu.region"() ({
        %run_scoped3A = tpu.sem_alloc : memref<!tpu.dma_semaphore, #tpu.memory_space<semaphore_mem>>
        %dma_start3A_45 = arith.constant 0 : i32
        %dma_start3A_46 = tpu.memref_slice %arg4[%add3A_34, %dma_start3A_45] : memref<81920x128xf32, #tpu.memory_space<hbm>> -> memref<256x128xf32, #tpu.memory_space<hbm>>
        %dma_start3A_47 = arith.constant 0 : i32
        %dma_start3A_48 = tpu.memref_slice %arg4[%add3A_34, %dma_start3A_47] : memref<81920x128xf32, #tpu.memory_space<hbm>> -> memref<256x128xf32, #tpu.memory_space<hbm>>
        tpu.enqueue_dma source(%arg7 : memref<256x128xf32, #tpu.memory_space<vmem>>) target(%dma_start3A_48 : memref<256x128xf32, #tpu.memory_space<hbm>>) target_semaphore(%run_scoped3A : memref<!tpu.dma_semaphore, #tpu.memory_space<semaphore_mem>>)
        %dma_wait3A_49 = arith.constant 0 : i32
        %dma_wait3A_50 = tpu.memref_slice %arg4[%add3A_34, %dma_wait3A_49] : memref<81920x128xf32, #tpu.memory_space<hbm>> -> memref<256x128xf32, #tpu.memory_space<hbm>>
        %dma_wait3A_51 = arith.constant 0 : i32
        %dma_wait3A_52 = tpu.memref_slice %arg4[%add3A_34, %dma_wait3A_51] : memref<81920x128xf32, #tpu.memory_space<hbm>> -> memref<256x128xf32, #tpu.memory_space<hbm>>
        tpu.wait_dma2 semaphore(%run_scoped3A : memref<!tpu.dma_semaphore, #tpu.memory_space<semaphore_mem>>) src(%arg7 : memref<256x128xf32, #tpu.memory_space<vmem>>) dst(%dma_wait3A_52 : memref<256x128xf32, #tpu.memory_space<hbm>>)
        tpu.yield
      }) : () -> ()
      %lt3A = arith.constant 4 : i32
      %lt3A_35 = arith.cmpi slt, %add3A_17, %lt3A : i32
      %convert_element_type3A = arith.extui %lt3A_35 : i1 to i32
      %cond3A = arith.constant 0 : i32
      %cond3A_36 = arith.cmpi ne, %convert_element_type3A, %cond3A : i32
      scf.if %cond3A_36 {
        %add3A_45 = arith.constant 2 : i32
        %add3A_46 = arith.addi %mul3A_19, %add3A_45 : i32
        %add3A_47 = arith.constant 0 : i32
        %add3A_48 = arith.addi %add3A_47, %mul3A_2 : i32
        %mul3A_49 = arith.constant 256 : i32
        %mul3A_50 = arith.muli %add3A_46, %mul3A_49 : i32
        %add3A_51 = arith.addi %add3A_48, %mul3A_50 : i32
        "tpu.region"() ({
          %run_scoped3A = tpu.sem_alloc : memref<!tpu.dma_semaphore, #tpu.memory_space<semaphore_mem>>
          %dma_start3A_55 = tpu.memref_slice %arg3[%add3A_51] : memref<81920xi32, #tpu.memory_space<hbm>> -> memref<256xi32, #tpu.memory_space<hbm>>
          %dma_start3A_56 = tpu.memref_slice %arg3[%add3A_51] : memref<81920xi32, #tpu.memory_space<hbm>> -> memref<256xi32, #tpu.memory_space<hbm>>
          tpu.enqueue_dma source(%dma_start3A_56 : memref<256xi32, #tpu.memory_space<hbm>>) target(%arg5 : memref<256xi32, #tpu.memory_space<vmem>>) target_semaphore(%run_scoped3A : memref<!tpu.dma_semaphore, #tpu.memory_space<semaphore_mem>>)
          %dma_wait3A_57 = tpu.memref_slice %arg3[%add3A_51] : memref<81920xi32, #tpu.memory_space<hbm>> -> memref<256xi32, #tpu.memory_space<hbm>>
          %dma_wait3A_58 = tpu.memref_slice %arg3[%add3A_51] : memref<81920xi32, #tpu.memory_space<hbm>> -> memref<256xi32, #tpu.memory_space<hbm>>
          tpu.wait_dma2 semaphore(%run_scoped3A : memref<!tpu.dma_semaphore, #tpu.memory_space<semaphore_mem>>) src(%dma_wait3A_58 : memref<256xi32, #tpu.memory_space<hbm>>) dst(%arg5 : memref<256xi32, #tpu.memory_space<vmem>>)
          tpu.yield
        }) : () -> ()
        %dma_start3A_52 = arith.constant 0 : i32
        %dma_start3A_53 = arith.constant 0 : i32
        %dma_start3A_54 = tpu.memref_slice %arg2[%dma_start3A_52, %dma_start3A_53] : memref<20000x128xf32, #tpu.memory_space<hbm>> -> memref<20000x128xf32, #tpu.memory_space<hbm>>
        tpu.enqueue_indirect_dma source(%dma_start3A_54 : memref<20000x128xf32, #tpu.memory_space<hbm>>) target(%arg7 : memref<256x128xf32, #tpu.memory_space<vmem>>) offsets(%arg5 : memref<256xi32, #tpu.memory_space<vmem>>) semaphore(%arg9 : memref<!tpu.dma_semaphore, #tpu.memory_space<semaphore_mem>>)
      } else {
      }
      %dma_wait3A_37 = arith.constant 0 : i32
      %dma_wait3A_38 = arith.constant 0 : i32
      %dma_wait3A_39 = tpu.memref_slice %arg2[%dma_wait3A_37, %dma_wait3A_38] : memref<20000x128xf32, #tpu.memory_space<hbm>> -> memref<20000x128xf32, #tpu.memory_space<hbm>>
      tpu.wait_indirect_dma semaphore(%arg10 : memref<!tpu.dma_semaphore, #tpu.memory_space<semaphore_mem>>) src(%dma_wait3A_39 : memref<20000x128xf32, #tpu.memory_space<hbm>>) dst(%arg8 : memref<256x128xf32, #tpu.memory_space<vmem>>)
      %add3A_40 = arith.constant 1 : i32
      %add3A_41 = arith.addi %mul3A_19, %add3A_40 : i32
      %mul3A_42 = arith.constant 256 : i32
      %mul3A_43 = arith.muli %add3A_41, %mul3A_42 : i32
      %add3A_44 = arith.addi %mul3A_2, %mul3A_43 : i32
      "tpu.region"() ({
        %run_scoped3A = tpu.sem_alloc : memref<!tpu.dma_semaphore, #tpu.memory_space<semaphore_mem>>
        %dma_start3A_45 = arith.constant 0 : i32
        %dma_start3A_46 = tpu.memref_slice %arg4[%add3A_44, %dma_start3A_45] : memref<81920x128xf32, #tpu.memory_space<hbm>> -> memref<256x128xf32, #tpu.memory_space<hbm>>
        %dma_start3A_47 = arith.constant 0 : i32
        %dma_start3A_48 = tpu.memref_slice %arg4[%add3A_44, %dma_start3A_47] : memref<81920x128xf32, #tpu.memory_space<hbm>> -> memref<256x128xf32, #tpu.memory_space<hbm>>
        tpu.enqueue_dma source(%arg8 : memref<256x128xf32, #tpu.memory_space<vmem>>) target(%dma_start3A_48 : memref<256x128xf32, #tpu.memory_space<hbm>>) target_semaphore(%run_scoped3A : memref<!tpu.dma_semaphore, #tpu.memory_space<semaphore_mem>>)
        %dma_wait3A_49 = arith.constant 0 : i32
        %dma_wait3A_50 = tpu.memref_slice %arg4[%add3A_44, %dma_wait3A_49] : memref<81920x128xf32, #tpu.memory_space<hbm>> -> memref<256x128xf32, #tpu.memory_space<hbm>>
        %dma_wait3A_51 = arith.constant 0 : i32
        %dma_wait3A_52 = tpu.memref_slice %arg4[%add3A_44, %dma_wait3A_51] : memref<81920x128xf32, #tpu.memory_space<hbm>> -> memref<256x128xf32, #tpu.memory_space<hbm>>
        tpu.wait_dma2 semaphore(%run_scoped3A : memref<!tpu.dma_semaphore, #tpu.memory_space<semaphore_mem>>) src(%arg8 : memref<256x128xf32, #tpu.memory_space<vmem>>) dst(%dma_wait3A_52 : memref<256x128xf32, #tpu.memory_space<hbm>>)
        tpu.yield
      }) : () -> ()
    }
    %scan3A_12 = arith.constant 5 : i32
    return
  }
}

#map = affine_map<(d0, d1) -> (0, 0)>
#map1 = affine_map<(d0, d1) -> (0)>
module attributes {stable_mosaic.version = 14 : i64} {
  func.func @gather_kernel(%arg0: i32, %arg1: i32, %arg2: memref<20000x128xf32, #tpu.memory_space<hbm>>, %arg3: memref<81920xi32, #tpu.memory_space<hbm>>, %arg4: memref<81920x128xf32, #tpu.memory_space<hbm>>, %arg5: memref<256xi32, #tpu.memory_space<vmem>>, %arg6: memref<256xi32, #tpu.memory_space<vmem>>, %arg7: memref<256x128xf32, #tpu.memory_space<vmem>>, %arg8: memref<256x128xf32, #tpu.memory_space<vmem>>, %arg9: memref<!tpu.dma_semaphore, #tpu.memory_space<semaphore_mem>>, %arg10: memref<!tpu.dma_semaphore, #tpu.memory_space<semaphore_mem>>) attributes {dimension_semantics = [#tpu.dimension_semantics<core_parallel>, #tpu.dimension_semantics<subcore_parallel>], iteration_bounds = array<i64: 2, 16>, scalar_prefetch = 0 : i64, scratch_operands = 6 : i64, tpu.core_type = #tpu.core_type<sc_vector_subcore>, window_params = [{transform_indices = #map}, {transform_indices = #map1}, {transform_indices = #map}]} {
    %mul3A = arith.constant 2 : i32
    %mul3A_0 = arith.muli %arg1, %mul3A : i32
    %add3A = arith.addi %mul3A_0, %arg0 : i32
    %mul3A_1 = arith.constant 2560 : i32
    %mul3A_2 = arith.muli %add3A, %mul3A_1 : i32
    %add3A_3 = arith.constant 0 : i32
    %add3A_4 = arith.addi %add3A_3, %mul3A_2 : i32
    %add3A_5 = arith.constant 0 : i32
    %add3A_6 = arith.addi %add3A_4, %add3A_5 : i32
    "tpu.region"() ({
      %run_scoped3A = tpu.sem_alloc : memref<!tpu.dma_semaphore, #tpu.memory_space<semaphore_mem>>
      %dma_start3A_13 = tpu.memref_slice %arg3[%add3A_6] : memref<81920xi32, #tpu.memory_space<hbm>> -> memref<256xi32, #tpu.memory_space<hbm>>
      %dma_start3A_14 = tpu.memref_slice %arg3[%add3A_6] : memref<81920xi32, #tpu.memory_space<hbm>> -> memref<256xi32, #tpu.memory_space<hbm>>
      tpu.enqueue_dma source(%dma_start3A_14 : memref<256xi32, #tpu.memory_space<hbm>>) target(%arg5 : memref<256xi32, #tpu.memory_space<vmem>>) target_semaphore(%run_scoped3A : memref<!tpu.dma_semaphore, #tpu.memory_space<semaphore_mem>>)
      %dma_wait3A = tpu.memref_slice %arg3[%add3A_6] : memref<81920xi32, #tpu.memory_space<hbm>> -> memref<256xi32, #tpu.memory_space<hbm>>
      %dma_wait3A_15 = tpu.memref_slice %arg3[%add3A_6] : memref<81920xi32, #tpu.memory_space<hbm>> -> memref<256xi32, #tpu.memory_space<hbm>>
      tpu.wait_dma2 semaphore(%run_scoped3A : memref<!tpu.dma_semaphore, #tpu.memory_space<semaphore_mem>>) src(%dma_wait3A_15 : memref<256xi32, #tpu.memory_space<hbm>>) dst(%arg5 : memref<256xi32, #tpu.memory_space<vmem>>)
      tpu.yield
    }) : () -> ()
    %dma_start3A = arith.constant 0 : i32
    %dma_start3A_7 = arith.constant 0 : i32
    %dma_start3A_8 = tpu.memref_slice %arg2[%dma_start3A, %dma_start3A_7] : memref<20000x128xf32, #tpu.memory_space<hbm>> -> memref<20000x128xf32, #tpu.memory_space<hbm>>
    tpu.enqueue_indirect_dma source(%dma_start3A_8 : memref<20000x128xf32, #tpu.memory_space<hbm>>) target(%arg7 : memref<256x128xf32, #tpu.memory_space<vmem>>) offsets(%arg5 : memref<256xi32, #tpu.memory_space<vmem>>) semaphore(%arg9 : memref<!tpu.dma_semaphore, #tpu.memory_space<semaphore_mem>>)
    %scan3A = arith.constant 0 : i32
    %scan3A_9 = arith.constant 5 : i32
    %scan3A_10 = arith.addi %scan3A, %scan3A_9 : i32
    %scan3A_11 = arith.constant 1 : i32
    scf.for %scan3A_13 = %scan3A to %scan3A_10 step %scan3A_11  : i32 {
      %mul3A_14 = arith.constant 1 : i32
      %mul3A_15 = arith.muli %scan3A_13, %mul3A_14 : i32
      %add3A_16 = arith.constant 0 : i32
      %add3A_17 = arith.addi %add3A_16, %mul3A_15 : i32
      %mul3A_18 = arith.constant 2 : i32
      %mul3A_19 = arith.muli %mul3A_18, %add3A_17 : i32
      %add3A_20 = arith.constant 1 : i32
      %add3A_21 = arith.addi %mul3A_19, %add3A_20 : i32
      %add3A_22 = arith.constant 0 : i32
      %add3A_23 = arith.addi %add3A_22, %mul3A_2 : i32
      %mul3A_24 = arith.constant 256 : i32
      %mul3A_25 = arith.muli %add3A_21, %mul3A_24 : i32
      %add3A_26 = arith.addi %add3A_23, %mul3A_25 : i32
      "tpu.region"() ({
        %run_scoped3A = tpu.sem_alloc : memref<!tpu.dma_semaphore, #tpu.memory_space<semaphore_mem>>
        %dma_start3A_45 = tpu.memref_slice %arg3[%add3A_26] : memref<81920xi32, #tpu.memory_space<hbm>> -> memref<256xi32, #tpu.memory_space<hbm>>
        %dma_start3A_46 = tpu.memref_slice %arg3[%add3A_26] : memref<81920xi32, #tpu.memory_space<hbm>> -> memref<256xi32, #tpu.memory_space<hbm>>
        tpu.enqueue_dma source(%dma_start3A_46 : memref<256xi32, #tpu.memory_space<hbm>>) target(%arg6 : memref<256xi32, #tpu.memory_space<vmem>>) target_semaphore(%run_scoped3A : memref<!tpu.dma_semaphore, #tpu.memory_space<semaphore_mem>>)
        %dma_wait3A_47 = tpu.memref_slice %arg3[%add3A_26] : memref<81920xi32, #tpu.memory_space<hbm>> -> memref<256xi32, #tpu.memory_space<hbm>>
        %dma_wait3A_48 = tpu.memref_slice %arg3[%add3A_26] : memref<81920xi32, #tpu.memory_space<hbm>> -> memref<256xi32, #tpu.memory_space<hbm>>
        tpu.wait_dma2 semaphore(%run_scoped3A : memref<!tpu.dma_semaphore, #tpu.memory_space<semaphore_mem>>) src(%dma_wait3A_48 : memref<256xi32, #tpu.memory_space<hbm>>) dst(%arg6 : memref<256xi32, #tpu.memory_space<vmem>>)
        tpu.yield
      }) : () -> ()
      %dma_start3A_27 = arith.constant 0 : i32
      %dma_start3A_28 = arith.constant 0 : i32
      %dma_start3A_29 = tpu.memref_slice %arg2[%dma_start3A_27, %dma_start3A_28] : memref<20000x128xf32, #tpu.memory_space<hbm>> -> memref<20000x128xf32, #tpu.memory_space<hbm>>
      tpu.enqueue_indirect_dma source(%dma_start3A_29 : memref<20000x128xf32, #tpu.memory_space<hbm>>) target(%arg8 : memref<256x128xf32, #tpu.memory_space<vmem>>) offsets(%arg6 : memref<256xi32, #tpu.memory_space<vmem>>) semaphore(%arg10 : memref<!tpu.dma_semaphore, #tpu.memory_space<semaphore_mem>>)
      %dma_wait3A = arith.constant 0 : i32
      %dma_wait3A_30 = arith.constant 0 : i32
      %dma_wait3A_31 = tpu.memref_slice %arg2[%dma_wait3A, %dma_wait3A_30] : memref<20000x128xf32, #tpu.memory_space<hbm>> -> memref<20000x128xf32, #tpu.memory_space<hbm>>
      tpu.wait_indirect_dma semaphore(%arg9 : memref<!tpu.dma_semaphore, #tpu.memory_space<semaphore_mem>>) src(%dma_wait3A_31 : memref<20000x128xf32, #tpu.memory_space<hbm>>) dst(%arg7 : memref<256x128xf32, #tpu.memory_space<vmem>>)
      %mul3A_32 = arith.constant 256 : i32
      %mul3A_33 = arith.muli %mul3A_19, %mul3A_32 : i32
      %add3A_34 = arith.addi %mul3A_2, %mul3A_33 : i32
      "tpu.region"() ({
        %run_scoped3A = tpu.sem_alloc : memref<!tpu.dma_semaphore, #tpu.memory_space<semaphore_mem>>
        %dma_start3A_45 = arith.constant 0 : i32
        %dma_start3A_46 = tpu.memref_slice %arg4[%add3A_34, %dma_start3A_45] : memref<81920x128xf32, #tpu.memory_space<hbm>> -> memref<256x128xf32, #tpu.memory_space<hbm>>
        %dma_start3A_47 = arith.constant 0 : i32
        %dma_start3A_48 = tpu.memref_slice %arg4[%add3A_34, %dma_start3A_47] : memref<81920x128xf32, #tpu.memory_space<hbm>> -> memref<256x128xf32, #tpu.memory_space<hbm>>
        tpu.enqueue_dma source(%arg7 : memref<256x128xf32, #tpu.memory_space<vmem>>) target(%dma_start3A_48 : memref<256x128xf32, #tpu.memory_space<hbm>>) target_semaphore(%run_scoped3A : memref<!tpu.dma_semaphore, #tpu.memory_space<semaphore_mem>>)
        %dma_wait3A_49 = arith.constant 0 : i32
        %dma_wait3A_50 = tpu.memref_slice %arg4[%add3A_34, %dma_wait3A_49] : memref<81920x128xf32, #tpu.memory_space<hbm>> -> memref<256x128xf32, #tpu.memory_space<hbm>>
        %dma_wait3A_51 = arith.constant 0 : i32
        %dma_wait3A_52 = tpu.memref_slice %arg4[%add3A_34, %dma_wait3A_51] : memref<81920x128xf32, #tpu.memory_space<hbm>> -> memref<256x128xf32, #tpu.memory_space<hbm>>
        tpu.wait_dma2 semaphore(%run_scoped3A : memref<!tpu.dma_semaphore, #tpu.memory_space<semaphore_mem>>) src(%arg7 : memref<256x128xf32, #tpu.memory_space<vmem>>) dst(%dma_wait3A_52 : memref<256x128xf32, #tpu.memory_space<hbm>>)
        tpu.yield
      }) : () -> ()
      %lt3A = arith.constant 4 : i32
      %lt3A_35 = arith.cmpi slt, %add3A_17, %lt3A : i32
      %convert_element_type3A = arith.extui %lt3A_35 : i1 to i32
      %cond3A = arith.constant 0 : i32
      %cond3A_36 = arith.cmpi ne, %convert_element_type3A, %cond3A : i32
      scf.if %cond3A_36 {
        %add3A_45 = arith.constant 2 : i32
        %add3A_46 = arith.addi %mul3A_19, %add3A_45 : i32
        %add3A_47 = arith.constant 0 : i32
        %add3A_48 = arith.addi %add3A_47, %mul3A_2 : i32
        %mul3A_49 = arith.constant 256 : i32
        %mul3A_50 = arith.muli %add3A_46, %mul3A_49 : i32
        %add3A_51 = arith.addi %add3A_48, %mul3A_50 : i32
        "tpu.region"() ({
          %run_scoped3A = tpu.sem_alloc : memref<!tpu.dma_semaphore, #tpu.memory_space<semaphore_mem>>
          %dma_start3A_55 = tpu.memref_slice %arg3[%add3A_51] : memref<81920xi32, #tpu.memory_space<hbm>> -> memref<256xi32, #tpu.memory_space<hbm>>
          %dma_start3A_56 = tpu.memref_slice %arg3[%add3A_51] : memref<81920xi32, #tpu.memory_space<hbm>> -> memref<256xi32, #tpu.memory_space<hbm>>
          tpu.enqueue_dma source(%dma_start3A_56 : memref<256xi32, #tpu.memory_space<hbm>>) target(%arg5 : memref<256xi32, #tpu.memory_space<vmem>>) target_semaphore(%run_scoped3A : memref<!tpu.dma_semaphore, #tpu.memory_space<semaphore_mem>>)
          %dma_wait3A_57 = tpu.memref_slice %arg3[%add3A_51] : memref<81920xi32, #tpu.memory_space<hbm>> -> memref<256xi32, #tpu.memory_space<hbm>>
          %dma_wait3A_58 = tpu.memref_slice %arg3[%add3A_51] : memref<81920xi32, #tpu.memory_space<hbm>> -> memref<256xi32, #tpu.memory_space<hbm>>
          tpu.wait_dma2 semaphore(%run_scoped3A : memref<!tpu.dma_semaphore, #tpu.memory_space<semaphore_mem>>) src(%dma_wait3A_58 : memref<256xi32, #tpu.memory_space<hbm>>) dst(%arg5 : memref<256xi32, #tpu.memory_space<vmem>>)
          tpu.yield
        }) : () -> ()
        %dma_start3A_52 = arith.constant 0 : i32
        %dma_start3A_53 = arith.constant 0 : i32
        %dma_start3A_54 = tpu.memref_slice %arg2[%dma_start3A_52, %dma_start3A_53] : memref<20000x128xf32, #tpu.memory_space<hbm>> -> memref<20000x128xf32, #tpu.memory_space<hbm>>
        tpu.enqueue_indirect_dma source(%dma_start3A_54 : memref<20000x128xf32, #tpu.memory_space<hbm>>) target(%arg7 : memref<256x128xf32, #tpu.memory_space<vmem>>) offsets(%arg5 : memref<256xi32, #tpu.memory_space<vmem>>) semaphore(%arg9 : memref<!tpu.dma_semaphore, #tpu.memory_space<semaphore_mem>>)
      } else {
      }
      %dma_wait3A_37 = arith.constant 0 : i32
      %dma_wait3A_38 = arith.constant 0 : i32
      %dma_wait3A_39 = tpu.memref_slice %arg2[%dma_wait3A_37, %dma_wait3A_38] : memref<20000x128xf32, #tpu.memory_space<hbm>> -> memref<20000x128xf32, #tpu.memory_space<hbm>>
      tpu.wait_indirect_dma semaphore(%arg10 : memref<!tpu.dma_semaphore, #tpu.memory_space<semaphore_mem>>) src(%dma_wait3A_39 : memref<20000x128xf32, #tpu.memory_space<hbm>>) dst(%arg8 : memref<256x128xf32, #tpu.memory_space<vmem>>)
      %add3A_40 = arith.constant 1 : i32
      %add3A_41 = arith.addi %mul3A_19, %add3A_40 : i32
      %mul3A_42 = arith.constant 256 : i32
      %mul3A_43 = arith.muli %add3A_41, %mul3A_42 : i32
      %add3A_44 = arith.addi %mul3A_2, %mul3A_43 : i32
      "tpu.region"() ({
        %run_scoped3A = tpu.sem_alloc : memref<!tpu.dma_semaphore, #tpu.memory_space<semaphore_mem>>
        %dma_start3A_45 = arith.constant 0 : i32
        %dma_start3A_46 = tpu.memref_slice %arg4[%add3A_44, %dma_start3A_45] : memref<81920x128xf32, #tpu.memory_space<hbm>> -> memref<256x128xf32, #tpu.memory_space<hbm>>
        %dma_start3A_47 = arith.constant 0 : i32
        %dma_start3A_48 = tpu.memref_slice %arg4[%add3A_44, %dma_start3A_47] : memref<81920x128xf32, #tpu.memory_space<hbm>> -> memref<256x128xf32, #tpu.memory_space<hbm>>
        tpu.enqueue_dma source(%arg8 : memref<256x128xf32, #tpu.memory_space<vmem>>) target(%dma_start3A_48 : memref<256x128xf32, #tpu.memory_space<hbm>>) target_semaphore(%run_scoped3A : memref<!tpu.dma_semaphore, #tpu.memory_space<semaphore_mem>>)
        %dma_wait3A_49 = arith.constant 0 : i32
        %dma_wait3A_50 = tpu.memref_slice %arg4[%add3A_44, %dma_wait3A_49] : memref<81920x128xf32, #tpu.memory_space<hbm>> -> memref<256x128xf32, #tpu.memory_space<hbm>>
        %dma_wait3A_51 = arith.constant 0 : i32
        %dma_wait3A_52 = tpu.memref_slice %arg4[%add3A_44, %dma_wait3A_51] : memref<81920x128xf32, #tpu.memory_space<hbm>> -> memref<256x128xf32, #tpu.memory_space<hbm>>
        tpu.wait_dma2 semaphore(%run_scoped3A : memref<!tpu.dma_semaphore, #tpu.memory_space<semaphore_mem>>) src(%arg8 : memref<256x128xf32, #tpu.memory_space<vmem>>) dst(%dma_wait3A_52 : memref<256x128xf32, #tpu.memory_space<hbm>>)
        tpu.yield
      }) : () -> ()
    }
    %scan3A_12 = arith.constant 5 : i32
    return
  }
}

module attributes {stable_mosaic.version = 14 : i64} {
  func.func @body(%arg0: i32, %arg1: memref<2000x128xf32, #tpu.memory_space<vmem>>, %arg2: memref<2000x128xf32, #tpu.memory_space<vmem>>) attributes {dimension_semantics = [#tpu.dimension_semantics<arbitrary>], iteration_bounds = array<i64: 10>, scalar_prefetch = 0 : i64, scratch_operands = 0 : i64, tpu.core_type = #tpu.core_type<tc>, window_params = [{transform_indices = @transform_0, window_bounds = array<i64: 2000, 128>}, {transform_indices = @transform_1, window_bounds = array<i64: 2000, 128>}]} {
    %mul3A = arith.constant 2000 : i32
    %mul3A_0 = arith.muli %arg0, %mul3A : i32
    %iota3A = tpu.iota {dimensions = array<i32: 0>} : vector<2000x1xi32>
    %add3A = vector.broadcast %mul3A_0 : i32 to vector<2000x1xi32>
    %add3A_1 = arith.addi %add3A, %iota3A : vector<2000x1xi32>
    %add3A_2 = arith.constant 1 : i32
    %add3A_3 = vector.broadcast %add3A_2 : i32 to vector<2000x1xi32>
    %add3A_4 = arith.addi %add3A_1, %add3A_3 : vector<2000x1xi32>
    %jit3A = arith.constant 10000 : i32
    %eq3A = arith.constant 0 : i32
    %eq3A_5 = arith.cmpi eq, %jit3A, %eq3A : i32
    %jit3A_6 = arith.constant 1 : i32
    %select_n3A = arith.select %eq3A_5, %jit3A_6, %jit3A : i32
    %rem3A = vector.broadcast %select_n3A : i32 to vector<2000x1xi32>
    %rem3A_7 = arith.remsi %add3A_4, %rem3A : vector<2000x1xi32>
    %ne3A = arith.constant 0 : i32
    %ne3A_8 = vector.broadcast %ne3A : i32 to vector<2000x1xi32>
    %ne3A_9 = arith.cmpi ne, %rem3A_7, %ne3A_8 : vector<2000x1xi32>
    %lt3A = arith.constant 0 : i32
    %lt3A_10 = vector.broadcast %lt3A : i32 to vector<2000x1xi32>
    %lt3A_11 = arith.cmpi slt, %rem3A_7, %lt3A_10 : vector<2000x1xi32>
    %lt3A_12 = arith.constant 0 : i32
    %lt3A_13 = arith.cmpi slt, %select_n3A, %lt3A_12 : i32
    %ne3A_14 = vector.broadcast %lt3A_13 : i1 to vector<2000x1xi1>
    %ne3A_15 = vector.broadcast %ne3A_14 : vector<2000x1xi1> to vector<2000x1xi1>
    %ne3A_16 = arith.xori %lt3A_11, %ne3A_15 : vector<2000x1xi1>
    %and3A = arith.andi %ne3A_16, %ne3A_9 : vector<2000x1xi1>
    %add3A_17 = vector.broadcast %select_n3A : i32 to vector<2000x1xi32>
    %add3A_18 = arith.addi %rem3A_7, %add3A_17 : vector<2000x1xi32>
    %select_n3A_19 = arith.select %and3A, %add3A_18, %rem3A_7 : vector<2000x1xi1>, vector<2000x1xi32>
    %ne3A_20 = arith.constant 0 : i32
    %ne3A_21 = vector.broadcast %ne3A_20 : i32 to vector<2000x1xi32>
    %ne3A_22 = arith.cmpi ne, %select_n3A_19, %ne3A_21 : vector<2000x1xi32>
    %convert_element_type3A = arith.extui %ne3A_22 : vector<2000x1xi1> to vector<2000x1xi32>
    %convert_element_type3A_23 = arith.sitofp %convert_element_type3A : vector<2000x1xi32> to vector<2000x1xf32>
    %get3A = arith.constant 0 : index
    %get3A_24 = arith.constant 0 : index
    %get3A_25 = vector.load %arg1[%get3A, %get3A_24] : memref<2000x128xf32, #tpu.memory_space<vmem>>, vector<2000x128xf32>
    %mul3A_26 = vector.broadcast %convert_element_type3A_23 : vector<2000x1xf32> to vector<2000x128xf32>
    %mul3A_27 = arith.mulf %get3A_25, %mul3A_26 : vector<2000x128xf32>
    %swap3A = arith.constant 0 : index
    %swap3A_28 = arith.constant 0 : index
    %swap3A_29 = vector.load %arg2[%swap3A, %swap3A_28] : memref<2000x128xf32, #tpu.memory_space<vmem>>, vector<2000x128xf32>
    tpu.vector_store %arg2[%swap3A, %swap3A_28], %mul3A_27 {strides = array<i32>} : memref<2000x128xf32, #tpu.memory_space<vmem>>, vector<2000x128xf32>,
    return
  }
  func.func @transform_0(%arg0: i32) -> (i32, i32) {
    %c0_i32 = arith.constant 0 : i32
    %c0_i32_0 = arith.constant 0 : i32
    return %arg0, %c0_i32 : i32, i32
  }
  func.func @transform_1(%arg0: i32) -> (i32, i32) {
    %c0_i32 = arith.constant 0 : i32
    %c0_i32_0 = arith.constant 0 : i32
    return %arg0, %c0_i32 : i32, i32
  }
}

module attributes {stable_mosaic.version = 14 : i64} {
  func.func @body(%arg0: i32, %arg1: memref<16000x128xf32, #tpu.memory_space<vmem>>, %arg2: memref<1000x16x16xbf16, #tpu.memory_space<vmem>>, %arg3: memref<1000x128xf32, #tpu.memory_space<vmem>>, %arg4: memref<16x128x128xbf16, #tpu.memory_space<vmem>>, %arg5: memref<1x128xf32, #tpu.memory_space<vmem>>, %arg6: memref<128x128xf32, #tpu.memory_space<vmem>>, %arg7: memref<1x128xf32, #tpu.memory_space<vmem>>, %arg8: memref<1000x128xf32, #tpu.memory_space<vmem>>) attributes {dimension_semantics = [#tpu.dimension_semantics<arbitrary>], iteration_bounds = array<i64: 5>, scalar_prefetch = 0 : i64, scratch_operands = 0 : i64, tpu.core_type = #tpu.core_type<tc>, window_params = [{transform_indices = @transform_0, window_bounds = array<i64: 16000, 128>}, {transform_indices = @transform_1, window_bounds = array<i64: 1000, 16, 16>}, {transform_indices = @transform_2, window_bounds = array<i64: 1000, 128>}, {pipeline_mode = #tpu.pipeline_mode<synchronous>, transform_indices = @transform_3, window_bounds = array<i64: 16, 128, 128>}, {pipeline_mode = #tpu.pipeline_mode<synchronous>, transform_indices = @transform_4, window_bounds = array<i64: 1, 128>}, {pipeline_mode = #tpu.pipeline_mode<synchronous>, transform_indices = @transform_5, window_bounds = array<i64: 128, 128>}, {pipeline_mode = #tpu.pipeline_mode<synchronous>, transform_indices = @transform_6, window_bounds = array<i64: 1, 128>}, {transform_indices = @transform_7, window_bounds = array<i64: 1000, 128>}]} {
    %get3A = arith.constant 0 : index
    %get3A_0 = arith.constant 0 : index
    %get3A_1 = vector.load %arg1[%get3A, %get3A_0] : memref<16000x128xf32, #tpu.memory_space<vmem>>, vector<16000x128xf32>
    %reshape3A = vector.shape_cast %get3A_1 : vector<16000x128xf32> to vector<1000x16x128xf32>
    %convert_element_type3A = arith.truncf %reshape3A : vector<1000x16x128xf32> to vector<1000x16x128xbf16>
    %get3A_2 = arith.constant 0 : index
    %get3A_3 = arith.constant 0 : index
    %get3A_4 = arith.constant 0 : index
    %get3A_5 = vector.load %arg2[%get3A_2, %get3A_3, %get3A_4] : memref<1000x16x16xbf16, #tpu.memory_space<vmem>>, vector<1000x16x16xbf16>
    %dot_general3A = arith.constant dense<0.000000e+00> : vector<1000x16x128xf32>
    %dot_general3A_6 = tpu.matmul %get3A_5, %convert_element_type3A, %dot_general3A {dimension_numbers = #tpu.dot_dimension_numbers<[1], [1], [2], [2], [0, 0, 0, 2, 1, 2], [0], [0]>, transpose_lhs_hint = false} : vector<1000x16x16xbf16>, vector<1000x16x128xbf16>, vector<1000x16x128xf32> -> vector<1000x16x128xf32>
    %convert_element_type3A_7 = arith.truncf %dot_general3A_6 : vector<1000x16x128xf32> to vector<1000x16x128xbf16>
    %broadcast_in_dim3A = arith.constant 0.000000e+00 : f32
    %broadcast_in_dim3A_8 = vector.broadcast %broadcast_in_dim3A : f32 to vector<1000x128xf32>
    %slice3A = vector.extract_strided_slice %convert_element_type3A_7 {offsets = [0, 0, 0], sizes = [1000, 1, 128], strides = [1, 1, 1]} : vector<1000x16x128xbf16> to vector<1000x1x128xbf16>
    %squeeze3A = vector.shape_cast %slice3A : vector<1000x1x128xbf16> to vector<1000x128xbf16>
    %gt3A = arith.constant 0.000000e+00 : bf16
    %gt3A_9 = vector.broadcast %gt3A : bf16 to vector<1000x128xbf16>
    %gt3A_10 = arith.cmpf ogt, %squeeze3A, %gt3A_9 : vector<1000x128xbf16>
    %min3A = arith.constant 0.000000e+00 : bf16
    %min3A_11 = vector.broadcast %min3A : bf16 to vector<1000x128xbf16>
    %min3A_12 = arith.minimumf %squeeze3A, %min3A_11 : vector<1000x128xbf16>
    %exp3A = math.exp %min3A_12 : vector<1000x128xbf16>
    %sub3A = arith.constant 1.000000e+00 : bf16
    %sub3A_13 = vector.broadcast %sub3A : bf16 to vector<1000x128xbf16>
    %sub3A_14 = arith.subf %exp3A, %sub3A_13 : vector<1000x128xbf16>
    %select_n3A = arith.select %gt3A_10, %squeeze3A, %sub3A_14 : vector<1000x128xi1>, vector<1000x128xbf16>
    %get3A_15 = arith.constant 0 : index
    %get3A_16 = arith.constant 0 : index
    %get3A_17 = arith.constant 0 : index
    %get3A_18 = vector.load %arg4[%get3A_15, %get3A_16, %get3A_17] : memref<16x128x128xbf16, #tpu.memory_space<vmem>>, vector<1x128x128xbf16>
    %get3A_19 = vector.shape_cast %get3A_18 : vector<1x128x128xbf16> to vector<128x128xbf16>
    %dot_general3A_20 = arith.constant dense<0.000000e+00> : vector<1000x128xf32>
    %dot_general3A_21 = tpu.matmul %select_n3A, %get3A_19, %dot_general3A_20 {dimension_numbers = #tpu.dot_dimension_numbers<[1], [0], [0], [1], [0, 0, 1, 1], [], []>, transpose_lhs_hint = false} : vector<1000x128xbf16>, vector<128x128xbf16>, vector<1000x128xf32> -> vector<1000x128xf32>
    %add3A = arith.addf %broadcast_in_dim3A_8, %dot_general3A_21 : vector<1000x128xf32>
    %slice3A_22 = vector.extract_strided_slice %convert_element_type3A_7 {offsets = [0, 1, 0], sizes = [1000, 1, 128], strides = [1, 1, 1]} : vector<1000x16x128xbf16> to vector<1000x1x128xbf16>
    %squeeze3A_23 = vector.shape_cast %slice3A_22 : vector<1000x1x128xbf16> to vector<1000x128xbf16>
    %gt3A_24 = arith.constant 0.000000e+00 : bf16
    %gt3A_25 = vector.broadcast %gt3A_24 : bf16 to vector<1000x128xbf16>
    %gt3A_26 = arith.cmpf ogt, %squeeze3A_23, %gt3A_25 : vector<1000x128xbf16>
    %min3A_27 = arith.constant 0.000000e+00 : bf16
    %min3A_28 = vector.broadcast %min3A_27 : bf16 to vector<1000x128xbf16>
    %min3A_29 = arith.minimumf %squeeze3A_23, %min3A_28 : vector<1000x128xbf16>
    %exp3A_30 = math.exp %min3A_29 : vector<1000x128xbf16>
    %sub3A_31 = arith.constant 1.000000e+00 : bf16
    %sub3A_32 = vector.broadcast %sub3A_31 : bf16 to vector<1000x128xbf16>
    %sub3A_33 = arith.subf %exp3A_30, %sub3A_32 : vector<1000x128xbf16>
    %select_n3A_34 = arith.select %gt3A_26, %squeeze3A_23, %sub3A_33 : vector<1000x128xi1>, vector<1000x128xbf16>
    %get3A_35 = arith.constant 1 : index
    %get3A_36 = arith.constant 0 : index
    %get3A_37 = arith.constant 0 : index
    %get3A_38 = vector.load %arg4[%get3A_35, %get3A_36, %get3A_37] : memref<16x128x128xbf16, #tpu.memory_space<vmem>>, vector<1x128x128xbf16>
    %get3A_39 = vector.shape_cast %get3A_38 : vector<1x128x128xbf16> to vector<128x128xbf16>
    %dot_general3A_40 = arith.constant dense<0.000000e+00> : vector<1000x128xf32>
    %dot_general3A_41 = tpu.matmul %select_n3A_34, %get3A_39, %dot_general3A_40 {dimension_numbers = #tpu.dot_dimension_numbers<[1], [0], [0], [1], [0, 0, 1, 1], [], []>, transpose_lhs_hint = false} : vector<1000x128xbf16>, vector<128x128xbf16>, vector<1000x128xf32> -> vector<1000x128xf32>
    %add3A_42 = arith.addf %add3A, %dot_general3A_41 : vector<1000x128xf32>
    %slice3A_43 = vector.extract_strided_slice %convert_element_type3A_7 {offsets = [0, 2, 0], sizes = [1000, 1, 128], strides = [1, 1, 1]} : vector<1000x16x128xbf16> to vector<1000x1x128xbf16>
    %squeeze3A_44 = vector.shape_cast %slice3A_43 : vector<1000x1x128xbf16> to vector<1000x128xbf16>
    %gt3A_45 = arith.constant 0.000000e+00 : bf16
    %gt3A_46 = vector.broadcast %gt3A_45 : bf16 to vector<1000x128xbf16>
    %gt3A_47 = arith.cmpf ogt, %squeeze3A_44, %gt3A_46 : vector<1000x128xbf16>
    %min3A_48 = arith.constant 0.000000e+00 : bf16
    %min3A_49 = vector.broadcast %min3A_48 : bf16 to vector<1000x128xbf16>
    %min3A_50 = arith.minimumf %squeeze3A_44, %min3A_49 : vector<1000x128xbf16>
    %exp3A_51 = math.exp %min3A_50 : vector<1000x128xbf16>
    %sub3A_52 = arith.constant 1.000000e+00 : bf16
    %sub3A_53 = vector.broadcast %sub3A_52 : bf16 to vector<1000x128xbf16>
    %sub3A_54 = arith.subf %exp3A_51, %sub3A_53 : vector<1000x128xbf16>
    %select_n3A_55 = arith.select %gt3A_47, %squeeze3A_44, %sub3A_54 : vector<1000x128xi1>, vector<1000x128xbf16>
    %get3A_56 = arith.constant 2 : index
    %get3A_57 = arith.constant 0 : index
    %get3A_58 = arith.constant 0 : index
    %get3A_59 = vector.load %arg4[%get3A_56, %get3A_57, %get3A_58] : memref<16x128x128xbf16, #tpu.memory_space<vmem>>, vector<1x128x128xbf16>
    %get3A_60 = vector.shape_cast %get3A_59 : vector<1x128x128xbf16> to vector<128x128xbf16>
    %dot_general3A_61 = arith.constant dense<0.000000e+00> : vector<1000x128xf32>
    %dot_general3A_62 = tpu.matmul %select_n3A_55, %get3A_60, %dot_general3A_61 {dimension_numbers = #tpu.dot_dimension_numbers<[1], [0], [0], [1], [0, 0, 1, 1], [], []>, transpose_lhs_hint = false} : vector<1000x128xbf16>, vector<128x128xbf16>, vector<1000x128xf32> -> vector<1000x128xf32>
    %add3A_63 = arith.addf %add3A_42, %dot_general3A_62 : vector<1000x128xf32>
    %slice3A_64 = vector.extract_strided_slice %convert_element_type3A_7 {offsets = [0, 3, 0], sizes = [1000, 1, 128], strides = [1, 1, 1]} : vector<1000x16x128xbf16> to vector<1000x1x128xbf16>
    %squeeze3A_65 = vector.shape_cast %slice3A_64 : vector<1000x1x128xbf16> to vector<1000x128xbf16>
    %gt3A_66 = arith.constant 0.000000e+00 : bf16
    %gt3A_67 = vector.broadcast %gt3A_66 : bf16 to vector<1000x128xbf16>
    %gt3A_68 = arith.cmpf ogt, %squeeze3A_65, %gt3A_67 : vector<1000x128xbf16>
    %min3A_69 = arith.constant 0.000000e+00 : bf16
    %min3A_70 = vector.broadcast %min3A_69 : bf16 to vector<1000x128xbf16>
    %min3A_71 = arith.minimumf %squeeze3A_65, %min3A_70 : vector<1000x128xbf16>
    %exp3A_72 = math.exp %min3A_71 : vector<1000x128xbf16>
    %sub3A_73 = arith.constant 1.000000e+00 : bf16
    %sub3A_74 = vector.broadcast %sub3A_73 : bf16 to vector<1000x128xbf16>
    %sub3A_75 = arith.subf %exp3A_72, %sub3A_74 : vector<1000x128xbf16>
    %select_n3A_76 = arith.select %gt3A_68, %squeeze3A_65, %sub3A_75 : vector<1000x128xi1>, vector<1000x128xbf16>
    %get3A_77 = arith.constant 3 : index
    %get3A_78 = arith.constant 0 : index
    %get3A_79 = arith.constant 0 : index
    %get3A_80 = vector.load %arg4[%get3A_77, %get3A_78, %get3A_79] : memref<16x128x128xbf16, #tpu.memory_space<vmem>>, vector<1x128x128xbf16>
    %get3A_81 = vector.shape_cast %get3A_80 : vector<1x128x128xbf16> to vector<128x128xbf16>
    %dot_general3A_82 = arith.constant dense<0.000000e+00> : vector<1000x128xf32>
    %dot_general3A_83 = tpu.matmul %select_n3A_76, %get3A_81, %dot_general3A_82 {dimension_numbers = #tpu.dot_dimension_numbers<[1], [0], [0], [1], [0, 0, 1, 1], [], []>, transpose_lhs_hint = false} : vector<1000x128xbf16>, vector<128x128xbf16>, vector<1000x128xf32> -> vector<1000x128xf32>
    %add3A_84 = arith.addf %add3A_63, %dot_general3A_83 : vector<1000x128xf32>
    %slice3A_85 = vector.extract_strided_slice %convert_element_type3A_7 {offsets = [0, 4, 0], sizes = [1000, 1, 128], strides = [1, 1, 1]} : vector<1000x16x128xbf16> to vector<1000x1x128xbf16>
    %squeeze3A_86 = vector.shape_cast %slice3A_85 : vector<1000x1x128xbf16> to vector<1000x128xbf16>
    %gt3A_87 = arith.constant 0.000000e+00 : bf16
    %gt3A_88 = vector.broadcast %gt3A_87 : bf16 to vector<1000x128xbf16>
    %gt3A_89 = arith.cmpf ogt, %squeeze3A_86, %gt3A_88 : vector<1000x128xbf16>
    %min3A_90 = arith.constant 0.000000e+00 : bf16
    %min3A_91 = vector.broadcast %min3A_90 : bf16 to vector<1000x128xbf16>
    %min3A_92 = arith.minimumf %squeeze3A_86, %min3A_91 : vector<1000x128xbf16>
    %exp3A_93 = math.exp %min3A_92 : vector<1000x128xbf16>
    %sub3A_94 = arith.constant 1.000000e+00 : bf16
    %sub3A_95 = vector.broadcast %sub3A_94 : bf16 to vector<1000x128xbf16>
    %sub3A_96 = arith.subf %exp3A_93, %sub3A_95 : vector<1000x128xbf16>
    %select_n3A_97 = arith.select %gt3A_89, %squeeze3A_86, %sub3A_96 : vector<1000x128xi1>, vector<1000x128xbf16>
    %get3A_98 = arith.constant 4 : index
    %get3A_99 = arith.constant 0 : index
    %get3A_100 = arith.constant 0 : index
    %get3A_101 = vector.load %arg4[%get3A_98, %get3A_99, %get3A_100] : memref<16x128x128xbf16, #tpu.memory_space<vmem>>, vector<1x128x128xbf16>
    %get3A_102 = vector.shape_cast %get3A_101 : vector<1x128x128xbf16> to vector<128x128xbf16>
    %dot_general3A_103 = arith.constant dense<0.000000e+00> : vector<1000x128xf32>
    %dot_general3A_104 = tpu.matmul %select_n3A_97, %get3A_102, %dot_general3A_103 {dimension_numbers = #tpu.dot_dimension_numbers<[1], [0], [0], [1], [0, 0, 1, 1], [], []>, transpose_lhs_hint = false} : vector<1000x128xbf16>, vector<128x128xbf16>, vector<1000x128xf32> -> vector<1000x128xf32>
    %add3A_105 = arith.addf %add3A_84, %dot_general3A_104 : vector<1000x128xf32>
    %slice3A_106 = vector.extract_strided_slice %convert_element_type3A_7 {offsets = [0, 5, 0], sizes = [1000, 1, 128], strides = [1, 1, 1]} : vector<1000x16x128xbf16> to vector<1000x1x128xbf16>
    %squeeze3A_107 = vector.shape_cast %slice3A_106 : vector<1000x1x128xbf16> to vector<1000x128xbf16>
    %gt3A_108 = arith.constant 0.000000e+00 : bf16
    %gt3A_109 = vector.broadcast %gt3A_108 : bf16 to vector<1000x128xbf16>
    %gt3A_110 = arith.cmpf ogt, %squeeze3A_107, %gt3A_109 : vector<1000x128xbf16>
    %min3A_111 = arith.constant 0.000000e+00 : bf16
    %min3A_112 = vector.broadcast %min3A_111 : bf16 to vector<1000x128xbf16>
    %min3A_113 = arith.minimumf %squeeze3A_107, %min3A_112 : vector<1000x128xbf16>
    %exp3A_114 = math.exp %min3A_113 : vector<1000x128xbf16>
    %sub3A_115 = arith.constant 1.000000e+00 : bf16
    %sub3A_116 = vector.broadcast %sub3A_115 : bf16 to vector<1000x128xbf16>
    %sub3A_117 = arith.subf %exp3A_114, %sub3A_116 : vector<1000x128xbf16>
    %select_n3A_118 = arith.select %gt3A_110, %squeeze3A_107, %sub3A_117 : vector<1000x128xi1>, vector<1000x128xbf16>
    %get3A_119 = arith.constant 5 : index
    %get3A_120 = arith.constant 0 : index
    %get3A_121 = arith.constant 0 : index
    %get3A_122 = vector.load %arg4[%get3A_119, %get3A_120, %get3A_121] : memref<16x128x128xbf16, #tpu.memory_space<vmem>>, vector<1x128x128xbf16>
    %get3A_123 = vector.shape_cast %get3A_122 : vector<1x128x128xbf16> to vector<128x128xbf16>
    %dot_general3A_124 = arith.constant dense<0.000000e+00> : vector<1000x128xf32>
    %dot_general3A_125 = tpu.matmul %select_n3A_118, %get3A_123, %dot_general3A_124 {dimension_numbers = #tpu.dot_dimension_numbers<[1], [0], [0], [1], [0, 0, 1, 1], [], []>, transpose_lhs_hint = false} : vector<1000x128xbf16>, vector<128x128xbf16>, vector<1000x128xf32> -> vector<1000x128xf32>
    %add3A_126 = arith.addf %add3A_105, %dot_general3A_125 : vector<1000x128xf32>
    %slice3A_127 = vector.extract_strided_slice %convert_element_type3A_7 {offsets = [0, 6, 0], sizes = [1000, 1, 128], strides = [1, 1, 1]} : vector<1000x16x128xbf16> to vector<1000x1x128xbf16>
    %squeeze3A_128 = vector.shape_cast %slice3A_127 : vector<1000x1x128xbf16> to vector<1000x128xbf16>
    %gt3A_129 = arith.constant 0.000000e+00 : bf16
    %gt3A_130 = vector.broadcast %gt3A_129 : bf16 to vector<1000x128xbf16>
    %gt3A_131 = arith.cmpf ogt, %squeeze3A_128, %gt3A_130 : vector<1000x128xbf16>
    %min3A_132 = arith.constant 0.000000e+00 : bf16
    %min3A_133 = vector.broadcast %min3A_132 : bf16 to vector<1000x128xbf16>
    %min3A_134 = arith.minimumf %squeeze3A_128, %min3A_133 : vector<1000x128xbf16>
    %exp3A_135 = math.exp %min3A_134 : vector<1000x128xbf16>
    %sub3A_136 = arith.constant 1.000000e+00 : bf16
    %sub3A_137 = vector.broadcast %sub3A_136 : bf16 to vector<1000x128xbf16>
    %sub3A_138 = arith.subf %exp3A_135, %sub3A_137 : vector<1000x128xbf16>
    %select_n3A_139 = arith.select %gt3A_131, %squeeze3A_128, %sub3A_138 : vector<1000x128xi1>, vector<1000x128xbf16>
    %get3A_140 = arith.constant 6 : index
    %get3A_141 = arith.constant 0 : index
    %get3A_142 = arith.constant 0 : index
    %get3A_143 = vector.load %arg4[%get3A_140, %get3A_141, %get3A_142] : memref<16x128x128xbf16, #tpu.memory_space<vmem>>, vector<1x128x128xbf16>
    %get3A_144 = vector.shape_cast %get3A_143 : vector<1x128x128xbf16> to vector<128x128xbf16>
    %dot_general3A_145 = arith.constant dense<0.000000e+00> : vector<1000x128xf32>
    %dot_general3A_146 = tpu.matmul %select_n3A_139, %get3A_144, %dot_general3A_145 {dimension_numbers = #tpu.dot_dimension_numbers<[1], [0], [0], [1], [0, 0, 1, 1], [], []>, transpose_lhs_hint = false} : vector<1000x128xbf16>, vector<128x128xbf16>, vector<1000x128xf32> -> vector<1000x128xf32>
    %add3A_147 = arith.addf %add3A_126, %dot_general3A_146 : vector<1000x128xf32>
    %slice3A_148 = vector.extract_strided_slice %convert_element_type3A_7 {offsets = [0, 7, 0], sizes = [1000, 1, 128], strides = [1, 1, 1]} : vector<1000x16x128xbf16> to vector<1000x1x128xbf16>
    %squeeze3A_149 = vector.shape_cast %slice3A_148 : vector<1000x1x128xbf16> to vector<1000x128xbf16>
    %gt3A_150 = arith.constant 0.000000e+00 : bf16
    %gt3A_151 = vector.broadcast %gt3A_150 : bf16 to vector<1000x128xbf16>
    %gt3A_152 = arith.cmpf ogt, %squeeze3A_149, %gt3A_151 : vector<1000x128xbf16>
    %min3A_153 = arith.constant 0.000000e+00 : bf16
    %min3A_154 = vector.broadcast %min3A_153 : bf16 to vector<1000x128xbf16>
    %min3A_155 = arith.minimumf %squeeze3A_149, %min3A_154 : vector<1000x128xbf16>
    %exp3A_156 = math.exp %min3A_155 : vector<1000x128xbf16>
    %sub3A_157 = arith.constant 1.000000e+00 : bf16
    %sub3A_158 = vector.broadcast %sub3A_157 : bf16 to vector<1000x128xbf16>
    %sub3A_159 = arith.subf %exp3A_156, %sub3A_158 : vector<1000x128xbf16>
    %select_n3A_160 = arith.select %gt3A_152, %squeeze3A_149, %sub3A_159 : vector<1000x128xi1>, vector<1000x128xbf16>
    %get3A_161 = arith.constant 7 : index
    %get3A_162 = arith.constant 0 : index
    %get3A_163 = arith.constant 0 : index
    %get3A_164 = vector.load %arg4[%get3A_161, %get3A_162, %get3A_163] : memref<16x128x128xbf16, #tpu.memory_space<vmem>>, vector<1x128x128xbf16>
    %get3A_165 = vector.shape_cast %get3A_164 : vector<1x128x128xbf16> to vector<128x128xbf16>
    %dot_general3A_166 = arith.constant dense<0.000000e+00> : vector<1000x128xf32>
    %dot_general3A_167 = tpu.matmul %select_n3A_160, %get3A_165, %dot_general3A_166 {dimension_numbers = #tpu.dot_dimension_numbers<[1], [0], [0], [1], [0, 0, 1, 1], [], []>, transpose_lhs_hint = false} : vector<1000x128xbf16>, vector<128x128xbf16>, vector<1000x128xf32> -> vector<1000x128xf32>
    %add3A_168 = arith.addf %add3A_147, %dot_general3A_167 : vector<1000x128xf32>
    %slice3A_169 = vector.extract_strided_slice %convert_element_type3A_7 {offsets = [0, 8, 0], sizes = [1000, 1, 128], strides = [1, 1, 1]} : vector<1000x16x128xbf16> to vector<1000x1x128xbf16>
    %squeeze3A_170 = vector.shape_cast %slice3A_169 : vector<1000x1x128xbf16> to vector<1000x128xbf16>
    %gt3A_171 = arith.constant 0.000000e+00 : bf16
    %gt3A_172 = vector.broadcast %gt3A_171 : bf16 to vector<1000x128xbf16>
    %gt3A_173 = arith.cmpf ogt, %squeeze3A_170, %gt3A_172 : vector<1000x128xbf16>
    %min3A_174 = arith.constant 0.000000e+00 : bf16
    %min3A_175 = vector.broadcast %min3A_174 : bf16 to vector<1000x128xbf16>
    %min3A_176 = arith.minimumf %squeeze3A_170, %min3A_175 : vector<1000x128xbf16>
    %exp3A_177 = math.exp %min3A_176 : vector<1000x128xbf16>
    %sub3A_178 = arith.constant 1.000000e+00 : bf16
    %sub3A_179 = vector.broadcast %sub3A_178 : bf16 to vector<1000x128xbf16>
    %sub3A_180 = arith.subf %exp3A_177, %sub3A_179 : vector<1000x128xbf16>
    %select_n3A_181 = arith.select %gt3A_173, %squeeze3A_170, %sub3A_180 : vector<1000x128xi1>, vector<1000x128xbf16>
    %get3A_182 = arith.constant 8 : index
    %get3A_183 = arith.constant 0 : index
    %get3A_184 = arith.constant 0 : index
    %get3A_185 = vector.load %arg4[%get3A_182, %get3A_183, %get3A_184] : memref<16x128x128xbf16, #tpu.memory_space<vmem>>, vector<1x128x128xbf16>
    %get3A_186 = vector.shape_cast %get3A_185 : vector<1x128x128xbf16> to vector<128x128xbf16>
    %dot_general3A_187 = arith.constant dense<0.000000e+00> : vector<1000x128xf32>
    %dot_general3A_188 = tpu.matmul %select_n3A_181, %get3A_186, %dot_general3A_187 {dimension_numbers = #tpu.dot_dimension_numbers<[1], [0], [0], [1], [0, 0, 1, 1], [], []>, transpose_lhs_hint = false} : vector<1000x128xbf16>, vector<128x128xbf16>, vector<1000x128xf32> -> vector<1000x128xf32>
    %add3A_189 = arith.addf %add3A_168, %dot_general3A_188 : vector<1000x128xf32>
    %slice3A_190 = vector.extract_strided_slice %convert_element_type3A_7 {offsets = [0, 9, 0], sizes = [1000, 1, 128], strides = [1, 1, 1]} : vector<1000x16x128xbf16> to vector<1000x1x128xbf16>
    %squeeze3A_191 = vector.shape_cast %slice3A_190 : vector<1000x1x128xbf16> to vector<1000x128xbf16>
    %gt3A_192 = arith.constant 0.000000e+00 : bf16
    %gt3A_193 = vector.broadcast %gt3A_192 : bf16 to vector<1000x128xbf16>
    %gt3A_194 = arith.cmpf ogt, %squeeze3A_191, %gt3A_193 : vector<1000x128xbf16>
    %min3A_195 = arith.constant 0.000000e+00 : bf16
    %min3A_196 = vector.broadcast %min3A_195 : bf16 to vector<1000x128xbf16>
    %min3A_197 = arith.minimumf %squeeze3A_191, %min3A_196 : vector<1000x128xbf16>
    %exp3A_198 = math.exp %min3A_197 : vector<1000x128xbf16>
    %sub3A_199 = arith.constant 1.000000e+00 : bf16
    %sub3A_200 = vector.broadcast %sub3A_199 : bf16 to vector<1000x128xbf16>
    %sub3A_201 = arith.subf %exp3A_198, %sub3A_200 : vector<1000x128xbf16>
    %select_n3A_202 = arith.select %gt3A_194, %squeeze3A_191, %sub3A_201 : vector<1000x128xi1>, vector<1000x128xbf16>
    %get3A_203 = arith.constant 9 : index
    %get3A_204 = arith.constant 0 : index
    %get3A_205 = arith.constant 0 : index
    %get3A_206 = vector.load %arg4[%get3A_203, %get3A_204, %get3A_205] : memref<16x128x128xbf16, #tpu.memory_space<vmem>>, vector<1x128x128xbf16>
    %get3A_207 = vector.shape_cast %get3A_206 : vector<1x128x128xbf16> to vector<128x128xbf16>
    %dot_general3A_208 = arith.constant dense<0.000000e+00> : vector<1000x128xf32>
    %dot_general3A_209 = tpu.matmul %select_n3A_202, %get3A_207, %dot_general3A_208 {dimension_numbers = #tpu.dot_dimension_numbers<[1], [0], [0], [1], [0, 0, 1, 1], [], []>, transpose_lhs_hint = false} : vector<1000x128xbf16>, vector<128x128xbf16>, vector<1000x128xf32> -> vector<1000x128xf32>
    %add3A_210 = arith.addf %add3A_189, %dot_general3A_209 : vector<1000x128xf32>
    %slice3A_211 = vector.extract_strided_slice %convert_element_type3A_7 {offsets = [0, 10, 0], sizes = [1000, 1, 128], strides = [1, 1, 1]} : vector<1000x16x128xbf16> to vector<1000x1x128xbf16>
    %squeeze3A_212 = vector.shape_cast %slice3A_211 : vector<1000x1x128xbf16> to vector<1000x128xbf16>
    %gt3A_213 = arith.constant 0.000000e+00 : bf16
    %gt3A_214 = vector.broadcast %gt3A_213 : bf16 to vector<1000x128xbf16>
    %gt3A_215 = arith.cmpf ogt, %squeeze3A_212, %gt3A_214 : vector<1000x128xbf16>
    %min3A_216 = arith.constant 0.000000e+00 : bf16
    %min3A_217 = vector.broadcast %min3A_216 : bf16 to vector<1000x128xbf16>
    %min3A_218 = arith.minimumf %squeeze3A_212, %min3A_217 : vector<1000x128xbf16>
    %exp3A_219 = math.exp %min3A_218 : vector<1000x128xbf16>
    %sub3A_220 = arith.constant 1.000000e+00 : bf16
    %sub3A_221 = vector.broadcast %sub3A_220 : bf16 to vector<1000x128xbf16>
    %sub3A_222 = arith.subf %exp3A_219, %sub3A_221 : vector<1000x128xbf16>
    %select_n3A_223 = arith.select %gt3A_215, %squeeze3A_212, %sub3A_222 : vector<1000x128xi1>, vector<1000x128xbf16>
    %get3A_224 = arith.constant 10 : index
    %get3A_225 = arith.constant 0 : index
    %get3A_226 = arith.constant 0 : index
    %get3A_227 = vector.load %arg4[%get3A_224, %get3A_225, %get3A_226] : memref<16x128x128xbf16, #tpu.memory_space<vmem>>, vector<1x128x128xbf16>
    %get3A_228 = vector.shape_cast %get3A_227 : vector<1x128x128xbf16> to vector<128x128xbf16>
    %dot_general3A_229 = arith.constant dense<0.000000e+00> : vector<1000x128xf32>
    %dot_general3A_230 = tpu.matmul %select_n3A_223, %get3A_228, %dot_general3A_229 {dimension_numbers = #tpu.dot_dimension_numbers<[1], [0], [0], [1], [0, 0, 1, 1], [], []>, transpose_lhs_hint = false} : vector<1000x128xbf16>, vector<128x128xbf16>, vector<1000x128xf32> -> vector<1000x128xf32>
    %add3A_231 = arith.addf %add3A_210, %dot_general3A_230 : vector<1000x128xf32>
    %slice3A_232 = vector.extract_strided_slice %convert_element_type3A_7 {offsets = [0, 11, 0], sizes = [1000, 1, 128], strides = [1, 1, 1]} : vector<1000x16x128xbf16> to vector<1000x1x128xbf16>
    %squeeze3A_233 = vector.shape_cast %slice3A_232 : vector<1000x1x128xbf16> to vector<1000x128xbf16>
    %gt3A_234 = arith.constant 0.000000e+00 : bf16
    %gt3A_235 = vector.broadcast %gt3A_234 : bf16 to vector<1000x128xbf16>
    %gt3A_236 = arith.cmpf ogt, %squeeze3A_233, %gt3A_235 : vector<1000x128xbf16>
    %min3A_237 = arith.constant 0.000000e+00 : bf16
    %min3A_238 = vector.broadcast %min3A_237 : bf16 to vector<1000x128xbf16>
    %min3A_239 = arith.minimumf %squeeze3A_233, %min3A_238 : vector<1000x128xbf16>
    %exp3A_240 = math.exp %min3A_239 : vector<1000x128xbf16>
    %sub3A_241 = arith.constant 1.000000e+00 : bf16
    %sub3A_242 = vector.broadcast %sub3A_241 : bf16 to vector<1000x128xbf16>
    %sub3A_243 = arith.subf %exp3A_240, %sub3A_242 : vector<1000x128xbf16>
    %select_n3A_244 = arith.select %gt3A_236, %squeeze3A_233, %sub3A_243 : vector<1000x128xi1>, vector<1000x128xbf16>
    %get3A_245 = arith.constant 11 : index
    %get3A_246 = arith.constant 0 : index
    %get3A_247 = arith.constant 0 : index
    %get3A_248 = vector.load %arg4[%get3A_245, %get3A_246, %get3A_247] : memref<16x128x128xbf16, #tpu.memory_space<vmem>>, vector<1x128x128xbf16>
    %get3A_249 = vector.shape_cast %get3A_248 : vector<1x128x128xbf16> to vector<128x128xbf16>
    %dot_general3A_250 = arith.constant dense<0.000000e+00> : vector<1000x128xf32>
    %dot_general3A_251 = tpu.matmul %select_n3A_244, %get3A_249, %dot_general3A_250 {dimension_numbers = #tpu.dot_dimension_numbers<[1], [0], [0], [1], [0, 0, 1, 1], [], []>, transpose_lhs_hint = false} : vector<1000x128xbf16>, vector<128x128xbf16>, vector<1000x128xf32> -> vector<1000x128xf32>
    %add3A_252 = arith.addf %add3A_231, %dot_general3A_251 : vector<1000x128xf32>
    %slice3A_253 = vector.extract_strided_slice %convert_element_type3A_7 {offsets = [0, 12, 0], sizes = [1000, 1, 128], strides = [1, 1, 1]} : vector<1000x16x128xbf16> to vector<1000x1x128xbf16>
    %squeeze3A_254 = vector.shape_cast %slice3A_253 : vector<1000x1x128xbf16> to vector<1000x128xbf16>
    %gt3A_255 = arith.constant 0.000000e+00 : bf16
    %gt3A_256 = vector.broadcast %gt3A_255 : bf16 to vector<1000x128xbf16>
    %gt3A_257 = arith.cmpf ogt, %squeeze3A_254, %gt3A_256 : vector<1000x128xbf16>
    %min3A_258 = arith.constant 0.000000e+00 : bf16
    %min3A_259 = vector.broadcast %min3A_258 : bf16 to vector<1000x128xbf16>
    %min3A_260 = arith.minimumf %squeeze3A_254, %min3A_259 : vector<1000x128xbf16>
    %exp3A_261 = math.exp %min3A_260 : vector<1000x128xbf16>
    %sub3A_262 = arith.constant 1.000000e+00 : bf16
    %sub3A_263 = vector.broadcast %sub3A_262 : bf16 to vector<1000x128xbf16>
    %sub3A_264 = arith.subf %exp3A_261, %sub3A_263 : vector<1000x128xbf16>
    %select_n3A_265 = arith.select %gt3A_257, %squeeze3A_254, %sub3A_264 : vector<1000x128xi1>, vector<1000x128xbf16>
    %get3A_266 = arith.constant 12 : index
    %get3A_267 = arith.constant 0 : index
    %get3A_268 = arith.constant 0 : index
    %get3A_269 = vector.load %arg4[%get3A_266, %get3A_267, %get3A_268] : memref<16x128x128xbf16, #tpu.memory_space<vmem>>, vector<1x128x128xbf16>
    %get3A_270 = vector.shape_cast %get3A_269 : vector<1x128x128xbf16> to vector<128x128xbf16>
    %dot_general3A_271 = arith.constant dense<0.000000e+00> : vector<1000x128xf32>
    %dot_general3A_272 = tpu.matmul %select_n3A_265, %get3A_270, %dot_general3A_271 {dimension_numbers = #tpu.dot_dimension_numbers<[1], [0], [0], [1], [0, 0, 1, 1], [], []>, transpose_lhs_hint = false} : vector<1000x128xbf16>, vector<128x128xbf16>, vector<1000x128xf32> -> vector<1000x128xf32>
    %add3A_273 = arith.addf %add3A_252, %dot_general3A_272 : vector<1000x128xf32>
    %slice3A_274 = vector.extract_strided_slice %convert_element_type3A_7 {offsets = [0, 13, 0], sizes = [1000, 1, 128], strides = [1, 1, 1]} : vector<1000x16x128xbf16> to vector<1000x1x128xbf16>
    %squeeze3A_275 = vector.shape_cast %slice3A_274 : vector<1000x1x128xbf16> to vector<1000x128xbf16>
    %gt3A_276 = arith.constant 0.000000e+00 : bf16
    %gt3A_277 = vector.broadcast %gt3A_276 : bf16 to vector<1000x128xbf16>
    %gt3A_278 = arith.cmpf ogt, %squeeze3A_275, %gt3A_277 : vector<1000x128xbf16>
    %min3A_279 = arith.constant 0.000000e+00 : bf16
    %min3A_280 = vector.broadcast %min3A_279 : bf16 to vector<1000x128xbf16>
    %min3A_281 = arith.minimumf %squeeze3A_275, %min3A_280 : vector<1000x128xbf16>
    %exp3A_282 = math.exp %min3A_281 : vector<1000x128xbf16>
    %sub3A_283 = arith.constant 1.000000e+00 : bf16
    %sub3A_284 = vector.broadcast %sub3A_283 : bf16 to vector<1000x128xbf16>
    %sub3A_285 = arith.subf %exp3A_282, %sub3A_284 : vector<1000x128xbf16>
    %select_n3A_286 = arith.select %gt3A_278, %squeeze3A_275, %sub3A_285 : vector<1000x128xi1>, vector<1000x128xbf16>
    %get3A_287 = arith.constant 13 : index
    %get3A_288 = arith.constant 0 : index
    %get3A_289 = arith.constant 0 : index
    %get3A_290 = vector.load %arg4[%get3A_287, %get3A_288, %get3A_289] : memref<16x128x128xbf16, #tpu.memory_space<vmem>>, vector<1x128x128xbf16>
    %get3A_291 = vector.shape_cast %get3A_290 : vector<1x128x128xbf16> to vector<128x128xbf16>
    %dot_general3A_292 = arith.constant dense<0.000000e+00> : vector<1000x128xf32>
    %dot_general3A_293 = tpu.matmul %select_n3A_286, %get3A_291, %dot_general3A_292 {dimension_numbers = #tpu.dot_dimension_numbers<[1], [0], [0], [1], [0, 0, 1, 1], [], []>, transpose_lhs_hint = false} : vector<1000x128xbf16>, vector<128x128xbf16>, vector<1000x128xf32> -> vector<1000x128xf32>
    %add3A_294 = arith.addf %add3A_273, %dot_general3A_293 : vector<1000x128xf32>
    %slice3A_295 = vector.extract_strided_slice %convert_element_type3A_7 {offsets = [0, 14, 0], sizes = [1000, 1, 128], strides = [1, 1, 1]} : vector<1000x16x128xbf16> to vector<1000x1x128xbf16>
    %squeeze3A_296 = vector.shape_cast %slice3A_295 : vector<1000x1x128xbf16> to vector<1000x128xbf16>
    %gt3A_297 = arith.constant 0.000000e+00 : bf16
    %gt3A_298 = vector.broadcast %gt3A_297 : bf16 to vector<1000x128xbf16>
    %gt3A_299 = arith.cmpf ogt, %squeeze3A_296, %gt3A_298 : vector<1000x128xbf16>
    %min3A_300 = arith.constant 0.000000e+00 : bf16
    %min3A_301 = vector.broadcast %min3A_300 : bf16 to vector<1000x128xbf16>
    %min3A_302 = arith.minimumf %squeeze3A_296, %min3A_301 : vector<1000x128xbf16>
    %exp3A_303 = math.exp %min3A_302 : vector<1000x128xbf16>
    %sub3A_304 = arith.constant 1.000000e+00 : bf16
    %sub3A_305 = vector.broadcast %sub3A_304 : bf16 to vector<1000x128xbf16>
    %sub3A_306 = arith.subf %exp3A_303, %sub3A_305 : vector<1000x128xbf16>
    %select_n3A_307 = arith.select %gt3A_299, %squeeze3A_296, %sub3A_306 : vector<1000x128xi1>, vector<1000x128xbf16>
    %get3A_308 = arith.constant 14 : index
    %get3A_309 = arith.constant 0 : index
    %get3A_310 = arith.constant 0 : index
    %get3A_311 = vector.load %arg4[%get3A_308, %get3A_309, %get3A_310] : memref<16x128x128xbf16, #tpu.memory_space<vmem>>, vector<1x128x128xbf16>
    %get3A_312 = vector.shape_cast %get3A_311 : vector<1x128x128xbf16> to vector<128x128xbf16>
    %dot_general3A_313 = arith.constant dense<0.000000e+00> : vector<1000x128xf32>
    %dot_general3A_314 = tpu.matmul %select_n3A_307, %get3A_312, %dot_general3A_313 {dimension_numbers = #tpu.dot_dimension_numbers<[1], [0], [0], [1], [0, 0, 1, 1], [], []>, transpose_lhs_hint = false} : vector<1000x128xbf16>, vector<128x128xbf16>, vector<1000x128xf32> -> vector<1000x128xf32>
    %add3A_315 = arith.addf %add3A_294, %dot_general3A_314 : vector<1000x128xf32>
    %slice3A_316 = vector.extract_strided_slice %convert_element_type3A_7 {offsets = [0, 15, 0], sizes = [1000, 1, 128], strides = [1, 1, 1]} : vector<1000x16x128xbf16> to vector<1000x1x128xbf16>
    %squeeze3A_317 = vector.shape_cast %slice3A_316 : vector<1000x1x128xbf16> to vector<1000x128xbf16>
    %gt3A_318 = arith.constant 0.000000e+00 : bf16
    %gt3A_319 = vector.broadcast %gt3A_318 : bf16 to vector<1000x128xbf16>
    %gt3A_320 = arith.cmpf ogt, %squeeze3A_317, %gt3A_319 : vector<1000x128xbf16>
    %min3A_321 = arith.constant 0.000000e+00 : bf16
    %min3A_322 = vector.broadcast %min3A_321 : bf16 to vector<1000x128xbf16>
    %min3A_323 = arith.minimumf %squeeze3A_317, %min3A_322 : vector<1000x128xbf16>
    %exp3A_324 = math.exp %min3A_323 : vector<1000x128xbf16>
    %sub3A_325 = arith.constant 1.000000e+00 : bf16
    %sub3A_326 = vector.broadcast %sub3A_325 : bf16 to vector<1000x128xbf16>
    %sub3A_327 = arith.subf %exp3A_324, %sub3A_326 : vector<1000x128xbf16>
    %select_n3A_328 = arith.select %gt3A_320, %squeeze3A_317, %sub3A_327 : vector<1000x128xi1>, vector<1000x128xbf16>
    %get3A_329 = arith.constant 15 : index
    %get3A_330 = arith.constant 0 : index
    %get3A_331 = arith.constant 0 : index
    %get3A_332 = vector.load %arg4[%get3A_329, %get3A_330, %get3A_331] : memref<16x128x128xbf16, #tpu.memory_space<vmem>>, vector<1x128x128xbf16>
    %get3A_333 = vector.shape_cast %get3A_332 : vector<1x128x128xbf16> to vector<128x128xbf16>
    %dot_general3A_334 = arith.constant dense<0.000000e+00> : vector<1000x128xf32>
    %dot_general3A_335 = tpu.matmul %select_n3A_328, %get3A_333, %dot_general3A_334 {dimension_numbers = #tpu.dot_dimension_numbers<[1], [0], [0], [1], [0, 0, 1, 1], [], []>, transpose_lhs_hint = false} : vector<1000x128xbf16>, vector<128x128xbf16>, vector<1000x128xf32> -> vector<1000x128xf32>
    %add3A_336 = arith.addf %add3A_315, %dot_general3A_335 : vector<1000x128xf32>
    %get3A_337 = arith.constant 0 : index
    %get3A_338 = arith.constant 0 : index
    %get3A_339 = vector.load %arg5[%get3A_337, %get3A_338] : memref<1x128xf32, #tpu.memory_space<vmem>>, vector<1x128xf32>
    %add3A_340 = vector.broadcast %get3A_339 : vector<1x128xf32> to vector<1000x128xf32>
    %add3A_341 = arith.addf %add3A_336, %add3A_340 : vector<1000x128xf32>
    %gt3A_342 = arith.constant 0.000000e+00 : f32
    %gt3A_343 = vector.broadcast %gt3A_342 : f32 to vector<1000x128xf32>
    %gt3A_344 = arith.cmpf ogt, %add3A_341, %gt3A_343 : vector<1000x128xf32>
    %min3A_345 = arith.constant 0.000000e+00 : f32
    %min3A_346 = vector.broadcast %min3A_345 : f32 to vector<1000x128xf32>
    %min3A_347 = arith.minimumf %add3A_341, %min3A_346 : vector<1000x128xf32>
    %exp3A_348 = math.exp %min3A_347 : vector<1000x128xf32>
    %sub3A_349 = arith.constant 1.000000e+00 : f32
    %sub3A_350 = vector.broadcast %sub3A_349 : f32 to vector<1000x128xf32>
    %sub3A_351 = arith.subf %exp3A_348, %sub3A_350 : vector<1000x128xf32>
    %select_n3A_352 = arith.select %gt3A_344, %add3A_341, %sub3A_351 : vector<1000x128xi1>, vector<1000x128xf32>
    %mul3A = arith.constant 1000 : i32
    %mul3A_353 = arith.muli %arg0, %mul3A : i32
    %add3A_354 = arith.constant 5000 : i32
    %add3A_355 = arith.addi %add3A_354, %mul3A_353 : i32
    %iota3A = tpu.iota {dimensions = array<i32: 0>} : vector<1000x1xi32>
    %add3A_356 = vector.broadcast %add3A_355 : i32 to vector<1000x1xi32>
    %add3A_357 = arith.addi %add3A_356, %iota3A : vector<1000x1xi32>
    %ne3A = arith.constant 9999 : i32
    %ne3A_358 = vector.broadcast %ne3A : i32 to vector<1000x1xi32>
    %ne3A_359 = arith.cmpi ne, %add3A_357, %ne3A_358 : vector<1000x1xi32>
    %convert_element_type3A_360 = arith.extui %ne3A_359 : vector<1000x1xi1> to vector<1000x1xi32>
    %convert_element_type3A_361 = arith.sitofp %convert_element_type3A_360 : vector<1000x1xi32> to vector<1000x1xf32>
    %get3A_362 = arith.constant 0 : index
    %get3A_363 = arith.constant 0 : index
    %get3A_364 = vector.load %arg3[%get3A_362, %get3A_363] : memref<1000x128xf32, #tpu.memory_space<vmem>>, vector<1000x128xf32>
    %get3A_365 = arith.constant 0 : index
    %get3A_366 = arith.constant 0 : index
    %get3A_367 = vector.load %arg6[%get3A_365, %get3A_366] : memref<128x128xf32, #tpu.memory_space<vmem>>, vector<128x128xf32>
    %dot_general3A_368 = arith.constant dense<0.000000e+00> : vector<1000x128xf32>
    %dot_general3A_369 = tpu.matmul %get3A_364, %get3A_367, %dot_general3A_368 {dimension_numbers = #tpu.dot_dimension_numbers<[1], [0], [0], [1], [0, 0, 1, 1], [], []>, transpose_lhs_hint = false} : vector<1000x128xf32>, vector<128x128xf32>, vector<1000x128xf32> -> vector<1000x128xf32>
    %get3A_370 = arith.constant 0 : index
    %get3A_371 = arith.constant 0 : index
    %get3A_372 = vector.load %arg7[%get3A_370, %get3A_371] : memref<1x128xf32, #tpu.memory_space<vmem>>, vector<1x128xf32>
    %add3A_373 = vector.broadcast %get3A_372 : vector<1x128xf32> to vector<1000x128xf32>
    %add3A_374 = arith.addf %dot_general3A_369, %add3A_373 : vector<1000x128xf32>
    %mul3A_375 = vector.broadcast %convert_element_type3A_361 : vector<1000x1xf32> to vector<1000x128xf32>
    %mul3A_376 = arith.mulf %select_n3A_352, %mul3A_375 : vector<1000x128xf32>
    %add3A_377 = arith.addf %mul3A_376, %add3A_374 : vector<1000x128xf32>
    %swap3A = arith.constant 0 : index
    %swap3A_378 = arith.constant 0 : index
    %swap3A_379 = vector.load %arg8[%swap3A, %swap3A_378] : memref<1000x128xf32, #tpu.memory_space<vmem>>, vector<1000x128xf32>
    tpu.vector_store %arg8[%swap3A, %swap3A_378], %add3A_377 {strides = array<i32>} : memref<1000x128xf32, #tpu.memory_space<vmem>>, vector<1000x128xf32>,
    return
  }
  func.func @transform_0(%arg0: i32) -> (i32, i32) {
    %c0_i32 = arith.constant 0 : i32
    %c0_i32_0 = arith.constant 0 : i32
    return %arg0, %c0_i32 : i32, i32
  }
  func.func @transform_1(%arg0: i32) -> (i32, i32, i32) {
    %add3A = arith.constant 5 : i32
    %add3A_0 = arith.addi %add3A, %arg0 : i32
    %c0_i32 = arith.constant 0 : i32
    %c0_i32_1 = arith.constant 0 : i32
    %c0_i32_2 = arith.constant 0 : i32
    return %add3A_0, %c0_i32, %c0_i32_1 : i32, i32, i32
  }
  func.func @transform_2(%arg0: i32) -> (i32, i32) {
    %add3A = arith.constant 15 : i32
    %add3A_0 = arith.addi %add3A, %arg0 : i32
    %c0_i32 = arith.constant 0 : i32
    %c0_i32_1 = arith.constant 0 : i32
    return %add3A_0, %c0_i32 : i32, i32
  }
  func.func @transform_3(%arg0: i32) -> (i32, i32, i32) {
    %c0_i32 = arith.constant 0 : i32
    %c0_i32_0 = arith.constant 0 : i32
    %c0_i32_1 = arith.constant 0 : i32
    %c0_i32_2 = arith.constant 0 : i32
    return %c0_i32, %c0_i32_0, %c0_i32_1 : i32, i32, i32
  }
  func.func @transform_4(%arg0: i32) -> (i32, i32) {
    %c0_i32 = arith.constant 0 : i32
    %c0_i32_0 = arith.constant 0 : i32
    %c0_i32_1 = arith.constant 0 : i32
    return %c0_i32, %c0_i32_0 : i32, i32
  }
  func.func @transform_5(%arg0: i32) -> (i32, i32) {
    %c0_i32 = arith.constant 0 : i32
    %c0_i32_0 = arith.constant 0 : i32
    %c0_i32_1 = arith.constant 0 : i32
    return %c0_i32, %c0_i32_0 : i32, i32
  }
  func.func @transform_6(%arg0: i32) -> (i32, i32) {
    %c0_i32 = arith.constant 0 : i32
    %c0_i32_0 = arith.constant 0 : i32
    %c0_i32_1 = arith.constant 0 : i32
    return %c0_i32, %c0_i32_0 : i32, i32
  }
  func.func @transform_7(%arg0: i32) -> (i32, i32) {
    %c0_i32 = arith.constant 0 : i32
    %c0_i32_0 = arith.constant 0 : i32
    return %arg0, %c0_i32 : i32, i32
  }
}

module attributes {stable_mosaic.version = 14 : i64} {
  func.func @body(%arg0: i32, %arg1: memref<16000x128xf32, #tpu.memory_space<vmem>>, %arg2: memref<1000x16x16xbf16, #tpu.memory_space<vmem>>, %arg3: memref<1000x128xf32, #tpu.memory_space<vmem>>, %arg4: memref<16x128x128xbf16, #tpu.memory_space<vmem>>, %arg5: memref<1x128xf32, #tpu.memory_space<vmem>>, %arg6: memref<128x128xf32, #tpu.memory_space<vmem>>, %arg7: memref<1x128xf32, #tpu.memory_space<vmem>>, %arg8: memref<1000x128xf32, #tpu.memory_space<vmem>>) attributes {dimension_semantics = [#tpu.dimension_semantics<arbitrary>], iteration_bounds = array<i64: 5>, scalar_prefetch = 0 : i64, scratch_operands = 0 : i64, tpu.core_type = #tpu.core_type<tc>, window_params = [{transform_indices = @transform_0, window_bounds = array<i64: 16000, 128>}, {transform_indices = @transform_1, window_bounds = array<i64: 1000, 16, 16>}, {transform_indices = @transform_2, window_bounds = array<i64: 1000, 128>}, {pipeline_mode = #tpu.pipeline_mode<synchronous>, transform_indices = @transform_3, window_bounds = array<i64: 16, 128, 128>}, {pipeline_mode = #tpu.pipeline_mode<synchronous>, transform_indices = @transform_4, window_bounds = array<i64: 1, 128>}, {pipeline_mode = #tpu.pipeline_mode<synchronous>, transform_indices = @transform_5, window_bounds = array<i64: 128, 128>}, {pipeline_mode = #tpu.pipeline_mode<synchronous>, transform_indices = @transform_6, window_bounds = array<i64: 1, 128>}, {transform_indices = @transform_7, window_bounds = array<i64: 1000, 128>}]} {
    %get3A = arith.constant 0 : index
    %get3A_0 = arith.constant 0 : index
    %get3A_1 = vector.load %arg1[%get3A, %get3A_0] : memref<16000x128xf32, #tpu.memory_space<vmem>>, vector<16000x128xf32>
    %reshape3A = vector.shape_cast %get3A_1 : vector<16000x128xf32> to vector<1000x16x128xf32>
    %convert_element_type3A = arith.truncf %reshape3A : vector<1000x16x128xf32> to vector<1000x16x128xbf16>
    %get3A_2 = arith.constant 0 : index
    %get3A_3 = arith.constant 0 : index
    %get3A_4 = arith.constant 0 : index
    %get3A_5 = vector.load %arg2[%get3A_2, %get3A_3, %get3A_4] : memref<1000x16x16xbf16, #tpu.memory_space<vmem>>, vector<1000x16x16xbf16>
    %dot_general3A = arith.constant dense<0.000000e+00> : vector<1000x16x128xf32>
    %dot_general3A_6 = tpu.matmul %get3A_5, %convert_element_type3A, %dot_general3A {dimension_numbers = #tpu.dot_dimension_numbers<[1], [1], [2], [2], [0, 0, 0, 2, 1, 2], [0], [0]>, transpose_lhs_hint = false} : vector<1000x16x16xbf16>, vector<1000x16x128xbf16>, vector<1000x16x128xf32> -> vector<1000x16x128xf32>
    %convert_element_type3A_7 = arith.truncf %dot_general3A_6 : vector<1000x16x128xf32> to vector<1000x16x128xbf16>
    %broadcast_in_dim3A = arith.constant 0.000000e+00 : f32
    %broadcast_in_dim3A_8 = vector.broadcast %broadcast_in_dim3A : f32 to vector<1000x128xf32>
    %slice3A = vector.extract_strided_slice %convert_element_type3A_7 {offsets = [0, 0, 0], sizes = [1000, 1, 128], strides = [1, 1, 1]} : vector<1000x16x128xbf16> to vector<1000x1x128xbf16>
    %squeeze3A = vector.shape_cast %slice3A : vector<1000x1x128xbf16> to vector<1000x128xbf16>
    %gt3A = arith.constant 0.000000e+00 : bf16
    %gt3A_9 = vector.broadcast %gt3A : bf16 to vector<1000x128xbf16>
    %gt3A_10 = arith.cmpf ogt, %squeeze3A, %gt3A_9 : vector<1000x128xbf16>
    %min3A = arith.constant 0.000000e+00 : bf16
    %min3A_11 = vector.broadcast %min3A : bf16 to vector<1000x128xbf16>
    %min3A_12 = arith.minimumf %squeeze3A, %min3A_11 : vector<1000x128xbf16>
    %exp3A = math.exp %min3A_12 : vector<1000x128xbf16>
    %sub3A = arith.constant 1.000000e+00 : bf16
    %sub3A_13 = vector.broadcast %sub3A : bf16 to vector<1000x128xbf16>
    %sub3A_14 = arith.subf %exp3A, %sub3A_13 : vector<1000x128xbf16>
    %select_n3A = arith.select %gt3A_10, %squeeze3A, %sub3A_14 : vector<1000x128xi1>, vector<1000x128xbf16>
    %get3A_15 = arith.constant 0 : index
    %get3A_16 = arith.constant 0 : index
    %get3A_17 = arith.constant 0 : index
    %get3A_18 = vector.load %arg4[%get3A_15, %get3A_16, %get3A_17] : memref<16x128x128xbf16, #tpu.memory_space<vmem>>, vector<1x128x128xbf16>
    %get3A_19 = vector.shape_cast %get3A_18 : vector<1x128x128xbf16> to vector<128x128xbf16>
    %dot_general3A_20 = arith.constant dense<0.000000e+00> : vector<1000x128xf32>
    %dot_general3A_21 = tpu.matmul %select_n3A, %get3A_19, %dot_general3A_20 {dimension_numbers = #tpu.dot_dimension_numbers<[1], [0], [0], [1], [0, 0, 1, 1], [], []>, transpose_lhs_hint = false} : vector<1000x128xbf16>, vector<128x128xbf16>, vector<1000x128xf32> -> vector<1000x128xf32>
    %add3A = arith.addf %broadcast_in_dim3A_8, %dot_general3A_21 : vector<1000x128xf32>
    %slice3A_22 = vector.extract_strided_slice %convert_element_type3A_7 {offsets = [0, 1, 0], sizes = [1000, 1, 128], strides = [1, 1, 1]} : vector<1000x16x128xbf16> to vector<1000x1x128xbf16>
    %squeeze3A_23 = vector.shape_cast %slice3A_22 : vector<1000x1x128xbf16> to vector<1000x128xbf16>
    %gt3A_24 = arith.constant 0.000000e+00 : bf16
    %gt3A_25 = vector.broadcast %gt3A_24 : bf16 to vector<1000x128xbf16>
    %gt3A_26 = arith.cmpf ogt, %squeeze3A_23, %gt3A_25 : vector<1000x128xbf16>
    %min3A_27 = arith.constant 0.000000e+00 : bf16
    %min3A_28 = vector.broadcast %min3A_27 : bf16 to vector<1000x128xbf16>
    %min3A_29 = arith.minimumf %squeeze3A_23, %min3A_28 : vector<1000x128xbf16>
    %exp3A_30 = math.exp %min3A_29 : vector<1000x128xbf16>
    %sub3A_31 = arith.constant 1.000000e+00 : bf16
    %sub3A_32 = vector.broadcast %sub3A_31 : bf16 to vector<1000x128xbf16>
    %sub3A_33 = arith.subf %exp3A_30, %sub3A_32 : vector<1000x128xbf16>
    %select_n3A_34 = arith.select %gt3A_26, %squeeze3A_23, %sub3A_33 : vector<1000x128xi1>, vector<1000x128xbf16>
    %get3A_35 = arith.constant 1 : index
    %get3A_36 = arith.constant 0 : index
    %get3A_37 = arith.constant 0 : index
    %get3A_38 = vector.load %arg4[%get3A_35, %get3A_36, %get3A_37] : memref<16x128x128xbf16, #tpu.memory_space<vmem>>, vector<1x128x128xbf16>
    %get3A_39 = vector.shape_cast %get3A_38 : vector<1x128x128xbf16> to vector<128x128xbf16>
    %dot_general3A_40 = arith.constant dense<0.000000e+00> : vector<1000x128xf32>
    %dot_general3A_41 = tpu.matmul %select_n3A_34, %get3A_39, %dot_general3A_40 {dimension_numbers = #tpu.dot_dimension_numbers<[1], [0], [0], [1], [0, 0, 1, 1], [], []>, transpose_lhs_hint = false} : vector<1000x128xbf16>, vector<128x128xbf16>, vector<1000x128xf32> -> vector<1000x128xf32>
    %add3A_42 = arith.addf %add3A, %dot_general3A_41 : vector<1000x128xf32>
    %slice3A_43 = vector.extract_strided_slice %convert_element_type3A_7 {offsets = [0, 2, 0], sizes = [1000, 1, 128], strides = [1, 1, 1]} : vector<1000x16x128xbf16> to vector<1000x1x128xbf16>
    %squeeze3A_44 = vector.shape_cast %slice3A_43 : vector<1000x1x128xbf16> to vector<1000x128xbf16>
    %gt3A_45 = arith.constant 0.000000e+00 : bf16
    %gt3A_46 = vector.broadcast %gt3A_45 : bf16 to vector<1000x128xbf16>
    %gt3A_47 = arith.cmpf ogt, %squeeze3A_44, %gt3A_46 : vector<1000x128xbf16>
    %min3A_48 = arith.constant 0.000000e+00 : bf16
    %min3A_49 = vector.broadcast %min3A_48 : bf16 to vector<1000x128xbf16>
    %min3A_50 = arith.minimumf %squeeze3A_44, %min3A_49 : vector<1000x128xbf16>
    %exp3A_51 = math.exp %min3A_50 : vector<1000x128xbf16>
    %sub3A_52 = arith.constant 1.000000e+00 : bf16
    %sub3A_53 = vector.broadcast %sub3A_52 : bf16 to vector<1000x128xbf16>
    %sub3A_54 = arith.subf %exp3A_51, %sub3A_53 : vector<1000x128xbf16>
    %select_n3A_55 = arith.select %gt3A_47, %squeeze3A_44, %sub3A_54 : vector<1000x128xi1>, vector<1000x128xbf16>
    %get3A_56 = arith.constant 2 : index
    %get3A_57 = arith.constant 0 : index
    %get3A_58 = arith.constant 0 : index
    %get3A_59 = vector.load %arg4[%get3A_56, %get3A_57, %get3A_58] : memref<16x128x128xbf16, #tpu.memory_space<vmem>>, vector<1x128x128xbf16>
    %get3A_60 = vector.shape_cast %get3A_59 : vector<1x128x128xbf16> to vector<128x128xbf16>
    %dot_general3A_61 = arith.constant dense<0.000000e+00> : vector<1000x128xf32>
    %dot_general3A_62 = tpu.matmul %select_n3A_55, %get3A_60, %dot_general3A_61 {dimension_numbers = #tpu.dot_dimension_numbers<[1], [0], [0], [1], [0, 0, 1, 1], [], []>, transpose_lhs_hint = false} : vector<1000x128xbf16>, vector<128x128xbf16>, vector<1000x128xf32> -> vector<1000x128xf32>
    %add3A_63 = arith.addf %add3A_42, %dot_general3A_62 : vector<1000x128xf32>
    %slice3A_64 = vector.extract_strided_slice %convert_element_type3A_7 {offsets = [0, 3, 0], sizes = [1000, 1, 128], strides = [1, 1, 1]} : vector<1000x16x128xbf16> to vector<1000x1x128xbf16>
    %squeeze3A_65 = vector.shape_cast %slice3A_64 : vector<1000x1x128xbf16> to vector<1000x128xbf16>
    %gt3A_66 = arith.constant 0.000000e+00 : bf16
    %gt3A_67 = vector.broadcast %gt3A_66 : bf16 to vector<1000x128xbf16>
    %gt3A_68 = arith.cmpf ogt, %squeeze3A_65, %gt3A_67 : vector<1000x128xbf16>
    %min3A_69 = arith.constant 0.000000e+00 : bf16
    %min3A_70 = vector.broadcast %min3A_69 : bf16 to vector<1000x128xbf16>
    %min3A_71 = arith.minimumf %squeeze3A_65, %min3A_70 : vector<1000x128xbf16>
    %exp3A_72 = math.exp %min3A_71 : vector<1000x128xbf16>
    %sub3A_73 = arith.constant 1.000000e+00 : bf16
    %sub3A_74 = vector.broadcast %sub3A_73 : bf16 to vector<1000x128xbf16>
    %sub3A_75 = arith.subf %exp3A_72, %sub3A_74 : vector<1000x128xbf16>
    %select_n3A_76 = arith.select %gt3A_68, %squeeze3A_65, %sub3A_75 : vector<1000x128xi1>, vector<1000x128xbf16>
    %get3A_77 = arith.constant 3 : index
    %get3A_78 = arith.constant 0 : index
    %get3A_79 = arith.constant 0 : index
    %get3A_80 = vector.load %arg4[%get3A_77, %get3A_78, %get3A_79] : memref<16x128x128xbf16, #tpu.memory_space<vmem>>, vector<1x128x128xbf16>
    %get3A_81 = vector.shape_cast %get3A_80 : vector<1x128x128xbf16> to vector<128x128xbf16>
    %dot_general3A_82 = arith.constant dense<0.000000e+00> : vector<1000x128xf32>
    %dot_general3A_83 = tpu.matmul %select_n3A_76, %get3A_81, %dot_general3A_82 {dimension_numbers = #tpu.dot_dimension_numbers<[1], [0], [0], [1], [0, 0, 1, 1], [], []>, transpose_lhs_hint = false} : vector<1000x128xbf16>, vector<128x128xbf16>, vector<1000x128xf32> -> vector<1000x128xf32>
    %add3A_84 = arith.addf %add3A_63, %dot_general3A_83 : vector<1000x128xf32>
    %slice3A_85 = vector.extract_strided_slice %convert_element_type3A_7 {offsets = [0, 4, 0], sizes = [1000, 1, 128], strides = [1, 1, 1]} : vector<1000x16x128xbf16> to vector<1000x1x128xbf16>
    %squeeze3A_86 = vector.shape_cast %slice3A_85 : vector<1000x1x128xbf16> to vector<1000x128xbf16>
    %gt3A_87 = arith.constant 0.000000e+00 : bf16
    %gt3A_88 = vector.broadcast %gt3A_87 : bf16 to vector<1000x128xbf16>
    %gt3A_89 = arith.cmpf ogt, %squeeze3A_86, %gt3A_88 : vector<1000x128xbf16>
    %min3A_90 = arith.constant 0.000000e+00 : bf16
    %min3A_91 = vector.broadcast %min3A_90 : bf16 to vector<1000x128xbf16>
    %min3A_92 = arith.minimumf %squeeze3A_86, %min3A_91 : vector<1000x128xbf16>
    %exp3A_93 = math.exp %min3A_92 : vector<1000x128xbf16>
    %sub3A_94 = arith.constant 1.000000e+00 : bf16
    %sub3A_95 = vector.broadcast %sub3A_94 : bf16 to vector<1000x128xbf16>
    %sub3A_96 = arith.subf %exp3A_93, %sub3A_95 : vector<1000x128xbf16>
    %select_n3A_97 = arith.select %gt3A_89, %squeeze3A_86, %sub3A_96 : vector<1000x128xi1>, vector<1000x128xbf16>
    %get3A_98 = arith.constant 4 : index
    %get3A_99 = arith.constant 0 : index
    %get3A_100 = arith.constant 0 : index
    %get3A_101 = vector.load %arg4[%get3A_98, %get3A_99, %get3A_100] : memref<16x128x128xbf16, #tpu.memory_space<vmem>>, vector<1x128x128xbf16>
    %get3A_102 = vector.shape_cast %get3A_101 : vector<1x128x128xbf16> to vector<128x128xbf16>
    %dot_general3A_103 = arith.constant dense<0.000000e+00> : vector<1000x128xf32>
    %dot_general3A_104 = tpu.matmul %select_n3A_97, %get3A_102, %dot_general3A_103 {dimension_numbers = #tpu.dot_dimension_numbers<[1], [0], [0], [1], [0, 0, 1, 1], [], []>, transpose_lhs_hint = false} : vector<1000x128xbf16>, vector<128x128xbf16>, vector<1000x128xf32> -> vector<1000x128xf32>
    %add3A_105 = arith.addf %add3A_84, %dot_general3A_104 : vector<1000x128xf32>
    %slice3A_106 = vector.extract_strided_slice %convert_element_type3A_7 {offsets = [0, 5, 0], sizes = [1000, 1, 128], strides = [1, 1, 1]} : vector<1000x16x128xbf16> to vector<1000x1x128xbf16>
    %squeeze3A_107 = vector.shape_cast %slice3A_106 : vector<1000x1x128xbf16> to vector<1000x128xbf16>
    %gt3A_108 = arith.constant 0.000000e+00 : bf16
    %gt3A_109 = vector.broadcast %gt3A_108 : bf16 to vector<1000x128xbf16>
    %gt3A_110 = arith.cmpf ogt, %squeeze3A_107, %gt3A_109 : vector<1000x128xbf16>
    %min3A_111 = arith.constant 0.000000e+00 : bf16
    %min3A_112 = vector.broadcast %min3A_111 : bf16 to vector<1000x128xbf16>
    %min3A_113 = arith.minimumf %squeeze3A_107, %min3A_112 : vector<1000x128xbf16>
    %exp3A_114 = math.exp %min3A_113 : vector<1000x128xbf16>
    %sub3A_115 = arith.constant 1.000000e+00 : bf16
    %sub3A_116 = vector.broadcast %sub3A_115 : bf16 to vector<1000x128xbf16>
    %sub3A_117 = arith.subf %exp3A_114, %sub3A_116 : vector<1000x128xbf16>
    %select_n3A_118 = arith.select %gt3A_110, %squeeze3A_107, %sub3A_117 : vector<1000x128xi1>, vector<1000x128xbf16>
    %get3A_119 = arith.constant 5 : index
    %get3A_120 = arith.constant 0 : index
    %get3A_121 = arith.constant 0 : index
    %get3A_122 = vector.load %arg4[%get3A_119, %get3A_120, %get3A_121] : memref<16x128x128xbf16, #tpu.memory_space<vmem>>, vector<1x128x128xbf16>
    %get3A_123 = vector.shape_cast %get3A_122 : vector<1x128x128xbf16> to vector<128x128xbf16>
    %dot_general3A_124 = arith.constant dense<0.000000e+00> : vector<1000x128xf32>
    %dot_general3A_125 = tpu.matmul %select_n3A_118, %get3A_123, %dot_general3A_124 {dimension_numbers = #tpu.dot_dimension_numbers<[1], [0], [0], [1], [0, 0, 1, 1], [], []>, transpose_lhs_hint = false} : vector<1000x128xbf16>, vector<128x128xbf16>, vector<1000x128xf32> -> vector<1000x128xf32>
    %add3A_126 = arith.addf %add3A_105, %dot_general3A_125 : vector<1000x128xf32>
    %slice3A_127 = vector.extract_strided_slice %convert_element_type3A_7 {offsets = [0, 6, 0], sizes = [1000, 1, 128], strides = [1, 1, 1]} : vector<1000x16x128xbf16> to vector<1000x1x128xbf16>
    %squeeze3A_128 = vector.shape_cast %slice3A_127 : vector<1000x1x128xbf16> to vector<1000x128xbf16>
    %gt3A_129 = arith.constant 0.000000e+00 : bf16
    %gt3A_130 = vector.broadcast %gt3A_129 : bf16 to vector<1000x128xbf16>
    %gt3A_131 = arith.cmpf ogt, %squeeze3A_128, %gt3A_130 : vector<1000x128xbf16>
    %min3A_132 = arith.constant 0.000000e+00 : bf16
    %min3A_133 = vector.broadcast %min3A_132 : bf16 to vector<1000x128xbf16>
    %min3A_134 = arith.minimumf %squeeze3A_128, %min3A_133 : vector<1000x128xbf16>
    %exp3A_135 = math.exp %min3A_134 : vector<1000x128xbf16>
    %sub3A_136 = arith.constant 1.000000e+00 : bf16
    %sub3A_137 = vector.broadcast %sub3A_136 : bf16 to vector<1000x128xbf16>
    %sub3A_138 = arith.subf %exp3A_135, %sub3A_137 : vector<1000x128xbf16>
    %select_n3A_139 = arith.select %gt3A_131, %squeeze3A_128, %sub3A_138 : vector<1000x128xi1>, vector<1000x128xbf16>
    %get3A_140 = arith.constant 6 : index
    %get3A_141 = arith.constant 0 : index
    %get3A_142 = arith.constant 0 : index
    %get3A_143 = vector.load %arg4[%get3A_140, %get3A_141, %get3A_142] : memref<16x128x128xbf16, #tpu.memory_space<vmem>>, vector<1x128x128xbf16>
    %get3A_144 = vector.shape_cast %get3A_143 : vector<1x128x128xbf16> to vector<128x128xbf16>
    %dot_general3A_145 = arith.constant dense<0.000000e+00> : vector<1000x128xf32>
    %dot_general3A_146 = tpu.matmul %select_n3A_139, %get3A_144, %dot_general3A_145 {dimension_numbers = #tpu.dot_dimension_numbers<[1], [0], [0], [1], [0, 0, 1, 1], [], []>, transpose_lhs_hint = false} : vector<1000x128xbf16>, vector<128x128xbf16>, vector<1000x128xf32> -> vector<1000x128xf32>
    %add3A_147 = arith.addf %add3A_126, %dot_general3A_146 : vector<1000x128xf32>
    %slice3A_148 = vector.extract_strided_slice %convert_element_type3A_7 {offsets = [0, 7, 0], sizes = [1000, 1, 128], strides = [1, 1, 1]} : vector<1000x16x128xbf16> to vector<1000x1x128xbf16>
    %squeeze3A_149 = vector.shape_cast %slice3A_148 : vector<1000x1x128xbf16> to vector<1000x128xbf16>
    %gt3A_150 = arith.constant 0.000000e+00 : bf16
    %gt3A_151 = vector.broadcast %gt3A_150 : bf16 to vector<1000x128xbf16>
    %gt3A_152 = arith.cmpf ogt, %squeeze3A_149, %gt3A_151 : vector<1000x128xbf16>
    %min3A_153 = arith.constant 0.000000e+00 : bf16
    %min3A_154 = vector.broadcast %min3A_153 : bf16 to vector<1000x128xbf16>
    %min3A_155 = arith.minimumf %squeeze3A_149, %min3A_154 : vector<1000x128xbf16>
    %exp3A_156 = math.exp %min3A_155 : vector<1000x128xbf16>
    %sub3A_157 = arith.constant 1.000000e+00 : bf16
    %sub3A_158 = vector.broadcast %sub3A_157 : bf16 to vector<1000x128xbf16>
    %sub3A_159 = arith.subf %exp3A_156, %sub3A_158 : vector<1000x128xbf16>
    %select_n3A_160 = arith.select %gt3A_152, %squeeze3A_149, %sub3A_159 : vector<1000x128xi1>, vector<1000x128xbf16>
    %get3A_161 = arith.constant 7 : index
    %get3A_162 = arith.constant 0 : index
    %get3A_163 = arith.constant 0 : index
    %get3A_164 = vector.load %arg4[%get3A_161, %get3A_162, %get3A_163] : memref<16x128x128xbf16, #tpu.memory_space<vmem>>, vector<1x128x128xbf16>
    %get3A_165 = vector.shape_cast %get3A_164 : vector<1x128x128xbf16> to vector<128x128xbf16>
    %dot_general3A_166 = arith.constant dense<0.000000e+00> : vector<1000x128xf32>
    %dot_general3A_167 = tpu.matmul %select_n3A_160, %get3A_165, %dot_general3A_166 {dimension_numbers = #tpu.dot_dimension_numbers<[1], [0], [0], [1], [0, 0, 1, 1], [], []>, transpose_lhs_hint = false} : vector<1000x128xbf16>, vector<128x128xbf16>, vector<1000x128xf32> -> vector<1000x128xf32>
    %add3A_168 = arith.addf %add3A_147, %dot_general3A_167 : vector<1000x128xf32>
    %slice3A_169 = vector.extract_strided_slice %convert_element_type3A_7 {offsets = [0, 8, 0], sizes = [1000, 1, 128], strides = [1, 1, 1]} : vector<1000x16x128xbf16> to vector<1000x1x128xbf16>
    %squeeze3A_170 = vector.shape_cast %slice3A_169 : vector<1000x1x128xbf16> to vector<1000x128xbf16>
    %gt3A_171 = arith.constant 0.000000e+00 : bf16
    %gt3A_172 = vector.broadcast %gt3A_171 : bf16 to vector<1000x128xbf16>
    %gt3A_173 = arith.cmpf ogt, %squeeze3A_170, %gt3A_172 : vector<1000x128xbf16>
    %min3A_174 = arith.constant 0.000000e+00 : bf16
    %min3A_175 = vector.broadcast %min3A_174 : bf16 to vector<1000x128xbf16>
    %min3A_176 = arith.minimumf %squeeze3A_170, %min3A_175 : vector<1000x128xbf16>
    %exp3A_177 = math.exp %min3A_176 : vector<1000x128xbf16>
    %sub3A_178 = arith.constant 1.000000e+00 : bf16
    %sub3A_179 = vector.broadcast %sub3A_178 : bf16 to vector<1000x128xbf16>
    %sub3A_180 = arith.subf %exp3A_177, %sub3A_179 : vector<1000x128xbf16>
    %select_n3A_181 = arith.select %gt3A_173, %squeeze3A_170, %sub3A_180 : vector<1000x128xi1>, vector<1000x128xbf16>
    %get3A_182 = arith.constant 8 : index
    %get3A_183 = arith.constant 0 : index
    %get3A_184 = arith.constant 0 : index
    %get3A_185 = vector.load %arg4[%get3A_182, %get3A_183, %get3A_184] : memref<16x128x128xbf16, #tpu.memory_space<vmem>>, vector<1x128x128xbf16>
    %get3A_186 = vector.shape_cast %get3A_185 : vector<1x128x128xbf16> to vector<128x128xbf16>
    %dot_general3A_187 = arith.constant dense<0.000000e+00> : vector<1000x128xf32>
    %dot_general3A_188 = tpu.matmul %select_n3A_181, %get3A_186, %dot_general3A_187 {dimension_numbers = #tpu.dot_dimension_numbers<[1], [0], [0], [1], [0, 0, 1, 1], [], []>, transpose_lhs_hint = false} : vector<1000x128xbf16>, vector<128x128xbf16>, vector<1000x128xf32> -> vector<1000x128xf32>
    %add3A_189 = arith.addf %add3A_168, %dot_general3A_188 : vector<1000x128xf32>
    %slice3A_190 = vector.extract_strided_slice %convert_element_type3A_7 {offsets = [0, 9, 0], sizes = [1000, 1, 128], strides = [1, 1, 1]} : vector<1000x16x128xbf16> to vector<1000x1x128xbf16>
    %squeeze3A_191 = vector.shape_cast %slice3A_190 : vector<1000x1x128xbf16> to vector<1000x128xbf16>
    %gt3A_192 = arith.constant 0.000000e+00 : bf16
    %gt3A_193 = vector.broadcast %gt3A_192 : bf16 to vector<1000x128xbf16>
    %gt3A_194 = arith.cmpf ogt, %squeeze3A_191, %gt3A_193 : vector<1000x128xbf16>
    %min3A_195 = arith.constant 0.000000e+00 : bf16
    %min3A_196 = vector.broadcast %min3A_195 : bf16 to vector<1000x128xbf16>
    %min3A_197 = arith.minimumf %squeeze3A_191, %min3A_196 : vector<1000x128xbf16>
    %exp3A_198 = math.exp %min3A_197 : vector<1000x128xbf16>
    %sub3A_199 = arith.constant 1.000000e+00 : bf16
    %sub3A_200 = vector.broadcast %sub3A_199 : bf16 to vector<1000x128xbf16>
    %sub3A_201 = arith.subf %exp3A_198, %sub3A_200 : vector<1000x128xbf16>
    %select_n3A_202 = arith.select %gt3A_194, %squeeze3A_191, %sub3A_201 : vector<1000x128xi1>, vector<1000x128xbf16>
    %get3A_203 = arith.constant 9 : index
    %get3A_204 = arith.constant 0 : index
    %get3A_205 = arith.constant 0 : index
    %get3A_206 = vector.load %arg4[%get3A_203, %get3A_204, %get3A_205] : memref<16x128x128xbf16, #tpu.memory_space<vmem>>, vector<1x128x128xbf16>
    %get3A_207 = vector.shape_cast %get3A_206 : vector<1x128x128xbf16> to vector<128x128xbf16>
    %dot_general3A_208 = arith.constant dense<0.000000e+00> : vector<1000x128xf32>
    %dot_general3A_209 = tpu.matmul %select_n3A_202, %get3A_207, %dot_general3A_208 {dimension_numbers = #tpu.dot_dimension_numbers<[1], [0], [0], [1], [0, 0, 1, 1], [], []>, transpose_lhs_hint = false} : vector<1000x128xbf16>, vector<128x128xbf16>, vector<1000x128xf32> -> vector<1000x128xf32>
    %add3A_210 = arith.addf %add3A_189, %dot_general3A_209 : vector<1000x128xf32>
    %slice3A_211 = vector.extract_strided_slice %convert_element_type3A_7 {offsets = [0, 10, 0], sizes = [1000, 1, 128], strides = [1, 1, 1]} : vector<1000x16x128xbf16> to vector<1000x1x128xbf16>
    %squeeze3A_212 = vector.shape_cast %slice3A_211 : vector<1000x1x128xbf16> to vector<1000x128xbf16>
    %gt3A_213 = arith.constant 0.000000e+00 : bf16
    %gt3A_214 = vector.broadcast %gt3A_213 : bf16 to vector<1000x128xbf16>
    %gt3A_215 = arith.cmpf ogt, %squeeze3A_212, %gt3A_214 : vector<1000x128xbf16>
    %min3A_216 = arith.constant 0.000000e+00 : bf16
    %min3A_217 = vector.broadcast %min3A_216 : bf16 to vector<1000x128xbf16>
    %min3A_218 = arith.minimumf %squeeze3A_212, %min3A_217 : vector<1000x128xbf16>
    %exp3A_219 = math.exp %min3A_218 : vector<1000x128xbf16>
    %sub3A_220 = arith.constant 1.000000e+00 : bf16
    %sub3A_221 = vector.broadcast %sub3A_220 : bf16 to vector<1000x128xbf16>
    %sub3A_222 = arith.subf %exp3A_219, %sub3A_221 : vector<1000x128xbf16>
    %select_n3A_223 = arith.select %gt3A_215, %squeeze3A_212, %sub3A_222 : vector<1000x128xi1>, vector<1000x128xbf16>
    %get3A_224 = arith.constant 10 : index
    %get3A_225 = arith.constant 0 : index
    %get3A_226 = arith.constant 0 : index
    %get3A_227 = vector.load %arg4[%get3A_224, %get3A_225, %get3A_226] : memref<16x128x128xbf16, #tpu.memory_space<vmem>>, vector<1x128x128xbf16>
    %get3A_228 = vector.shape_cast %get3A_227 : vector<1x128x128xbf16> to vector<128x128xbf16>
    %dot_general3A_229 = arith.constant dense<0.000000e+00> : vector<1000x128xf32>
    %dot_general3A_230 = tpu.matmul %select_n3A_223, %get3A_228, %dot_general3A_229 {dimension_numbers = #tpu.dot_dimension_numbers<[1], [0], [0], [1], [0, 0, 1, 1], [], []>, transpose_lhs_hint = false} : vector<1000x128xbf16>, vector<128x128xbf16>, vector<1000x128xf32> -> vector<1000x128xf32>
    %add3A_231 = arith.addf %add3A_210, %dot_general3A_230 : vector<1000x128xf32>
    %slice3A_232 = vector.extract_strided_slice %convert_element_type3A_7 {offsets = [0, 11, 0], sizes = [1000, 1, 128], strides = [1, 1, 1]} : vector<1000x16x128xbf16> to vector<1000x1x128xbf16>
    %squeeze3A_233 = vector.shape_cast %slice3A_232 : vector<1000x1x128xbf16> to vector<1000x128xbf16>
    %gt3A_234 = arith.constant 0.000000e+00 : bf16
    %gt3A_235 = vector.broadcast %gt3A_234 : bf16 to vector<1000x128xbf16>
    %gt3A_236 = arith.cmpf ogt, %squeeze3A_233, %gt3A_235 : vector<1000x128xbf16>
    %min3A_237 = arith.constant 0.000000e+00 : bf16
    %min3A_238 = vector.broadcast %min3A_237 : bf16 to vector<1000x128xbf16>
    %min3A_239 = arith.minimumf %squeeze3A_233, %min3A_238 : vector<1000x128xbf16>
    %exp3A_240 = math.exp %min3A_239 : vector<1000x128xbf16>
    %sub3A_241 = arith.constant 1.000000e+00 : bf16
    %sub3A_242 = vector.broadcast %sub3A_241 : bf16 to vector<1000x128xbf16>
    %sub3A_243 = arith.subf %exp3A_240, %sub3A_242 : vector<1000x128xbf16>
    %select_n3A_244 = arith.select %gt3A_236, %squeeze3A_233, %sub3A_243 : vector<1000x128xi1>, vector<1000x128xbf16>
    %get3A_245 = arith.constant 11 : index
    %get3A_246 = arith.constant 0 : index
    %get3A_247 = arith.constant 0 : index
    %get3A_248 = vector.load %arg4[%get3A_245, %get3A_246, %get3A_247] : memref<16x128x128xbf16, #tpu.memory_space<vmem>>, vector<1x128x128xbf16>
    %get3A_249 = vector.shape_cast %get3A_248 : vector<1x128x128xbf16> to vector<128x128xbf16>
    %dot_general3A_250 = arith.constant dense<0.000000e+00> : vector<1000x128xf32>
    %dot_general3A_251 = tpu.matmul %select_n3A_244, %get3A_249, %dot_general3A_250 {dimension_numbers = #tpu.dot_dimension_numbers<[1], [0], [0], [1], [0, 0, 1, 1], [], []>, transpose_lhs_hint = false} : vector<1000x128xbf16>, vector<128x128xbf16>, vector<1000x128xf32> -> vector<1000x128xf32>
    %add3A_252 = arith.addf %add3A_231, %dot_general3A_251 : vector<1000x128xf32>
    %slice3A_253 = vector.extract_strided_slice %convert_element_type3A_7 {offsets = [0, 12, 0], sizes = [1000, 1, 128], strides = [1, 1, 1]} : vector<1000x16x128xbf16> to vector<1000x1x128xbf16>
    %squeeze3A_254 = vector.shape_cast %slice3A_253 : vector<1000x1x128xbf16> to vector<1000x128xbf16>
    %gt3A_255 = arith.constant 0.000000e+00 : bf16
    %gt3A_256 = vector.broadcast %gt3A_255 : bf16 to vector<1000x128xbf16>
    %gt3A_257 = arith.cmpf ogt, %squeeze3A_254, %gt3A_256 : vector<1000x128xbf16>
    %min3A_258 = arith.constant 0.000000e+00 : bf16
    %min3A_259 = vector.broadcast %min3A_258 : bf16 to vector<1000x128xbf16>
    %min3A_260 = arith.minimumf %squeeze3A_254, %min3A_259 : vector<1000x128xbf16>
    %exp3A_261 = math.exp %min3A_260 : vector<1000x128xbf16>
    %sub3A_262 = arith.constant 1.000000e+00 : bf16
    %sub3A_263 = vector.broadcast %sub3A_262 : bf16 to vector<1000x128xbf16>
    %sub3A_264 = arith.subf %exp3A_261, %sub3A_263 : vector<1000x128xbf16>
    %select_n3A_265 = arith.select %gt3A_257, %squeeze3A_254, %sub3A_264 : vector<1000x128xi1>, vector<1000x128xbf16>
    %get3A_266 = arith.constant 12 : index
    %get3A_267 = arith.constant 0 : index
    %get3A_268 = arith.constant 0 : index
    %get3A_269 = vector.load %arg4[%get3A_266, %get3A_267, %get3A_268] : memref<16x128x128xbf16, #tpu.memory_space<vmem>>, vector<1x128x128xbf16>
    %get3A_270 = vector.shape_cast %get3A_269 : vector<1x128x128xbf16> to vector<128x128xbf16>
    %dot_general3A_271 = arith.constant dense<0.000000e+00> : vector<1000x128xf32>
    %dot_general3A_272 = tpu.matmul %select_n3A_265, %get3A_270, %dot_general3A_271 {dimension_numbers = #tpu.dot_dimension_numbers<[1], [0], [0], [1], [0, 0, 1, 1], [], []>, transpose_lhs_hint = false} : vector<1000x128xbf16>, vector<128x128xbf16>, vector<1000x128xf32> -> vector<1000x128xf32>
    %add3A_273 = arith.addf %add3A_252, %dot_general3A_272 : vector<1000x128xf32>
    %slice3A_274 = vector.extract_strided_slice %convert_element_type3A_7 {offsets = [0, 13, 0], sizes = [1000, 1, 128], strides = [1, 1, 1]} : vector<1000x16x128xbf16> to vector<1000x1x128xbf16>
    %squeeze3A_275 = vector.shape_cast %slice3A_274 : vector<1000x1x128xbf16> to vector<1000x128xbf16>
    %gt3A_276 = arith.constant 0.000000e+00 : bf16
    %gt3A_277 = vector.broadcast %gt3A_276 : bf16 to vector<1000x128xbf16>
    %gt3A_278 = arith.cmpf ogt, %squeeze3A_275, %gt3A_277 : vector<1000x128xbf16>
    %min3A_279 = arith.constant 0.000000e+00 : bf16
    %min3A_280 = vector.broadcast %min3A_279 : bf16 to vector<1000x128xbf16>
    %min3A_281 = arith.minimumf %squeeze3A_275, %min3A_280 : vector<1000x128xbf16>
    %exp3A_282 = math.exp %min3A_281 : vector<1000x128xbf16>
    %sub3A_283 = arith.constant 1.000000e+00 : bf16
    %sub3A_284 = vector.broadcast %sub3A_283 : bf16 to vector<1000x128xbf16>
    %sub3A_285 = arith.subf %exp3A_282, %sub3A_284 : vector<1000x128xbf16>
    %select_n3A_286 = arith.select %gt3A_278, %squeeze3A_275, %sub3A_285 : vector<1000x128xi1>, vector<1000x128xbf16>
    %get3A_287 = arith.constant 13 : index
    %get3A_288 = arith.constant 0 : index
    %get3A_289 = arith.constant 0 : index
    %get3A_290 = vector.load %arg4[%get3A_287, %get3A_288, %get3A_289] : memref<16x128x128xbf16, #tpu.memory_space<vmem>>, vector<1x128x128xbf16>
    %get3A_291 = vector.shape_cast %get3A_290 : vector<1x128x128xbf16> to vector<128x128xbf16>
    %dot_general3A_292 = arith.constant dense<0.000000e+00> : vector<1000x128xf32>
    %dot_general3A_293 = tpu.matmul %select_n3A_286, %get3A_291, %dot_general3A_292 {dimension_numbers = #tpu.dot_dimension_numbers<[1], [0], [0], [1], [0, 0, 1, 1], [], []>, transpose_lhs_hint = false} : vector<1000x128xbf16>, vector<128x128xbf16>, vector<1000x128xf32> -> vector<1000x128xf32>
    %add3A_294 = arith.addf %add3A_273, %dot_general3A_293 : vector<1000x128xf32>
    %slice3A_295 = vector.extract_strided_slice %convert_element_type3A_7 {offsets = [0, 14, 0], sizes = [1000, 1, 128], strides = [1, 1, 1]} : vector<1000x16x128xbf16> to vector<1000x1x128xbf16>
    %squeeze3A_296 = vector.shape_cast %slice3A_295 : vector<1000x1x128xbf16> to vector<1000x128xbf16>
    %gt3A_297 = arith.constant 0.000000e+00 : bf16
    %gt3A_298 = vector.broadcast %gt3A_297 : bf16 to vector<1000x128xbf16>
    %gt3A_299 = arith.cmpf ogt, %squeeze3A_296, %gt3A_298 : vector<1000x128xbf16>
    %min3A_300 = arith.constant 0.000000e+00 : bf16
    %min3A_301 = vector.broadcast %min3A_300 : bf16 to vector<1000x128xbf16>
    %min3A_302 = arith.minimumf %squeeze3A_296, %min3A_301 : vector<1000x128xbf16>
    %exp3A_303 = math.exp %min3A_302 : vector<1000x128xbf16>
    %sub3A_304 = arith.constant 1.000000e+00 : bf16
    %sub3A_305 = vector.broadcast %sub3A_304 : bf16 to vector<1000x128xbf16>
    %sub3A_306 = arith.subf %exp3A_303, %sub3A_305 : vector<1000x128xbf16>
    %select_n3A_307 = arith.select %gt3A_299, %squeeze3A_296, %sub3A_306 : vector<1000x128xi1>, vector<1000x128xbf16>
    %get3A_308 = arith.constant 14 : index
    %get3A_309 = arith.constant 0 : index
    %get3A_310 = arith.constant 0 : index
    %get3A_311 = vector.load %arg4[%get3A_308, %get3A_309, %get3A_310] : memref<16x128x128xbf16, #tpu.memory_space<vmem>>, vector<1x128x128xbf16>
    %get3A_312 = vector.shape_cast %get3A_311 : vector<1x128x128xbf16> to vector<128x128xbf16>
    %dot_general3A_313 = arith.constant dense<0.000000e+00> : vector<1000x128xf32>
    %dot_general3A_314 = tpu.matmul %select_n3A_307, %get3A_312, %dot_general3A_313 {dimension_numbers = #tpu.dot_dimension_numbers<[1], [0], [0], [1], [0, 0, 1, 1], [], []>, transpose_lhs_hint = false} : vector<1000x128xbf16>, vector<128x128xbf16>, vector<1000x128xf32> -> vector<1000x128xf32>
    %add3A_315 = arith.addf %add3A_294, %dot_general3A_314 : vector<1000x128xf32>
    %slice3A_316 = vector.extract_strided_slice %convert_element_type3A_7 {offsets = [0, 15, 0], sizes = [1000, 1, 128], strides = [1, 1, 1]} : vector<1000x16x128xbf16> to vector<1000x1x128xbf16>
    %squeeze3A_317 = vector.shape_cast %slice3A_316 : vector<1000x1x128xbf16> to vector<1000x128xbf16>
    %gt3A_318 = arith.constant 0.000000e+00 : bf16
    %gt3A_319 = vector.broadcast %gt3A_318 : bf16 to vector<1000x128xbf16>
    %gt3A_320 = arith.cmpf ogt, %squeeze3A_317, %gt3A_319 : vector<1000x128xbf16>
    %min3A_321 = arith.constant 0.000000e+00 : bf16
    %min3A_322 = vector.broadcast %min3A_321 : bf16 to vector<1000x128xbf16>
    %min3A_323 = arith.minimumf %squeeze3A_317, %min3A_322 : vector<1000x128xbf16>
    %exp3A_324 = math.exp %min3A_323 : vector<1000x128xbf16>
    %sub3A_325 = arith.constant 1.000000e+00 : bf16
    %sub3A_326 = vector.broadcast %sub3A_325 : bf16 to vector<1000x128xbf16>
    %sub3A_327 = arith.subf %exp3A_324, %sub3A_326 : vector<1000x128xbf16>
    %select_n3A_328 = arith.select %gt3A_320, %squeeze3A_317, %sub3A_327 : vector<1000x128xi1>, vector<1000x128xbf16>
    %get3A_329 = arith.constant 15 : index
    %get3A_330 = arith.constant 0 : index
    %get3A_331 = arith.constant 0 : index
    %get3A_332 = vector.load %arg4[%get3A_329, %get3A_330, %get3A_331] : memref<16x128x128xbf16, #tpu.memory_space<vmem>>, vector<1x128x128xbf16>
    %get3A_333 = vector.shape_cast %get3A_332 : vector<1x128x128xbf16> to vector<128x128xbf16>
    %dot_general3A_334 = arith.constant dense<0.000000e+00> : vector<1000x128xf32>
    %dot_general3A_335 = tpu.matmul %select_n3A_328, %get3A_333, %dot_general3A_334 {dimension_numbers = #tpu.dot_dimension_numbers<[1], [0], [0], [1], [0, 0, 1, 1], [], []>, transpose_lhs_hint = false} : vector<1000x128xbf16>, vector<128x128xbf16>, vector<1000x128xf32> -> vector<1000x128xf32>
    %add3A_336 = arith.addf %add3A_315, %dot_general3A_335 : vector<1000x128xf32>
    %get3A_337 = arith.constant 0 : index
    %get3A_338 = arith.constant 0 : index
    %get3A_339 = vector.load %arg5[%get3A_337, %get3A_338] : memref<1x128xf32, #tpu.memory_space<vmem>>, vector<1x128xf32>
    %add3A_340 = vector.broadcast %get3A_339 : vector<1x128xf32> to vector<1000x128xf32>
    %add3A_341 = arith.addf %add3A_336, %add3A_340 : vector<1000x128xf32>
    %gt3A_342 = arith.constant 0.000000e+00 : f32
    %gt3A_343 = vector.broadcast %gt3A_342 : f32 to vector<1000x128xf32>
    %gt3A_344 = arith.cmpf ogt, %add3A_341, %gt3A_343 : vector<1000x128xf32>
    %min3A_345 = arith.constant 0.000000e+00 : f32
    %min3A_346 = vector.broadcast %min3A_345 : f32 to vector<1000x128xf32>
    %min3A_347 = arith.minimumf %add3A_341, %min3A_346 : vector<1000x128xf32>
    %exp3A_348 = math.exp %min3A_347 : vector<1000x128xf32>
    %sub3A_349 = arith.constant 1.000000e+00 : f32
    %sub3A_350 = vector.broadcast %sub3A_349 : f32 to vector<1000x128xf32>
    %sub3A_351 = arith.subf %exp3A_348, %sub3A_350 : vector<1000x128xf32>
    %select_n3A_352 = arith.select %gt3A_344, %add3A_341, %sub3A_351 : vector<1000x128xi1>, vector<1000x128xf32>
    %mul3A = arith.constant 1000 : i32
    %mul3A_353 = arith.muli %arg0, %mul3A : i32
    %add3A_354 = arith.constant 0 : i32
    %add3A_355 = arith.addi %add3A_354, %mul3A_353 : i32
    %iota3A = tpu.iota {dimensions = array<i32: 0>} : vector<1000x1xi32>
    %add3A_356 = vector.broadcast %add3A_355 : i32 to vector<1000x1xi32>
    %add3A_357 = arith.addi %add3A_356, %iota3A : vector<1000x1xi32>
    %ne3A = arith.constant 9999 : i32
    %ne3A_358 = vector.broadcast %ne3A : i32 to vector<1000x1xi32>
    %ne3A_359 = arith.cmpi ne, %add3A_357, %ne3A_358 : vector<1000x1xi32>
    %convert_element_type3A_360 = arith.extui %ne3A_359 : vector<1000x1xi1> to vector<1000x1xi32>
    %convert_element_type3A_361 = arith.sitofp %convert_element_type3A_360 : vector<1000x1xi32> to vector<1000x1xf32>
    %get3A_362 = arith.constant 0 : index
    %get3A_363 = arith.constant 0 : index
    %get3A_364 = vector.load %arg3[%get3A_362, %get3A_363] : memref<1000x128xf32, #tpu.memory_space<vmem>>, vector<1000x128xf32>
    %get3A_365 = arith.constant 0 : index
    %get3A_366 = arith.constant 0 : index
    %get3A_367 = vector.load %arg6[%get3A_365, %get3A_366] : memref<128x128xf32, #tpu.memory_space<vmem>>, vector<128x128xf32>
    %dot_general3A_368 = arith.constant dense<0.000000e+00> : vector<1000x128xf32>
    %dot_general3A_369 = tpu.matmul %get3A_364, %get3A_367, %dot_general3A_368 {dimension_numbers = #tpu.dot_dimension_numbers<[1], [0], [0], [1], [0, 0, 1, 1], [], []>, transpose_lhs_hint = false} : vector<1000x128xf32>, vector<128x128xf32>, vector<1000x128xf32> -> vector<1000x128xf32>
    %get3A_370 = arith.constant 0 : index
    %get3A_371 = arith.constant 0 : index
    %get3A_372 = vector.load %arg7[%get3A_370, %get3A_371] : memref<1x128xf32, #tpu.memory_space<vmem>>, vector<1x128xf32>
    %add3A_373 = vector.broadcast %get3A_372 : vector<1x128xf32> to vector<1000x128xf32>
    %add3A_374 = arith.addf %dot_general3A_369, %add3A_373 : vector<1000x128xf32>
    %mul3A_375 = vector.broadcast %convert_element_type3A_361 : vector<1000x1xf32> to vector<1000x128xf32>
    %mul3A_376 = arith.mulf %select_n3A_352, %mul3A_375 : vector<1000x128xf32>
    %add3A_377 = arith.addf %mul3A_376, %add3A_374 : vector<1000x128xf32>
    %swap3A = arith.constant 0 : index
    %swap3A_378 = arith.constant 0 : index
    %swap3A_379 = vector.load %arg8[%swap3A, %swap3A_378] : memref<1000x128xf32, #tpu.memory_space<vmem>>, vector<1000x128xf32>
    tpu.vector_store %arg8[%swap3A, %swap3A_378], %add3A_377 {strides = array<i32>} : memref<1000x128xf32, #tpu.memory_space<vmem>>, vector<1000x128xf32>,
    return
  }
  func.func @transform_0(%arg0: i32) -> (i32, i32) {
    %c0_i32 = arith.constant 0 : i32
    %c0_i32_0 = arith.constant 0 : i32
    return %arg0, %c0_i32 : i32, i32
  }
  func.func @transform_1(%arg0: i32) -> (i32, i32, i32) {
    %add3A = arith.constant 0 : i32
    %add3A_0 = arith.addi %add3A, %arg0 : i32
    %c0_i32 = arith.constant 0 : i32
    %c0_i32_1 = arith.constant 0 : i32
    %c0_i32_2 = arith.constant 0 : i32
    return %add3A_0, %c0_i32, %c0_i32_1 : i32, i32, i32
  }
  func.func @transform_2(%arg0: i32) -> (i32, i32) {
    %add3A = arith.constant 10 : i32
    %add3A_0 = arith.addi %add3A, %arg0 : i32
    %c0_i32 = arith.constant 0 : i32
    %c0_i32_1 = arith.constant 0 : i32
    return %add3A_0, %c0_i32 : i32, i32
  }
  func.func @transform_3(%arg0: i32) -> (i32, i32, i32) {
    %c0_i32 = arith.constant 0 : i32
    %c0_i32_0 = arith.constant 0 : i32
    %c0_i32_1 = arith.constant 0 : i32
    %c0_i32_2 = arith.constant 0 : i32
    return %c0_i32, %c0_i32_0, %c0_i32_1 : i32, i32, i32
  }
  func.func @transform_4(%arg0: i32) -> (i32, i32) {
    %c0_i32 = arith.constant 0 : i32
    %c0_i32_0 = arith.constant 0 : i32
    %c0_i32_1 = arith.constant 0 : i32
    return %c0_i32, %c0_i32_0 : i32, i32
  }
  func.func @transform_5(%arg0: i32) -> (i32, i32) {
    %c0_i32 = arith.constant 0 : i32
    %c0_i32_0 = arith.constant 0 : i32
    %c0_i32_1 = arith.constant 0 : i32
    return %c0_i32, %c0_i32_0 : i32, i32
  }
  func.func @transform_6(%arg0: i32) -> (i32, i32) {
    %c0_i32 = arith.constant 0 : i32
    %c0_i32_0 = arith.constant 0 : i32
    %c0_i32_1 = arith.constant 0 : i32
    return %c0_i32, %c0_i32_0 : i32, i32
  }
  func.func @transform_7(%arg0: i32) -> (i32, i32) {
    %c0_i32 = arith.constant 0 : i32
    %c0_i32_0 = arith.constant 0 : i32
    return %arg0, %c0_i32 : i32, i32
  }
}

module attributes {stable_mosaic.version = 14 : i64} {
  func.func @body(%arg0: i32, %arg1: memref<16000x128xf32, #tpu.memory_space<vmem>>, %arg2: memref<1000x16x16xbf16, #tpu.memory_space<vmem>>, %arg3: memref<1000x128xf32, #tpu.memory_space<vmem>>, %arg4: memref<16x128x128xbf16, #tpu.memory_space<vmem>>, %arg5: memref<1x128xf32, #tpu.memory_space<vmem>>, %arg6: memref<128x128xf32, #tpu.memory_space<vmem>>, %arg7: memref<1x128xf32, #tpu.memory_space<vmem>>, %arg8: memref<1000x128xf32, #tpu.memory_space<vmem>>) attributes {dimension_semantics = [#tpu.dimension_semantics<arbitrary>], iteration_bounds = array<i64: 5>, scalar_prefetch = 0 : i64, scratch_operands = 0 : i64, tpu.core_type = #tpu.core_type<tc>, window_params = [{transform_indices = @transform_0, window_bounds = array<i64: 16000, 128>}, {transform_indices = @transform_1, window_bounds = array<i64: 1000, 16, 16>}, {transform_indices = @transform_2, window_bounds = array<i64: 1000, 128>}, {pipeline_mode = #tpu.pipeline_mode<synchronous>, transform_indices = @transform_3, window_bounds = array<i64: 16, 128, 128>}, {pipeline_mode = #tpu.pipeline_mode<synchronous>, transform_indices = @transform_4, window_bounds = array<i64: 1, 128>}, {pipeline_mode = #tpu.pipeline_mode<synchronous>, transform_indices = @transform_5, window_bounds = array<i64: 128, 128>}, {pipeline_mode = #tpu.pipeline_mode<synchronous>, transform_indices = @transform_6, window_bounds = array<i64: 1, 128>}, {transform_indices = @transform_7, window_bounds = array<i64: 1000, 128>}]} {
    %get3A = arith.constant 0 : index
    %get3A_0 = arith.constant 0 : index
    %get3A_1 = vector.load %arg1[%get3A, %get3A_0] : memref<16000x128xf32, #tpu.memory_space<vmem>>, vector<16000x128xf32>
    %reshape3A = vector.shape_cast %get3A_1 : vector<16000x128xf32> to vector<1000x16x128xf32>
    %convert_element_type3A = arith.truncf %reshape3A : vector<1000x16x128xf32> to vector<1000x16x128xbf16>
    %get3A_2 = arith.constant 0 : index
    %get3A_3 = arith.constant 0 : index
    %get3A_4 = arith.constant 0 : index
    %get3A_5 = vector.load %arg2[%get3A_2, %get3A_3, %get3A_4] : memref<1000x16x16xbf16, #tpu.memory_space<vmem>>, vector<1000x16x16xbf16>
    %dot_general3A = arith.constant dense<0.000000e+00> : vector<1000x16x128xf32>
    %dot_general3A_6 = tpu.matmul %get3A_5, %convert_element_type3A, %dot_general3A {dimension_numbers = #tpu.dot_dimension_numbers<[1], [1], [2], [2], [0, 0, 0, 2, 1, 2], [0], [0]>, transpose_lhs_hint = false} : vector<1000x16x16xbf16>, vector<1000x16x128xbf16>, vector<1000x16x128xf32> -> vector<1000x16x128xf32>
    %convert_element_type3A_7 = arith.truncf %dot_general3A_6 : vector<1000x16x128xf32> to vector<1000x16x128xbf16>
    %broadcast_in_dim3A = arith.constant 0.000000e+00 : f32
    %broadcast_in_dim3A_8 = vector.broadcast %broadcast_in_dim3A : f32 to vector<1000x128xf32>
    %slice3A = vector.extract_strided_slice %convert_element_type3A_7 {offsets = [0, 0, 0], sizes = [1000, 1, 128], strides = [1, 1, 1]} : vector<1000x16x128xbf16> to vector<1000x1x128xbf16>
    %squeeze3A = vector.shape_cast %slice3A : vector<1000x1x128xbf16> to vector<1000x128xbf16>
    %gt3A = arith.constant 0.000000e+00 : bf16
    %gt3A_9 = vector.broadcast %gt3A : bf16 to vector<1000x128xbf16>
    %gt3A_10 = arith.cmpf ogt, %squeeze3A, %gt3A_9 : vector<1000x128xbf16>
    %min3A = arith.constant 0.000000e+00 : bf16
    %min3A_11 = vector.broadcast %min3A : bf16 to vector<1000x128xbf16>
    %min3A_12 = arith.minimumf %squeeze3A, %min3A_11 : vector<1000x128xbf16>
    %exp3A = math.exp %min3A_12 : vector<1000x128xbf16>
    %sub3A = arith.constant 1.000000e+00 : bf16
    %sub3A_13 = vector.broadcast %sub3A : bf16 to vector<1000x128xbf16>
    %sub3A_14 = arith.subf %exp3A, %sub3A_13 : vector<1000x128xbf16>
    %select_n3A = arith.select %gt3A_10, %squeeze3A, %sub3A_14 : vector<1000x128xi1>, vector<1000x128xbf16>
    %get3A_15 = arith.constant 0 : index
    %get3A_16 = arith.constant 0 : index
    %get3A_17 = arith.constant 0 : index
    %get3A_18 = vector.load %arg4[%get3A_15, %get3A_16, %get3A_17] : memref<16x128x128xbf16, #tpu.memory_space<vmem>>, vector<1x128x128xbf16>
    %get3A_19 = vector.shape_cast %get3A_18 : vector<1x128x128xbf16> to vector<128x128xbf16>
    %dot_general3A_20 = arith.constant dense<0.000000e+00> : vector<1000x128xf32>
    %dot_general3A_21 = tpu.matmul %select_n3A, %get3A_19, %dot_general3A_20 {dimension_numbers = #tpu.dot_dimension_numbers<[1], [0], [0], [1], [0, 0, 1, 1], [], []>, transpose_lhs_hint = false} : vector<1000x128xbf16>, vector<128x128xbf16>, vector<1000x128xf32> -> vector<1000x128xf32>
    %add3A = arith.addf %broadcast_in_dim3A_8, %dot_general3A_21 : vector<1000x128xf32>
    %slice3A_22 = vector.extract_strided_slice %convert_element_type3A_7 {offsets = [0, 1, 0], sizes = [1000, 1, 128], strides = [1, 1, 1]} : vector<1000x16x128xbf16> to vector<1000x1x128xbf16>
    %squeeze3A_23 = vector.shape_cast %slice3A_22 : vector<1000x1x128xbf16> to vector<1000x128xbf16>
    %gt3A_24 = arith.constant 0.000000e+00 : bf16
    %gt3A_25 = vector.broadcast %gt3A_24 : bf16 to vector<1000x128xbf16>
    %gt3A_26 = arith.cmpf ogt, %squeeze3A_23, %gt3A_25 : vector<1000x128xbf16>
    %min3A_27 = arith.constant 0.000000e+00 : bf16
    %min3A_28 = vector.broadcast %min3A_27 : bf16 to vector<1000x128xbf16>
    %min3A_29 = arith.minimumf %squeeze3A_23, %min3A_28 : vector<1000x128xbf16>
    %exp3A_30 = math.exp %min3A_29 : vector<1000x128xbf16>
    %sub3A_31 = arith.constant 1.000000e+00 : bf16
    %sub3A_32 = vector.broadcast %sub3A_31 : bf16 to vector<1000x128xbf16>
    %sub3A_33 = arith.subf %exp3A_30, %sub3A_32 : vector<1000x128xbf16>
    %select_n3A_34 = arith.select %gt3A_26, %squeeze3A_23, %sub3A_33 : vector<1000x128xi1>, vector<1000x128xbf16>
    %get3A_35 = arith.constant 1 : index
    %get3A_36 = arith.constant 0 : index
    %get3A_37 = arith.constant 0 : index
    %get3A_38 = vector.load %arg4[%get3A_35, %get3A_36, %get3A_37] : memref<16x128x128xbf16, #tpu.memory_space<vmem>>, vector<1x128x128xbf16>
    %get3A_39 = vector.shape_cast %get3A_38 : vector<1x128x128xbf16> to vector<128x128xbf16>
    %dot_general3A_40 = arith.constant dense<0.000000e+00> : vector<1000x128xf32>
    %dot_general3A_41 = tpu.matmul %select_n3A_34, %get3A_39, %dot_general3A_40 {dimension_numbers = #tpu.dot_dimension_numbers<[1], [0], [0], [1], [0, 0, 1, 1], [], []>, transpose_lhs_hint = false} : vector<1000x128xbf16>, vector<128x128xbf16>, vector<1000x128xf32> -> vector<1000x128xf32>
    %add3A_42 = arith.addf %add3A, %dot_general3A_41 : vector<1000x128xf32>
    %slice3A_43 = vector.extract_strided_slice %convert_element_type3A_7 {offsets = [0, 2, 0], sizes = [1000, 1, 128], strides = [1, 1, 1]} : vector<1000x16x128xbf16> to vector<1000x1x128xbf16>
    %squeeze3A_44 = vector.shape_cast %slice3A_43 : vector<1000x1x128xbf16> to vector<1000x128xbf16>
    %gt3A_45 = arith.constant 0.000000e+00 : bf16
    %gt3A_46 = vector.broadcast %gt3A_45 : bf16 to vector<1000x128xbf16>
    %gt3A_47 = arith.cmpf ogt, %squeeze3A_44, %gt3A_46 : vector<1000x128xbf16>
    %min3A_48 = arith.constant 0.000000e+00 : bf16
    %min3A_49 = vector.broadcast %min3A_48 : bf16 to vector<1000x128xbf16>
    %min3A_50 = arith.minimumf %squeeze3A_44, %min3A_49 : vector<1000x128xbf16>
    %exp3A_51 = math.exp %min3A_50 : vector<1000x128xbf16>
    %sub3A_52 = arith.constant 1.000000e+00 : bf16
    %sub3A_53 = vector.broadcast %sub3A_52 : bf16 to vector<1000x128xbf16>
    %sub3A_54 = arith.subf %exp3A_51, %sub3A_53 : vector<1000x128xbf16>
    %select_n3A_55 = arith.select %gt3A_47, %squeeze3A_44, %sub3A_54 : vector<1000x128xi1>, vector<1000x128xbf16>
    %get3A_56 = arith.constant 2 : index
    %get3A_57 = arith.constant 0 : index
    %get3A_58 = arith.constant 0 : index
    %get3A_59 = vector.load %arg4[%get3A_56, %get3A_57, %get3A_58] : memref<16x128x128xbf16, #tpu.memory_space<vmem>>, vector<1x128x128xbf16>
    %get3A_60 = vector.shape_cast %get3A_59 : vector<1x128x128xbf16> to vector<128x128xbf16>
    %dot_general3A_61 = arith.constant dense<0.000000e+00> : vector<1000x128xf32>
    %dot_general3A_62 = tpu.matmul %select_n3A_55, %get3A_60, %dot_general3A_61 {dimension_numbers = #tpu.dot_dimension_numbers<[1], [0], [0], [1], [0, 0, 1, 1], [], []>, transpose_lhs_hint = false} : vector<1000x128xbf16>, vector<128x128xbf16>, vector<1000x128xf32> -> vector<1000x128xf32>
    %add3A_63 = arith.addf %add3A_42, %dot_general3A_62 : vector<1000x128xf32>
    %slice3A_64 = vector.extract_strided_slice %convert_element_type3A_7 {offsets = [0, 3, 0], sizes = [1000, 1, 128], strides = [1, 1, 1]} : vector<1000x16x128xbf16> to vector<1000x1x128xbf16>
    %squeeze3A_65 = vector.shape_cast %slice3A_64 : vector<1000x1x128xbf16> to vector<1000x128xbf16>
    %gt3A_66 = arith.constant 0.000000e+00 : bf16
    %gt3A_67 = vector.broadcast %gt3A_66 : bf16 to vector<1000x128xbf16>
    %gt3A_68 = arith.cmpf ogt, %squeeze3A_65, %gt3A_67 : vector<1000x128xbf16>
    %min3A_69 = arith.constant 0.000000e+00 : bf16
    %min3A_70 = vector.broadcast %min3A_69 : bf16 to vector<1000x128xbf16>
    %min3A_71 = arith.minimumf %squeeze3A_65, %min3A_70 : vector<1000x128xbf16>
    %exp3A_72 = math.exp %min3A_71 : vector<1000x128xbf16>
    %sub3A_73 = arith.constant 1.000000e+00 : bf16
    %sub3A_74 = vector.broadcast %sub3A_73 : bf16 to vector<1000x128xbf16>
    %sub3A_75 = arith.subf %exp3A_72, %sub3A_74 : vector<1000x128xbf16>
    %select_n3A_76 = arith.select %gt3A_68, %squeeze3A_65, %sub3A_75 : vector<1000x128xi1>, vector<1000x128xbf16>
    %get3A_77 = arith.constant 3 : index
    %get3A_78 = arith.constant 0 : index
    %get3A_79 = arith.constant 0 : index
    %get3A_80 = vector.load %arg4[%get3A_77, %get3A_78, %get3A_79] : memref<16x128x128xbf16, #tpu.memory_space<vmem>>, vector<1x128x128xbf16>
    %get3A_81 = vector.shape_cast %get3A_80 : vector<1x128x128xbf16> to vector<128x128xbf16>
    %dot_general3A_82 = arith.constant dense<0.000000e+00> : vector<1000x128xf32>
    %dot_general3A_83 = tpu.matmul %select_n3A_76, %get3A_81, %dot_general3A_82 {dimension_numbers = #tpu.dot_dimension_numbers<[1], [0], [0], [1], [0, 0, 1, 1], [], []>, transpose_lhs_hint = false} : vector<1000x128xbf16>, vector<128x128xbf16>, vector<1000x128xf32> -> vector<1000x128xf32>
    %add3A_84 = arith.addf %add3A_63, %dot_general3A_83 : vector<1000x128xf32>
    %slice3A_85 = vector.extract_strided_slice %convert_element_type3A_7 {offsets = [0, 4, 0], sizes = [1000, 1, 128], strides = [1, 1, 1]} : vector<1000x16x128xbf16> to vector<1000x1x128xbf16>
    %squeeze3A_86 = vector.shape_cast %slice3A_85 : vector<1000x1x128xbf16> to vector<1000x128xbf16>
    %gt3A_87 = arith.constant 0.000000e+00 : bf16
    %gt3A_88 = vector.broadcast %gt3A_87 : bf16 to vector<1000x128xbf16>
    %gt3A_89 = arith.cmpf ogt, %squeeze3A_86, %gt3A_88 : vector<1000x128xbf16>
    %min3A_90 = arith.constant 0.000000e+00 : bf16
    %min3A_91 = vector.broadcast %min3A_90 : bf16 to vector<1000x128xbf16>
    %min3A_92 = arith.minimumf %squeeze3A_86, %min3A_91 : vector<1000x128xbf16>
    %exp3A_93 = math.exp %min3A_92 : vector<1000x128xbf16>
    %sub3A_94 = arith.constant 1.000000e+00 : bf16
    %sub3A_95 = vector.broadcast %sub3A_94 : bf16 to vector<1000x128xbf16>
    %sub3A_96 = arith.subf %exp3A_93, %sub3A_95 : vector<1000x128xbf16>
    %select_n3A_97 = arith.select %gt3A_89, %squeeze3A_86, %sub3A_96 : vector<1000x128xi1>, vector<1000x128xbf16>
    %get3A_98 = arith.constant 4 : index
    %get3A_99 = arith.constant 0 : index
    %get3A_100 = arith.constant 0 : index
    %get3A_101 = vector.load %arg4[%get3A_98, %get3A_99, %get3A_100] : memref<16x128x128xbf16, #tpu.memory_space<vmem>>, vector<1x128x128xbf16>
    %get3A_102 = vector.shape_cast %get3A_101 : vector<1x128x128xbf16> to vector<128x128xbf16>
    %dot_general3A_103 = arith.constant dense<0.000000e+00> : vector<1000x128xf32>
    %dot_general3A_104 = tpu.matmul %select_n3A_97, %get3A_102, %dot_general3A_103 {dimension_numbers = #tpu.dot_dimension_numbers<[1], [0], [0], [1], [0, 0, 1, 1], [], []>, transpose_lhs_hint = false} : vector<1000x128xbf16>, vector<128x128xbf16>, vector<1000x128xf32> -> vector<1000x128xf32>
    %add3A_105 = arith.addf %add3A_84, %dot_general3A_104 : vector<1000x128xf32>
    %slice3A_106 = vector.extract_strided_slice %convert_element_type3A_7 {offsets = [0, 5, 0], sizes = [1000, 1, 128], strides = [1, 1, 1]} : vector<1000x16x128xbf16> to vector<1000x1x128xbf16>
    %squeeze3A_107 = vector.shape_cast %slice3A_106 : vector<1000x1x128xbf16> to vector<1000x128xbf16>
    %gt3A_108 = arith.constant 0.000000e+00 : bf16
    %gt3A_109 = vector.broadcast %gt3A_108 : bf16 to vector<1000x128xbf16>
    %gt3A_110 = arith.cmpf ogt, %squeeze3A_107, %gt3A_109 : vector<1000x128xbf16>
    %min3A_111 = arith.constant 0.000000e+00 : bf16
    %min3A_112 = vector.broadcast %min3A_111 : bf16 to vector<1000x128xbf16>
    %min3A_113 = arith.minimumf %squeeze3A_107, %min3A_112 : vector<1000x128xbf16>
    %exp3A_114 = math.exp %min3A_113 : vector<1000x128xbf16>
    %sub3A_115 = arith.constant 1.000000e+00 : bf16
    %sub3A_116 = vector.broadcast %sub3A_115 : bf16 to vector<1000x128xbf16>
    %sub3A_117 = arith.subf %exp3A_114, %sub3A_116 : vector<1000x128xbf16>
    %select_n3A_118 = arith.select %gt3A_110, %squeeze3A_107, %sub3A_117 : vector<1000x128xi1>, vector<1000x128xbf16>
    %get3A_119 = arith.constant 5 : index
    %get3A_120 = arith.constant 0 : index
    %get3A_121 = arith.constant 0 : index
    %get3A_122 = vector.load %arg4[%get3A_119, %get3A_120, %get3A_121] : memref<16x128x128xbf16, #tpu.memory_space<vmem>>, vector<1x128x128xbf16>
    %get3A_123 = vector.shape_cast %get3A_122 : vector<1x128x128xbf16> to vector<128x128xbf16>
    %dot_general3A_124 = arith.constant dense<0.000000e+00> : vector<1000x128xf32>
    %dot_general3A_125 = tpu.matmul %select_n3A_118, %get3A_123, %dot_general3A_124 {dimension_numbers = #tpu.dot_dimension_numbers<[1], [0], [0], [1], [0, 0, 1, 1], [], []>, transpose_lhs_hint = false} : vector<1000x128xbf16>, vector<128x128xbf16>, vector<1000x128xf32> -> vector<1000x128xf32>
    %add3A_126 = arith.addf %add3A_105, %dot_general3A_125 : vector<1000x128xf32>
    %slice3A_127 = vector.extract_strided_slice %convert_element_type3A_7 {offsets = [0, 6, 0], sizes = [1000, 1, 128], strides = [1, 1, 1]} : vector<1000x16x128xbf16> to vector<1000x1x128xbf16>
    %squeeze3A_128 = vector.shape_cast %slice3A_127 : vector<1000x1x128xbf16> to vector<1000x128xbf16>
    %gt3A_129 = arith.constant 0.000000e+00 : bf16
    %gt3A_130 = vector.broadcast %gt3A_129 : bf16 to vector<1000x128xbf16>
    %gt3A_131 = arith.cmpf ogt, %squeeze3A_128, %gt3A_130 : vector<1000x128xbf16>
    %min3A_132 = arith.constant 0.000000e+00 : bf16
    %min3A_133 = vector.broadcast %min3A_132 : bf16 to vector<1000x128xbf16>
    %min3A_134 = arith.minimumf %squeeze3A_128, %min3A_133 : vector<1000x128xbf16>
    %exp3A_135 = math.exp %min3A_134 : vector<1000x128xbf16>
    %sub3A_136 = arith.constant 1.000000e+00 : bf16
    %sub3A_137 = vector.broadcast %sub3A_136 : bf16 to vector<1000x128xbf16>
    %sub3A_138 = arith.subf %exp3A_135, %sub3A_137 : vector<1000x128xbf16>
    %select_n3A_139 = arith.select %gt3A_131, %squeeze3A_128, %sub3A_138 : vector<1000x128xi1>, vector<1000x128xbf16>
    %get3A_140 = arith.constant 6 : index
    %get3A_141 = arith.constant 0 : index
    %get3A_142 = arith.constant 0 : index
    %get3A_143 = vector.load %arg4[%get3A_140, %get3A_141, %get3A_142] : memref<16x128x128xbf16, #tpu.memory_space<vmem>>, vector<1x128x128xbf16>
    %get3A_144 = vector.shape_cast %get3A_143 : vector<1x128x128xbf16> to vector<128x128xbf16>
    %dot_general3A_145 = arith.constant dense<0.000000e+00> : vector<1000x128xf32>
    %dot_general3A_146 = tpu.matmul %select_n3A_139, %get3A_144, %dot_general3A_145 {dimension_numbers = #tpu.dot_dimension_numbers<[1], [0], [0], [1], [0, 0, 1, 1], [], []>, transpose_lhs_hint = false} : vector<1000x128xbf16>, vector<128x128xbf16>, vector<1000x128xf32> -> vector<1000x128xf32>
    %add3A_147 = arith.addf %add3A_126, %dot_general3A_146 : vector<1000x128xf32>
    %slice3A_148 = vector.extract_strided_slice %convert_element_type3A_7 {offsets = [0, 7, 0], sizes = [1000, 1, 128], strides = [1, 1, 1]} : vector<1000x16x128xbf16> to vector<1000x1x128xbf16>
    %squeeze3A_149 = vector.shape_cast %slice3A_148 : vector<1000x1x128xbf16> to vector<1000x128xbf16>
    %gt3A_150 = arith.constant 0.000000e+00 : bf16
    %gt3A_151 = vector.broadcast %gt3A_150 : bf16 to vector<1000x128xbf16>
    %gt3A_152 = arith.cmpf ogt, %squeeze3A_149, %gt3A_151 : vector<1000x128xbf16>
    %min3A_153 = arith.constant 0.000000e+00 : bf16
    %min3A_154 = vector.broadcast %min3A_153 : bf16 to vector<1000x128xbf16>
    %min3A_155 = arith.minimumf %squeeze3A_149, %min3A_154 : vector<1000x128xbf16>
    %exp3A_156 = math.exp %min3A_155 : vector<1000x128xbf16>
    %sub3A_157 = arith.constant 1.000000e+00 : bf16
    %sub3A_158 = vector.broadcast %sub3A_157 : bf16 to vector<1000x128xbf16>
    %sub3A_159 = arith.subf %exp3A_156, %sub3A_158 : vector<1000x128xbf16>
    %select_n3A_160 = arith.select %gt3A_152, %squeeze3A_149, %sub3A_159 : vector<1000x128xi1>, vector<1000x128xbf16>
    %get3A_161 = arith.constant 7 : index
    %get3A_162 = arith.constant 0 : index
    %get3A_163 = arith.constant 0 : index
    %get3A_164 = vector.load %arg4[%get3A_161, %get3A_162, %get3A_163] : memref<16x128x128xbf16, #tpu.memory_space<vmem>>, vector<1x128x128xbf16>
    %get3A_165 = vector.shape_cast %get3A_164 : vector<1x128x128xbf16> to vector<128x128xbf16>
    %dot_general3A_166 = arith.constant dense<0.000000e+00> : vector<1000x128xf32>
    %dot_general3A_167 = tpu.matmul %select_n3A_160, %get3A_165, %dot_general3A_166 {dimension_numbers = #tpu.dot_dimension_numbers<[1], [0], [0], [1], [0, 0, 1, 1], [], []>, transpose_lhs_hint = false} : vector<1000x128xbf16>, vector<128x128xbf16>, vector<1000x128xf32> -> vector<1000x128xf32>
    %add3A_168 = arith.addf %add3A_147, %dot_general3A_167 : vector<1000x128xf32>
    %slice3A_169 = vector.extract_strided_slice %convert_element_type3A_7 {offsets = [0, 8, 0], sizes = [1000, 1, 128], strides = [1, 1, 1]} : vector<1000x16x128xbf16> to vector<1000x1x128xbf16>
    %squeeze3A_170 = vector.shape_cast %slice3A_169 : vector<1000x1x128xbf16> to vector<1000x128xbf16>
    %gt3A_171 = arith.constant 0.000000e+00 : bf16
    %gt3A_172 = vector.broadcast %gt3A_171 : bf16 to vector<1000x128xbf16>
    %gt3A_173 = arith.cmpf ogt, %squeeze3A_170, %gt3A_172 : vector<1000x128xbf16>
    %min3A_174 = arith.constant 0.000000e+00 : bf16
    %min3A_175 = vector.broadcast %min3A_174 : bf16 to vector<1000x128xbf16>
    %min3A_176 = arith.minimumf %squeeze3A_170, %min3A_175 : vector<1000x128xbf16>
    %exp3A_177 = math.exp %min3A_176 : vector<1000x128xbf16>
    %sub3A_178 = arith.constant 1.000000e+00 : bf16
    %sub3A_179 = vector.broadcast %sub3A_178 : bf16 to vector<1000x128xbf16>
    %sub3A_180 = arith.subf %exp3A_177, %sub3A_179 : vector<1000x128xbf16>
    %select_n3A_181 = arith.select %gt3A_173, %squeeze3A_170, %sub3A_180 : vector<1000x128xi1>, vector<1000x128xbf16>
    %get3A_182 = arith.constant 8 : index
    %get3A_183 = arith.constant 0 : index
    %get3A_184 = arith.constant 0 : index
    %get3A_185 = vector.load %arg4[%get3A_182, %get3A_183, %get3A_184] : memref<16x128x128xbf16, #tpu.memory_space<vmem>>, vector<1x128x128xbf16>
    %get3A_186 = vector.shape_cast %get3A_185 : vector<1x128x128xbf16> to vector<128x128xbf16>
    %dot_general3A_187 = arith.constant dense<0.000000e+00> : vector<1000x128xf32>
    %dot_general3A_188 = tpu.matmul %select_n3A_181, %get3A_186, %dot_general3A_187 {dimension_numbers = #tpu.dot_dimension_numbers<[1], [0], [0], [1], [0, 0, 1, 1], [], []>, transpose_lhs_hint = false} : vector<1000x128xbf16>, vector<128x128xbf16>, vector<1000x128xf32> -> vector<1000x128xf32>
    %add3A_189 = arith.addf %add3A_168, %dot_general3A_188 : vector<1000x128xf32>
    %slice3A_190 = vector.extract_strided_slice %convert_element_type3A_7 {offsets = [0, 9, 0], sizes = [1000, 1, 128], strides = [1, 1, 1]} : vector<1000x16x128xbf16> to vector<1000x1x128xbf16>
    %squeeze3A_191 = vector.shape_cast %slice3A_190 : vector<1000x1x128xbf16> to vector<1000x128xbf16>
    %gt3A_192 = arith.constant 0.000000e+00 : bf16
    %gt3A_193 = vector.broadcast %gt3A_192 : bf16 to vector<1000x128xbf16>
    %gt3A_194 = arith.cmpf ogt, %squeeze3A_191, %gt3A_193 : vector<1000x128xbf16>
    %min3A_195 = arith.constant 0.000000e+00 : bf16
    %min3A_196 = vector.broadcast %min3A_195 : bf16 to vector<1000x128xbf16>
    %min3A_197 = arith.minimumf %squeeze3A_191, %min3A_196 : vector<1000x128xbf16>
    %exp3A_198 = math.exp %min3A_197 : vector<1000x128xbf16>
    %sub3A_199 = arith.constant 1.000000e+00 : bf16
    %sub3A_200 = vector.broadcast %sub3A_199 : bf16 to vector<1000x128xbf16>
    %sub3A_201 = arith.subf %exp3A_198, %sub3A_200 : vector<1000x128xbf16>
    %select_n3A_202 = arith.select %gt3A_194, %squeeze3A_191, %sub3A_201 : vector<1000x128xi1>, vector<1000x128xbf16>
    %get3A_203 = arith.constant 9 : index
    %get3A_204 = arith.constant 0 : index
    %get3A_205 = arith.constant 0 : index
    %get3A_206 = vector.load %arg4[%get3A_203, %get3A_204, %get3A_205] : memref<16x128x128xbf16, #tpu.memory_space<vmem>>, vector<1x128x128xbf16>
    %get3A_207 = vector.shape_cast %get3A_206 : vector<1x128x128xbf16> to vector<128x128xbf16>
    %dot_general3A_208 = arith.constant dense<0.000000e+00> : vector<1000x128xf32>
    %dot_general3A_209 = tpu.matmul %select_n3A_202, %get3A_207, %dot_general3A_208 {dimension_numbers = #tpu.dot_dimension_numbers<[1], [0], [0], [1], [0, 0, 1, 1], [], []>, transpose_lhs_hint = false} : vector<1000x128xbf16>, vector<128x128xbf16>, vector<1000x128xf32> -> vector<1000x128xf32>
    %add3A_210 = arith.addf %add3A_189, %dot_general3A_209 : vector<1000x128xf32>
    %slice3A_211 = vector.extract_strided_slice %convert_element_type3A_7 {offsets = [0, 10, 0], sizes = [1000, 1, 128], strides = [1, 1, 1]} : vector<1000x16x128xbf16> to vector<1000x1x128xbf16>
    %squeeze3A_212 = vector.shape_cast %slice3A_211 : vector<1000x1x128xbf16> to vector<1000x128xbf16>
    %gt3A_213 = arith.constant 0.000000e+00 : bf16
    %gt3A_214 = vector.broadcast %gt3A_213 : bf16 to vector<1000x128xbf16>
    %gt3A_215 = arith.cmpf ogt, %squeeze3A_212, %gt3A_214 : vector<1000x128xbf16>
    %min3A_216 = arith.constant 0.000000e+00 : bf16
    %min3A_217 = vector.broadcast %min3A_216 : bf16 to vector<1000x128xbf16>
    %min3A_218 = arith.minimumf %squeeze3A_212, %min3A_217 : vector<1000x128xbf16>
    %exp3A_219 = math.exp %min3A_218 : vector<1000x128xbf16>
    %sub3A_220 = arith.constant 1.000000e+00 : bf16
    %sub3A_221 = vector.broadcast %sub3A_220 : bf16 to vector<1000x128xbf16>
    %sub3A_222 = arith.subf %exp3A_219, %sub3A_221 : vector<1000x128xbf16>
    %select_n3A_223 = arith.select %gt3A_215, %squeeze3A_212, %sub3A_222 : vector<1000x128xi1>, vector<1000x128xbf16>
    %get3A_224 = arith.constant 10 : index
    %get3A_225 = arith.constant 0 : index
    %get3A_226 = arith.constant 0 : index
    %get3A_227 = vector.load %arg4[%get3A_224, %get3A_225, %get3A_226] : memref<16x128x128xbf16, #tpu.memory_space<vmem>>, vector<1x128x128xbf16>
    %get3A_228 = vector.shape_cast %get3A_227 : vector<1x128x128xbf16> to vector<128x128xbf16>
    %dot_general3A_229 = arith.constant dense<0.000000e+00> : vector<1000x128xf32>
    %dot_general3A_230 = tpu.matmul %select_n3A_223, %get3A_228, %dot_general3A_229 {dimension_numbers = #tpu.dot_dimension_numbers<[1], [0], [0], [1], [0, 0, 1, 1], [], []>, transpose_lhs_hint = false} : vector<1000x128xbf16>, vector<128x128xbf16>, vector<1000x128xf32> -> vector<1000x128xf32>
    %add3A_231 = arith.addf %add3A_210, %dot_general3A_230 : vector<1000x128xf32>
    %slice3A_232 = vector.extract_strided_slice %convert_element_type3A_7 {offsets = [0, 11, 0], sizes = [1000, 1, 128], strides = [1, 1, 1]} : vector<1000x16x128xbf16> to vector<1000x1x128xbf16>
    %squeeze3A_233 = vector.shape_cast %slice3A_232 : vector<1000x1x128xbf16> to vector<1000x128xbf16>
    %gt3A_234 = arith.constant 0.000000e+00 : bf16
    %gt3A_235 = vector.broadcast %gt3A_234 : bf16 to vector<1000x128xbf16>
    %gt3A_236 = arith.cmpf ogt, %squeeze3A_233, %gt3A_235 : vector<1000x128xbf16>
    %min3A_237 = arith.constant 0.000000e+00 : bf16
    %min3A_238 = vector.broadcast %min3A_237 : bf16 to vector<1000x128xbf16>
    %min3A_239 = arith.minimumf %squeeze3A_233, %min3A_238 : vector<1000x128xbf16>
    %exp3A_240 = math.exp %min3A_239 : vector<1000x128xbf16>
    %sub3A_241 = arith.constant 1.000000e+00 : bf16
    %sub3A_242 = vector.broadcast %sub3A_241 : bf16 to vector<1000x128xbf16>
    %sub3A_243 = arith.subf %exp3A_240, %sub3A_242 : vector<1000x128xbf16>
    %select_n3A_244 = arith.select %gt3A_236, %squeeze3A_233, %sub3A_243 : vector<1000x128xi1>, vector<1000x128xbf16>
    %get3A_245 = arith.constant 11 : index
    %get3A_246 = arith.constant 0 : index
    %get3A_247 = arith.constant 0 : index
    %get3A_248 = vector.load %arg4[%get3A_245, %get3A_246, %get3A_247] : memref<16x128x128xbf16, #tpu.memory_space<vmem>>, vector<1x128x128xbf16>
    %get3A_249 = vector.shape_cast %get3A_248 : vector<1x128x128xbf16> to vector<128x128xbf16>
    %dot_general3A_250 = arith.constant dense<0.000000e+00> : vector<1000x128xf32>
    %dot_general3A_251 = tpu.matmul %select_n3A_244, %get3A_249, %dot_general3A_250 {dimension_numbers = #tpu.dot_dimension_numbers<[1], [0], [0], [1], [0, 0, 1, 1], [], []>, transpose_lhs_hint = false} : vector<1000x128xbf16>, vector<128x128xbf16>, vector<1000x128xf32> -> vector<1000x128xf32>
    %add3A_252 = arith.addf %add3A_231, %dot_general3A_251 : vector<1000x128xf32>
    %slice3A_253 = vector.extract_strided_slice %convert_element_type3A_7 {offsets = [0, 12, 0], sizes = [1000, 1, 128], strides = [1, 1, 1]} : vector<1000x16x128xbf16> to vector<1000x1x128xbf16>
    %squeeze3A_254 = vector.shape_cast %slice3A_253 : vector<1000x1x128xbf16> to vector<1000x128xbf16>
    %gt3A_255 = arith.constant 0.000000e+00 : bf16
    %gt3A_256 = vector.broadcast %gt3A_255 : bf16 to vector<1000x128xbf16>
    %gt3A_257 = arith.cmpf ogt, %squeeze3A_254, %gt3A_256 : vector<1000x128xbf16>
    %min3A_258 = arith.constant 0.000000e+00 : bf16
    %min3A_259 = vector.broadcast %min3A_258 : bf16 to vector<1000x128xbf16>
    %min3A_260 = arith.minimumf %squeeze3A_254, %min3A_259 : vector<1000x128xbf16>
    %exp3A_261 = math.exp %min3A_260 : vector<1000x128xbf16>
    %sub3A_262 = arith.constant 1.000000e+00 : bf16
    %sub3A_263 = vector.broadcast %sub3A_262 : bf16 to vector<1000x128xbf16>
    %sub3A_264 = arith.subf %exp3A_261, %sub3A_263 : vector<1000x128xbf16>
    %select_n3A_265 = arith.select %gt3A_257, %squeeze3A_254, %sub3A_264 : vector<1000x128xi1>, vector<1000x128xbf16>
    %get3A_266 = arith.constant 12 : index
    %get3A_267 = arith.constant 0 : index
    %get3A_268 = arith.constant 0 : index
    %get3A_269 = vector.load %arg4[%get3A_266, %get3A_267, %get3A_268] : memref<16x128x128xbf16, #tpu.memory_space<vmem>>, vector<1x128x128xbf16>
    %get3A_270 = vector.shape_cast %get3A_269 : vector<1x128x128xbf16> to vector<128x128xbf16>
    %dot_general3A_271 = arith.constant dense<0.000000e+00> : vector<1000x128xf32>
    %dot_general3A_272 = tpu.matmul %select_n3A_265, %get3A_270, %dot_general3A_271 {dimension_numbers = #tpu.dot_dimension_numbers<[1], [0], [0], [1], [0, 0, 1, 1], [], []>, transpose_lhs_hint = false} : vector<1000x128xbf16>, vector<128x128xbf16>, vector<1000x128xf32> -> vector<1000x128xf32>
    %add3A_273 = arith.addf %add3A_252, %dot_general3A_272 : vector<1000x128xf32>
    %slice3A_274 = vector.extract_strided_slice %convert_element_type3A_7 {offsets = [0, 13, 0], sizes = [1000, 1, 128], strides = [1, 1, 1]} : vector<1000x16x128xbf16> to vector<1000x1x128xbf16>
    %squeeze3A_275 = vector.shape_cast %slice3A_274 : vector<1000x1x128xbf16> to vector<1000x128xbf16>
    %gt3A_276 = arith.constant 0.000000e+00 : bf16
    %gt3A_277 = vector.broadcast %gt3A_276 : bf16 to vector<1000x128xbf16>
    %gt3A_278 = arith.cmpf ogt, %squeeze3A_275, %gt3A_277 : vector<1000x128xbf16>
    %min3A_279 = arith.constant 0.000000e+00 : bf16
    %min3A_280 = vector.broadcast %min3A_279 : bf16 to vector<1000x128xbf16>
    %min3A_281 = arith.minimumf %squeeze3A_275, %min3A_280 : vector<1000x128xbf16>
    %exp3A_282 = math.exp %min3A_281 : vector<1000x128xbf16>
    %sub3A_283 = arith.constant 1.000000e+00 : bf16
    %sub3A_284 = vector.broadcast %sub3A_283 : bf16 to vector<1000x128xbf16>
    %sub3A_285 = arith.subf %exp3A_282, %sub3A_284 : vector<1000x128xbf16>
    %select_n3A_286 = arith.select %gt3A_278, %squeeze3A_275, %sub3A_285 : vector<1000x128xi1>, vector<1000x128xbf16>
    %get3A_287 = arith.constant 13 : index
    %get3A_288 = arith.constant 0 : index
    %get3A_289 = arith.constant 0 : index
    %get3A_290 = vector.load %arg4[%get3A_287, %get3A_288, %get3A_289] : memref<16x128x128xbf16, #tpu.memory_space<vmem>>, vector<1x128x128xbf16>
    %get3A_291 = vector.shape_cast %get3A_290 : vector<1x128x128xbf16> to vector<128x128xbf16>
    %dot_general3A_292 = arith.constant dense<0.000000e+00> : vector<1000x128xf32>
    %dot_general3A_293 = tpu.matmul %select_n3A_286, %get3A_291, %dot_general3A_292 {dimension_numbers = #tpu.dot_dimension_numbers<[1], [0], [0], [1], [0, 0, 1, 1], [], []>, transpose_lhs_hint = false} : vector<1000x128xbf16>, vector<128x128xbf16>, vector<1000x128xf32> -> vector<1000x128xf32>
    %add3A_294 = arith.addf %add3A_273, %dot_general3A_293 : vector<1000x128xf32>
    %slice3A_295 = vector.extract_strided_slice %convert_element_type3A_7 {offsets = [0, 14, 0], sizes = [1000, 1, 128], strides = [1, 1, 1]} : vector<1000x16x128xbf16> to vector<1000x1x128xbf16>
    %squeeze3A_296 = vector.shape_cast %slice3A_295 : vector<1000x1x128xbf16> to vector<1000x128xbf16>
    %gt3A_297 = arith.constant 0.000000e+00 : bf16
    %gt3A_298 = vector.broadcast %gt3A_297 : bf16 to vector<1000x128xbf16>
    %gt3A_299 = arith.cmpf ogt, %squeeze3A_296, %gt3A_298 : vector<1000x128xbf16>
    %min3A_300 = arith.constant 0.000000e+00 : bf16
    %min3A_301 = vector.broadcast %min3A_300 : bf16 to vector<1000x128xbf16>
    %min3A_302 = arith.minimumf %squeeze3A_296, %min3A_301 : vector<1000x128xbf16>
    %exp3A_303 = math.exp %min3A_302 : vector<1000x128xbf16>
    %sub3A_304 = arith.constant 1.000000e+00 : bf16
    %sub3A_305 = vector.broadcast %sub3A_304 : bf16 to vector<1000x128xbf16>
    %sub3A_306 = arith.subf %exp3A_303, %sub3A_305 : vector<1000x128xbf16>
    %select_n3A_307 = arith.select %gt3A_299, %squeeze3A_296, %sub3A_306 : vector<1000x128xi1>, vector<1000x128xbf16>
    %get3A_308 = arith.constant 14 : index
    %get3A_309 = arith.constant 0 : index
    %get3A_310 = arith.constant 0 : index
    %get3A_311 = vector.load %arg4[%get3A_308, %get3A_309, %get3A_310] : memref<16x128x128xbf16, #tpu.memory_space<vmem>>, vector<1x128x128xbf16>
    %get3A_312 = vector.shape_cast %get3A_311 : vector<1x128x128xbf16> to vector<128x128xbf16>
    %dot_general3A_313 = arith.constant dense<0.000000e+00> : vector<1000x128xf32>
    %dot_general3A_314 = tpu.matmul %select_n3A_307, %get3A_312, %dot_general3A_313 {dimension_numbers = #tpu.dot_dimension_numbers<[1], [0], [0], [1], [0, 0, 1, 1], [], []>, transpose_lhs_hint = false} : vector<1000x128xbf16>, vector<128x128xbf16>, vector<1000x128xf32> -> vector<1000x128xf32>
    %add3A_315 = arith.addf %add3A_294, %dot_general3A_314 : vector<1000x128xf32>
    %slice3A_316 = vector.extract_strided_slice %convert_element_type3A_7 {offsets = [0, 15, 0], sizes = [1000, 1, 128], strides = [1, 1, 1]} : vector<1000x16x128xbf16> to vector<1000x1x128xbf16>
    %squeeze3A_317 = vector.shape_cast %slice3A_316 : vector<1000x1x128xbf16> to vector<1000x128xbf16>
    %gt3A_318 = arith.constant 0.000000e+00 : bf16
    %gt3A_319 = vector.broadcast %gt3A_318 : bf16 to vector<1000x128xbf16>
    %gt3A_320 = arith.cmpf ogt, %squeeze3A_317, %gt3A_319 : vector<1000x128xbf16>
    %min3A_321 = arith.constant 0.000000e+00 : bf16
    %min3A_322 = vector.broadcast %min3A_321 : bf16 to vector<1000x128xbf16>
    %min3A_323 = arith.minimumf %squeeze3A_317, %min3A_322 : vector<1000x128xbf16>
    %exp3A_324 = math.exp %min3A_323 : vector<1000x128xbf16>
    %sub3A_325 = arith.constant 1.000000e+00 : bf16
    %sub3A_326 = vector.broadcast %sub3A_325 : bf16 to vector<1000x128xbf16>
    %sub3A_327 = arith.subf %exp3A_324, %sub3A_326 : vector<1000x128xbf16>
    %select_n3A_328 = arith.select %gt3A_320, %squeeze3A_317, %sub3A_327 : vector<1000x128xi1>, vector<1000x128xbf16>
    %get3A_329 = arith.constant 15 : index
    %get3A_330 = arith.constant 0 : index
    %get3A_331 = arith.constant 0 : index
    %get3A_332 = vector.load %arg4[%get3A_329, %get3A_330, %get3A_331] : memref<16x128x128xbf16, #tpu.memory_space<vmem>>, vector<1x128x128xbf16>
    %get3A_333 = vector.shape_cast %get3A_332 : vector<1x128x128xbf16> to vector<128x128xbf16>
    %dot_general3A_334 = arith.constant dense<0.000000e+00> : vector<1000x128xf32>
    %dot_general3A_335 = tpu.matmul %select_n3A_328, %get3A_333, %dot_general3A_334 {dimension_numbers = #tpu.dot_dimension_numbers<[1], [0], [0], [1], [0, 0, 1, 1], [], []>, transpose_lhs_hint = false} : vector<1000x128xbf16>, vector<128x128xbf16>, vector<1000x128xf32> -> vector<1000x128xf32>
    %add3A_336 = arith.addf %add3A_315, %dot_general3A_335 : vector<1000x128xf32>
    %get3A_337 = arith.constant 0 : index
    %get3A_338 = arith.constant 0 : index
    %get3A_339 = vector.load %arg5[%get3A_337, %get3A_338] : memref<1x128xf32, #tpu.memory_space<vmem>>, vector<1x128xf32>
    %add3A_340 = vector.broadcast %get3A_339 : vector<1x128xf32> to vector<1000x128xf32>
    %add3A_341 = arith.addf %add3A_336, %add3A_340 : vector<1000x128xf32>
    %gt3A_342 = arith.constant 0.000000e+00 : f32
    %gt3A_343 = vector.broadcast %gt3A_342 : f32 to vector<1000x128xf32>
    %gt3A_344 = arith.cmpf ogt, %add3A_341, %gt3A_343 : vector<1000x128xf32>
    %min3A_345 = arith.constant 0.000000e+00 : f32
    %min3A_346 = vector.broadcast %min3A_345 : f32 to vector<1000x128xf32>
    %min3A_347 = arith.minimumf %add3A_341, %min3A_346 : vector<1000x128xf32>
    %exp3A_348 = math.exp %min3A_347 : vector<1000x128xf32>
    %sub3A_349 = arith.constant 1.000000e+00 : f32
    %sub3A_350 = vector.broadcast %sub3A_349 : f32 to vector<1000x128xf32>
    %sub3A_351 = arith.subf %exp3A_348, %sub3A_350 : vector<1000x128xf32>
    %select_n3A_352 = arith.select %gt3A_344, %add3A_341, %sub3A_351 : vector<1000x128xi1>, vector<1000x128xf32>
    %mul3A = arith.constant 1000 : i32
    %mul3A_353 = arith.muli %arg0, %mul3A : i32
    %add3A_354 = arith.constant 5000 : i32
    %add3A_355 = arith.addi %add3A_354, %mul3A_353 : i32
    %iota3A = tpu.iota {dimensions = array<i32: 0>} : vector<1000x1xi32>
    %add3A_356 = vector.broadcast %add3A_355 : i32 to vector<1000x1xi32>
    %add3A_357 = arith.addi %add3A_356, %iota3A : vector<1000x1xi32>
    %ne3A = arith.constant 9999 : i32
    %ne3A_358 = vector.broadcast %ne3A : i32 to vector<1000x1xi32>
    %ne3A_359 = arith.cmpi ne, %add3A_357, %ne3A_358 : vector<1000x1xi32>
    %convert_element_type3A_360 = arith.extui %ne3A_359 : vector<1000x1xi1> to vector<1000x1xi32>
    %convert_element_type3A_361 = arith.sitofp %convert_element_type3A_360 : vector<1000x1xi32> to vector<1000x1xf32>
    %get3A_362 = arith.constant 0 : index
    %get3A_363 = arith.constant 0 : index
    %get3A_364 = vector.load %arg3[%get3A_362, %get3A_363] : memref<1000x128xf32, #tpu.memory_space<vmem>>, vector<1000x128xf32>
    %get3A_365 = arith.constant 0 : index
    %get3A_366 = arith.constant 0 : index
    %get3A_367 = vector.load %arg6[%get3A_365, %get3A_366] : memref<128x128xf32, #tpu.memory_space<vmem>>, vector<128x128xf32>
    %dot_general3A_368 = arith.constant dense<0.000000e+00> : vector<1000x128xf32>
    %dot_general3A_369 = tpu.matmul %get3A_364, %get3A_367, %dot_general3A_368 {dimension_numbers = #tpu.dot_dimension_numbers<[1], [0], [0], [1], [0, 0, 1, 1], [], []>, transpose_lhs_hint = false} : vector<1000x128xf32>, vector<128x128xf32>, vector<1000x128xf32> -> vector<1000x128xf32>
    %get3A_370 = arith.constant 0 : index
    %get3A_371 = arith.constant 0 : index
    %get3A_372 = vector.load %arg7[%get3A_370, %get3A_371] : memref<1x128xf32, #tpu.memory_space<vmem>>, vector<1x128xf32>
    %add3A_373 = vector.broadcast %get3A_372 : vector<1x128xf32> to vector<1000x128xf32>
    %add3A_374 = arith.addf %dot_general3A_369, %add3A_373 : vector<1000x128xf32>
    %mul3A_375 = vector.broadcast %convert_element_type3A_361 : vector<1000x1xf32> to vector<1000x128xf32>
    %mul3A_376 = arith.mulf %select_n3A_352, %mul3A_375 : vector<1000x128xf32>
    %add3A_377 = arith.addf %mul3A_376, %add3A_374 : vector<1000x128xf32>
    %swap3A = arith.constant 0 : index
    %swap3A_378 = arith.constant 0 : index
    %swap3A_379 = vector.load %arg8[%swap3A, %swap3A_378] : memref<1000x128xf32, #tpu.memory_space<vmem>>, vector<1000x128xf32>
    tpu.vector_store %arg8[%swap3A, %swap3A_378], %add3A_377 {strides = array<i32>} : memref<1000x128xf32, #tpu.memory_space<vmem>>, vector<1000x128xf32>,
    return
  }
  func.func @transform_0(%arg0: i32) -> (i32, i32) {
    %c0_i32 = arith.constant 0 : i32
    %c0_i32_0 = arith.constant 0 : i32
    return %arg0, %c0_i32 : i32, i32
  }
  func.func @transform_1(%arg0: i32) -> (i32, i32, i32) {
    %add3A = arith.constant 5 : i32
    %add3A_0 = arith.addi %add3A, %arg0 : i32
    %c0_i32 = arith.constant 0 : i32
    %c0_i32_1 = arith.constant 0 : i32
    %c0_i32_2 = arith.constant 0 : i32
    return %add3A_0, %c0_i32, %c0_i32_1 : i32, i32, i32
  }
  func.func @transform_2(%arg0: i32) -> (i32, i32) {
    %add3A = arith.constant 5 : i32
    %add3A_0 = arith.addi %add3A, %arg0 : i32
    %c0_i32 = arith.constant 0 : i32
    %c0_i32_1 = arith.constant 0 : i32
    return %add3A_0, %c0_i32 : i32, i32
  }
  func.func @transform_3(%arg0: i32) -> (i32, i32, i32) {
    %c0_i32 = arith.constant 0 : i32
    %c0_i32_0 = arith.constant 0 : i32
    %c0_i32_1 = arith.constant 0 : i32
    %c0_i32_2 = arith.constant 0 : i32
    return %c0_i32, %c0_i32_0, %c0_i32_1 : i32, i32, i32
  }
  func.func @transform_4(%arg0: i32) -> (i32, i32) {
    %c0_i32 = arith.constant 0 : i32
    %c0_i32_0 = arith.constant 0 : i32
    %c0_i32_1 = arith.constant 0 : i32
    return %c0_i32, %c0_i32_0 : i32, i32
  }
  func.func @transform_5(%arg0: i32) -> (i32, i32) {
    %c0_i32 = arith.constant 0 : i32
    %c0_i32_0 = arith.constant 0 : i32
    %c0_i32_1 = arith.constant 0 : i32
    return %c0_i32, %c0_i32_0 : i32, i32
  }
  func.func @transform_6(%arg0: i32) -> (i32, i32) {
    %c0_i32 = arith.constant 0 : i32
    %c0_i32_0 = arith.constant 0 : i32
    %c0_i32_1 = arith.constant 0 : i32
    return %c0_i32, %c0_i32_0 : i32, i32
  }
  func.func @transform_7(%arg0: i32) -> (i32, i32) {
    %c0_i32 = arith.constant 0 : i32
    %c0_i32_0 = arith.constant 0 : i32
    return %arg0, %c0_i32 : i32, i32
  }
}

module attributes {stable_mosaic.version = 14 : i64} {
  func.func @body(%arg0: i32, %arg1: memref<16000x128xf32, #tpu.memory_space<vmem>>, %arg2: memref<1000x16x16xbf16, #tpu.memory_space<vmem>>, %arg3: memref<1000x128xf32, #tpu.memory_space<vmem>>, %arg4: memref<16x128x128xbf16, #tpu.memory_space<vmem>>, %arg5: memref<1x128xf32, #tpu.memory_space<vmem>>, %arg6: memref<128x128xf32, #tpu.memory_space<vmem>>, %arg7: memref<1x128xf32, #tpu.memory_space<vmem>>, %arg8: memref<1000x128xf32, #tpu.memory_space<vmem>>) attributes {dimension_semantics = [#tpu.dimension_semantics<arbitrary>], iteration_bounds = array<i64: 5>, scalar_prefetch = 0 : i64, scratch_operands = 0 : i64, tpu.core_type = #tpu.core_type<tc>, window_params = [{transform_indices = @transform_0, window_bounds = array<i64: 16000, 128>}, {transform_indices = @transform_1, window_bounds = array<i64: 1000, 16, 16>}, {transform_indices = @transform_2, window_bounds = array<i64: 1000, 128>}, {pipeline_mode = #tpu.pipeline_mode<synchronous>, transform_indices = @transform_3, window_bounds = array<i64: 16, 128, 128>}, {pipeline_mode = #tpu.pipeline_mode<synchronous>, transform_indices = @transform_4, window_bounds = array<i64: 1, 128>}, {pipeline_mode = #tpu.pipeline_mode<synchronous>, transform_indices = @transform_5, window_bounds = array<i64: 128, 128>}, {pipeline_mode = #tpu.pipeline_mode<synchronous>, transform_indices = @transform_6, window_bounds = array<i64: 1, 128>}, {transform_indices = @transform_7, window_bounds = array<i64: 1000, 128>}]} {
    %get3A = arith.constant 0 : index
    %get3A_0 = arith.constant 0 : index
    %get3A_1 = vector.load %arg1[%get3A, %get3A_0] : memref<16000x128xf32, #tpu.memory_space<vmem>>, vector<16000x128xf32>
    %reshape3A = vector.shape_cast %get3A_1 : vector<16000x128xf32> to vector<1000x16x128xf32>
    %convert_element_type3A = arith.truncf %reshape3A : vector<1000x16x128xf32> to vector<1000x16x128xbf16>
    %get3A_2 = arith.constant 0 : index
    %get3A_3 = arith.constant 0 : index
    %get3A_4 = arith.constant 0 : index
    %get3A_5 = vector.load %arg2[%get3A_2, %get3A_3, %get3A_4] : memref<1000x16x16xbf16, #tpu.memory_space<vmem>>, vector<1000x16x16xbf16>
    %dot_general3A = arith.constant dense<0.000000e+00> : vector<1000x16x128xf32>
    %dot_general3A_6 = tpu.matmul %get3A_5, %convert_element_type3A, %dot_general3A {dimension_numbers = #tpu.dot_dimension_numbers<[1], [1], [2], [2], [0, 0, 0, 2, 1, 2], [0], [0]>, transpose_lhs_hint = false} : vector<1000x16x16xbf16>, vector<1000x16x128xbf16>, vector<1000x16x128xf32> -> vector<1000x16x128xf32>
    %convert_element_type3A_7 = arith.truncf %dot_general3A_6 : vector<1000x16x128xf32> to vector<1000x16x128xbf16>
    %broadcast_in_dim3A = arith.constant 0.000000e+00 : f32
    %broadcast_in_dim3A_8 = vector.broadcast %broadcast_in_dim3A : f32 to vector<1000x128xf32>
    %slice3A = vector.extract_strided_slice %convert_element_type3A_7 {offsets = [0, 0, 0], sizes = [1000, 1, 128], strides = [1, 1, 1]} : vector<1000x16x128xbf16> to vector<1000x1x128xbf16>
    %squeeze3A = vector.shape_cast %slice3A : vector<1000x1x128xbf16> to vector<1000x128xbf16>
    %gt3A = arith.constant 0.000000e+00 : bf16
    %gt3A_9 = vector.broadcast %gt3A : bf16 to vector<1000x128xbf16>
    %gt3A_10 = arith.cmpf ogt, %squeeze3A, %gt3A_9 : vector<1000x128xbf16>
    %min3A = arith.constant 0.000000e+00 : bf16
    %min3A_11 = vector.broadcast %min3A : bf16 to vector<1000x128xbf16>
    %min3A_12 = arith.minimumf %squeeze3A, %min3A_11 : vector<1000x128xbf16>
    %exp3A = math.exp %min3A_12 : vector<1000x128xbf16>
    %sub3A = arith.constant 1.000000e+00 : bf16
    %sub3A_13 = vector.broadcast %sub3A : bf16 to vector<1000x128xbf16>
    %sub3A_14 = arith.subf %exp3A, %sub3A_13 : vector<1000x128xbf16>
    %select_n3A = arith.select %gt3A_10, %squeeze3A, %sub3A_14 : vector<1000x128xi1>, vector<1000x128xbf16>
    %get3A_15 = arith.constant 0 : index
    %get3A_16 = arith.constant 0 : index
    %get3A_17 = arith.constant 0 : index
    %get3A_18 = vector.load %arg4[%get3A_15, %get3A_16, %get3A_17] : memref<16x128x128xbf16, #tpu.memory_space<vmem>>, vector<1x128x128xbf16>
    %get3A_19 = vector.shape_cast %get3A_18 : vector<1x128x128xbf16> to vector<128x128xbf16>
    %dot_general3A_20 = arith.constant dense<0.000000e+00> : vector<1000x128xf32>
    %dot_general3A_21 = tpu.matmul %select_n3A, %get3A_19, %dot_general3A_20 {dimension_numbers = #tpu.dot_dimension_numbers<[1], [0], [0], [1], [0, 0, 1, 1], [], []>, transpose_lhs_hint = false} : vector<1000x128xbf16>, vector<128x128xbf16>, vector<1000x128xf32> -> vector<1000x128xf32>
    %add3A = arith.addf %broadcast_in_dim3A_8, %dot_general3A_21 : vector<1000x128xf32>
    %slice3A_22 = vector.extract_strided_slice %convert_element_type3A_7 {offsets = [0, 1, 0], sizes = [1000, 1, 128], strides = [1, 1, 1]} : vector<1000x16x128xbf16> to vector<1000x1x128xbf16>
    %squeeze3A_23 = vector.shape_cast %slice3A_22 : vector<1000x1x128xbf16> to vector<1000x128xbf16>
    %gt3A_24 = arith.constant 0.000000e+00 : bf16
    %gt3A_25 = vector.broadcast %gt3A_24 : bf16 to vector<1000x128xbf16>
    %gt3A_26 = arith.cmpf ogt, %squeeze3A_23, %gt3A_25 : vector<1000x128xbf16>
    %min3A_27 = arith.constant 0.000000e+00 : bf16
    %min3A_28 = vector.broadcast %min3A_27 : bf16 to vector<1000x128xbf16>
    %min3A_29 = arith.minimumf %squeeze3A_23, %min3A_28 : vector<1000x128xbf16>
    %exp3A_30 = math.exp %min3A_29 : vector<1000x128xbf16>
    %sub3A_31 = arith.constant 1.000000e+00 : bf16
    %sub3A_32 = vector.broadcast %sub3A_31 : bf16 to vector<1000x128xbf16>
    %sub3A_33 = arith.subf %exp3A_30, %sub3A_32 : vector<1000x128xbf16>
    %select_n3A_34 = arith.select %gt3A_26, %squeeze3A_23, %sub3A_33 : vector<1000x128xi1>, vector<1000x128xbf16>
    %get3A_35 = arith.constant 1 : index
    %get3A_36 = arith.constant 0 : index
    %get3A_37 = arith.constant 0 : index
    %get3A_38 = vector.load %arg4[%get3A_35, %get3A_36, %get3A_37] : memref<16x128x128xbf16, #tpu.memory_space<vmem>>, vector<1x128x128xbf16>
    %get3A_39 = vector.shape_cast %get3A_38 : vector<1x128x128xbf16> to vector<128x128xbf16>
    %dot_general3A_40 = arith.constant dense<0.000000e+00> : vector<1000x128xf32>
    %dot_general3A_41 = tpu.matmul %select_n3A_34, %get3A_39, %dot_general3A_40 {dimension_numbers = #tpu.dot_dimension_numbers<[1], [0], [0], [1], [0, 0, 1, 1], [], []>, transpose_lhs_hint = false} : vector<1000x128xbf16>, vector<128x128xbf16>, vector<1000x128xf32> -> vector<1000x128xf32>
    %add3A_42 = arith.addf %add3A, %dot_general3A_41 : vector<1000x128xf32>
    %slice3A_43 = vector.extract_strided_slice %convert_element_type3A_7 {offsets = [0, 2, 0], sizes = [1000, 1, 128], strides = [1, 1, 1]} : vector<1000x16x128xbf16> to vector<1000x1x128xbf16>
    %squeeze3A_44 = vector.shape_cast %slice3A_43 : vector<1000x1x128xbf16> to vector<1000x128xbf16>
    %gt3A_45 = arith.constant 0.000000e+00 : bf16
    %gt3A_46 = vector.broadcast %gt3A_45 : bf16 to vector<1000x128xbf16>
    %gt3A_47 = arith.cmpf ogt, %squeeze3A_44, %gt3A_46 : vector<1000x128xbf16>
    %min3A_48 = arith.constant 0.000000e+00 : bf16
    %min3A_49 = vector.broadcast %min3A_48 : bf16 to vector<1000x128xbf16>
    %min3A_50 = arith.minimumf %squeeze3A_44, %min3A_49 : vector<1000x128xbf16>
    %exp3A_51 = math.exp %min3A_50 : vector<1000x128xbf16>
    %sub3A_52 = arith.constant 1.000000e+00 : bf16
    %sub3A_53 = vector.broadcast %sub3A_52 : bf16 to vector<1000x128xbf16>
    %sub3A_54 = arith.subf %exp3A_51, %sub3A_53 : vector<1000x128xbf16>
    %select_n3A_55 = arith.select %gt3A_47, %squeeze3A_44, %sub3A_54 : vector<1000x128xi1>, vector<1000x128xbf16>
    %get3A_56 = arith.constant 2 : index
    %get3A_57 = arith.constant 0 : index
    %get3A_58 = arith.constant 0 : index
    %get3A_59 = vector.load %arg4[%get3A_56, %get3A_57, %get3A_58] : memref<16x128x128xbf16, #tpu.memory_space<vmem>>, vector<1x128x128xbf16>
    %get3A_60 = vector.shape_cast %get3A_59 : vector<1x128x128xbf16> to vector<128x128xbf16>
    %dot_general3A_61 = arith.constant dense<0.000000e+00> : vector<1000x128xf32>
    %dot_general3A_62 = tpu.matmul %select_n3A_55, %get3A_60, %dot_general3A_61 {dimension_numbers = #tpu.dot_dimension_numbers<[1], [0], [0], [1], [0, 0, 1, 1], [], []>, transpose_lhs_hint = false} : vector<1000x128xbf16>, vector<128x128xbf16>, vector<1000x128xf32> -> vector<1000x128xf32>
    %add3A_63 = arith.addf %add3A_42, %dot_general3A_62 : vector<1000x128xf32>
    %slice3A_64 = vector.extract_strided_slice %convert_element_type3A_7 {offsets = [0, 3, 0], sizes = [1000, 1, 128], strides = [1, 1, 1]} : vector<1000x16x128xbf16> to vector<1000x1x128xbf16>
    %squeeze3A_65 = vector.shape_cast %slice3A_64 : vector<1000x1x128xbf16> to vector<1000x128xbf16>
    %gt3A_66 = arith.constant 0.000000e+00 : bf16
    %gt3A_67 = vector.broadcast %gt3A_66 : bf16 to vector<1000x128xbf16>
    %gt3A_68 = arith.cmpf ogt, %squeeze3A_65, %gt3A_67 : vector<1000x128xbf16>
    %min3A_69 = arith.constant 0.000000e+00 : bf16
    %min3A_70 = vector.broadcast %min3A_69 : bf16 to vector<1000x128xbf16>
    %min3A_71 = arith.minimumf %squeeze3A_65, %min3A_70 : vector<1000x128xbf16>
    %exp3A_72 = math.exp %min3A_71 : vector<1000x128xbf16>
    %sub3A_73 = arith.constant 1.000000e+00 : bf16
    %sub3A_74 = vector.broadcast %sub3A_73 : bf16 to vector<1000x128xbf16>
    %sub3A_75 = arith.subf %exp3A_72, %sub3A_74 : vector<1000x128xbf16>
    %select_n3A_76 = arith.select %gt3A_68, %squeeze3A_65, %sub3A_75 : vector<1000x128xi1>, vector<1000x128xbf16>
    %get3A_77 = arith.constant 3 : index
    %get3A_78 = arith.constant 0 : index
    %get3A_79 = arith.constant 0 : index
    %get3A_80 = vector.load %arg4[%get3A_77, %get3A_78, %get3A_79] : memref<16x128x128xbf16, #tpu.memory_space<vmem>>, vector<1x128x128xbf16>
    %get3A_81 = vector.shape_cast %get3A_80 : vector<1x128x128xbf16> to vector<128x128xbf16>
    %dot_general3A_82 = arith.constant dense<0.000000e+00> : vector<1000x128xf32>
    %dot_general3A_83 = tpu.matmul %select_n3A_76, %get3A_81, %dot_general3A_82 {dimension_numbers = #tpu.dot_dimension_numbers<[1], [0], [0], [1], [0, 0, 1, 1], [], []>, transpose_lhs_hint = false} : vector<1000x128xbf16>, vector<128x128xbf16>, vector<1000x128xf32> -> vector<1000x128xf32>
    %add3A_84 = arith.addf %add3A_63, %dot_general3A_83 : vector<1000x128xf32>
    %slice3A_85 = vector.extract_strided_slice %convert_element_type3A_7 {offsets = [0, 4, 0], sizes = [1000, 1, 128], strides = [1, 1, 1]} : vector<1000x16x128xbf16> to vector<1000x1x128xbf16>
    %squeeze3A_86 = vector.shape_cast %slice3A_85 : vector<1000x1x128xbf16> to vector<1000x128xbf16>
    %gt3A_87 = arith.constant 0.000000e+00 : bf16
    %gt3A_88 = vector.broadcast %gt3A_87 : bf16 to vector<1000x128xbf16>
    %gt3A_89 = arith.cmpf ogt, %squeeze3A_86, %gt3A_88 : vector<1000x128xbf16>
    %min3A_90 = arith.constant 0.000000e+00 : bf16
    %min3A_91 = vector.broadcast %min3A_90 : bf16 to vector<1000x128xbf16>
    %min3A_92 = arith.minimumf %squeeze3A_86, %min3A_91 : vector<1000x128xbf16>
    %exp3A_93 = math.exp %min3A_92 : vector<1000x128xbf16>
    %sub3A_94 = arith.constant 1.000000e+00 : bf16
    %sub3A_95 = vector.broadcast %sub3A_94 : bf16 to vector<1000x128xbf16>
    %sub3A_96 = arith.subf %exp3A_93, %sub3A_95 : vector<1000x128xbf16>
    %select_n3A_97 = arith.select %gt3A_89, %squeeze3A_86, %sub3A_96 : vector<1000x128xi1>, vector<1000x128xbf16>
    %get3A_98 = arith.constant 4 : index
    %get3A_99 = arith.constant 0 : index
    %get3A_100 = arith.constant 0 : index
    %get3A_101 = vector.load %arg4[%get3A_98, %get3A_99, %get3A_100] : memref<16x128x128xbf16, #tpu.memory_space<vmem>>, vector<1x128x128xbf16>
    %get3A_102 = vector.shape_cast %get3A_101 : vector<1x128x128xbf16> to vector<128x128xbf16>
    %dot_general3A_103 = arith.constant dense<0.000000e+00> : vector<1000x128xf32>
    %dot_general3A_104 = tpu.matmul %select_n3A_97, %get3A_102, %dot_general3A_103 {dimension_numbers = #tpu.dot_dimension_numbers<[1], [0], [0], [1], [0, 0, 1, 1], [], []>, transpose_lhs_hint = false} : vector<1000x128xbf16>, vector<128x128xbf16>, vector<1000x128xf32> -> vector<1000x128xf32>
    %add3A_105 = arith.addf %add3A_84, %dot_general3A_104 : vector<1000x128xf32>
    %slice3A_106 = vector.extract_strided_slice %convert_element_type3A_7 {offsets = [0, 5, 0], sizes = [1000, 1, 128], strides = [1, 1, 1]} : vector<1000x16x128xbf16> to vector<1000x1x128xbf16>
    %squeeze3A_107 = vector.shape_cast %slice3A_106 : vector<1000x1x128xbf16> to vector<1000x128xbf16>
    %gt3A_108 = arith.constant 0.000000e+00 : bf16
    %gt3A_109 = vector.broadcast %gt3A_108 : bf16 to vector<1000x128xbf16>
    %gt3A_110 = arith.cmpf ogt, %squeeze3A_107, %gt3A_109 : vector<1000x128xbf16>
    %min3A_111 = arith.constant 0.000000e+00 : bf16
    %min3A_112 = vector.broadcast %min3A_111 : bf16 to vector<1000x128xbf16>
    %min3A_113 = arith.minimumf %squeeze3A_107, %min3A_112 : vector<1000x128xbf16>
    %exp3A_114 = math.exp %min3A_113 : vector<1000x128xbf16>
    %sub3A_115 = arith.constant 1.000000e+00 : bf16
    %sub3A_116 = vector.broadcast %sub3A_115 : bf16 to vector<1000x128xbf16>
    %sub3A_117 = arith.subf %exp3A_114, %sub3A_116 : vector<1000x128xbf16>
    %select_n3A_118 = arith.select %gt3A_110, %squeeze3A_107, %sub3A_117 : vector<1000x128xi1>, vector<1000x128xbf16>
    %get3A_119 = arith.constant 5 : index
    %get3A_120 = arith.constant 0 : index
    %get3A_121 = arith.constant 0 : index
    %get3A_122 = vector.load %arg4[%get3A_119, %get3A_120, %get3A_121] : memref<16x128x128xbf16, #tpu.memory_space<vmem>>, vector<1x128x128xbf16>
    %get3A_123 = vector.shape_cast %get3A_122 : vector<1x128x128xbf16> to vector<128x128xbf16>
    %dot_general3A_124 = arith.constant dense<0.000000e+00> : vector<1000x128xf32>
    %dot_general3A_125 = tpu.matmul %select_n3A_118, %get3A_123, %dot_general3A_124 {dimension_numbers = #tpu.dot_dimension_numbers<[1], [0], [0], [1], [0, 0, 1, 1], [], []>, transpose_lhs_hint = false} : vector<1000x128xbf16>, vector<128x128xbf16>, vector<1000x128xf32> -> vector<1000x128xf32>
    %add3A_126 = arith.addf %add3A_105, %dot_general3A_125 : vector<1000x128xf32>
    %slice3A_127 = vector.extract_strided_slice %convert_element_type3A_7 {offsets = [0, 6, 0], sizes = [1000, 1, 128], strides = [1, 1, 1]} : vector<1000x16x128xbf16> to vector<1000x1x128xbf16>
    %squeeze3A_128 = vector.shape_cast %slice3A_127 : vector<1000x1x128xbf16> to vector<1000x128xbf16>
    %gt3A_129 = arith.constant 0.000000e+00 : bf16
    %gt3A_130 = vector.broadcast %gt3A_129 : bf16 to vector<1000x128xbf16>
    %gt3A_131 = arith.cmpf ogt, %squeeze3A_128, %gt3A_130 : vector<1000x128xbf16>
    %min3A_132 = arith.constant 0.000000e+00 : bf16
    %min3A_133 = vector.broadcast %min3A_132 : bf16 to vector<1000x128xbf16>
    %min3A_134 = arith.minimumf %squeeze3A_128, %min3A_133 : vector<1000x128xbf16>
    %exp3A_135 = math.exp %min3A_134 : vector<1000x128xbf16>
    %sub3A_136 = arith.constant 1.000000e+00 : bf16
    %sub3A_137 = vector.broadcast %sub3A_136 : bf16 to vector<1000x128xbf16>
    %sub3A_138 = arith.subf %exp3A_135, %sub3A_137 : vector<1000x128xbf16>
    %select_n3A_139 = arith.select %gt3A_131, %squeeze3A_128, %sub3A_138 : vector<1000x128xi1>, vector<1000x128xbf16>
    %get3A_140 = arith.constant 6 : index
    %get3A_141 = arith.constant 0 : index
    %get3A_142 = arith.constant 0 : index
    %get3A_143 = vector.load %arg4[%get3A_140, %get3A_141, %get3A_142] : memref<16x128x128xbf16, #tpu.memory_space<vmem>>, vector<1x128x128xbf16>
    %get3A_144 = vector.shape_cast %get3A_143 : vector<1x128x128xbf16> to vector<128x128xbf16>
    %dot_general3A_145 = arith.constant dense<0.000000e+00> : vector<1000x128xf32>
    %dot_general3A_146 = tpu.matmul %select_n3A_139, %get3A_144, %dot_general3A_145 {dimension_numbers = #tpu.dot_dimension_numbers<[1], [0], [0], [1], [0, 0, 1, 1], [], []>, transpose_lhs_hint = false} : vector<1000x128xbf16>, vector<128x128xbf16>, vector<1000x128xf32> -> vector<1000x128xf32>
    %add3A_147 = arith.addf %add3A_126, %dot_general3A_146 : vector<1000x128xf32>
    %slice3A_148 = vector.extract_strided_slice %convert_element_type3A_7 {offsets = [0, 7, 0], sizes = [1000, 1, 128], strides = [1, 1, 1]} : vector<1000x16x128xbf16> to vector<1000x1x128xbf16>
    %squeeze3A_149 = vector.shape_cast %slice3A_148 : vector<1000x1x128xbf16> to vector<1000x128xbf16>
    %gt3A_150 = arith.constant 0.000000e+00 : bf16
    %gt3A_151 = vector.broadcast %gt3A_150 : bf16 to vector<1000x128xbf16>
    %gt3A_152 = arith.cmpf ogt, %squeeze3A_149, %gt3A_151 : vector<1000x128xbf16>
    %min3A_153 = arith.constant 0.000000e+00 : bf16
    %min3A_154 = vector.broadcast %min3A_153 : bf16 to vector<1000x128xbf16>
    %min3A_155 = arith.minimumf %squeeze3A_149, %min3A_154 : vector<1000x128xbf16>
    %exp3A_156 = math.exp %min3A_155 : vector<1000x128xbf16>
    %sub3A_157 = arith.constant 1.000000e+00 : bf16
    %sub3A_158 = vector.broadcast %sub3A_157 : bf16 to vector<1000x128xbf16>
    %sub3A_159 = arith.subf %exp3A_156, %sub3A_158 : vector<1000x128xbf16>
    %select_n3A_160 = arith.select %gt3A_152, %squeeze3A_149, %sub3A_159 : vector<1000x128xi1>, vector<1000x128xbf16>
    %get3A_161 = arith.constant 7 : index
    %get3A_162 = arith.constant 0 : index
    %get3A_163 = arith.constant 0 : index
    %get3A_164 = vector.load %arg4[%get3A_161, %get3A_162, %get3A_163] : memref<16x128x128xbf16, #tpu.memory_space<vmem>>, vector<1x128x128xbf16>
    %get3A_165 = vector.shape_cast %get3A_164 : vector<1x128x128xbf16> to vector<128x128xbf16>
    %dot_general3A_166 = arith.constant dense<0.000000e+00> : vector<1000x128xf32>
    %dot_general3A_167 = tpu.matmul %select_n3A_160, %get3A_165, %dot_general3A_166 {dimension_numbers = #tpu.dot_dimension_numbers<[1], [0], [0], [1], [0, 0, 1, 1], [], []>, transpose_lhs_hint = false} : vector<1000x128xbf16>, vector<128x128xbf16>, vector<1000x128xf32> -> vector<1000x128xf32>
    %add3A_168 = arith.addf %add3A_147, %dot_general3A_167 : vector<1000x128xf32>
    %slice3A_169 = vector.extract_strided_slice %convert_element_type3A_7 {offsets = [0, 8, 0], sizes = [1000, 1, 128], strides = [1, 1, 1]} : vector<1000x16x128xbf16> to vector<1000x1x128xbf16>
    %squeeze3A_170 = vector.shape_cast %slice3A_169 : vector<1000x1x128xbf16> to vector<1000x128xbf16>
    %gt3A_171 = arith.constant 0.000000e+00 : bf16
    %gt3A_172 = vector.broadcast %gt3A_171 : bf16 to vector<1000x128xbf16>
    %gt3A_173 = arith.cmpf ogt, %squeeze3A_170, %gt3A_172 : vector<1000x128xbf16>
    %min3A_174 = arith.constant 0.000000e+00 : bf16
    %min3A_175 = vector.broadcast %min3A_174 : bf16 to vector<1000x128xbf16>
    %min3A_176 = arith.minimumf %squeeze3A_170, %min3A_175 : vector<1000x128xbf16>
    %exp3A_177 = math.exp %min3A_176 : vector<1000x128xbf16>
    %sub3A_178 = arith.constant 1.000000e+00 : bf16
    %sub3A_179 = vector.broadcast %sub3A_178 : bf16 to vector<1000x128xbf16>
    %sub3A_180 = arith.subf %exp3A_177, %sub3A_179 : vector<1000x128xbf16>
    %select_n3A_181 = arith.select %gt3A_173, %squeeze3A_170, %sub3A_180 : vector<1000x128xi1>, vector<1000x128xbf16>
    %get3A_182 = arith.constant 8 : index
    %get3A_183 = arith.constant 0 : index
    %get3A_184 = arith.constant 0 : index
    %get3A_185 = vector.load %arg4[%get3A_182, %get3A_183, %get3A_184] : memref<16x128x128xbf16, #tpu.memory_space<vmem>>, vector<1x128x128xbf16>
    %get3A_186 = vector.shape_cast %get3A_185 : vector<1x128x128xbf16> to vector<128x128xbf16>
    %dot_general3A_187 = arith.constant dense<0.000000e+00> : vector<1000x128xf32>
    %dot_general3A_188 = tpu.matmul %select_n3A_181, %get3A_186, %dot_general3A_187 {dimension_numbers = #tpu.dot_dimension_numbers<[1], [0], [0], [1], [0, 0, 1, 1], [], []>, transpose_lhs_hint = false} : vector<1000x128xbf16>, vector<128x128xbf16>, vector<1000x128xf32> -> vector<1000x128xf32>
    %add3A_189 = arith.addf %add3A_168, %dot_general3A_188 : vector<1000x128xf32>
    %slice3A_190 = vector.extract_strided_slice %convert_element_type3A_7 {offsets = [0, 9, 0], sizes = [1000, 1, 128], strides = [1, 1, 1]} : vector<1000x16x128xbf16> to vector<1000x1x128xbf16>
    %squeeze3A_191 = vector.shape_cast %slice3A_190 : vector<1000x1x128xbf16> to vector<1000x128xbf16>
    %gt3A_192 = arith.constant 0.000000e+00 : bf16
    %gt3A_193 = vector.broadcast %gt3A_192 : bf16 to vector<1000x128xbf16>
    %gt3A_194 = arith.cmpf ogt, %squeeze3A_191, %gt3A_193 : vector<1000x128xbf16>
    %min3A_195 = arith.constant 0.000000e+00 : bf16
    %min3A_196 = vector.broadcast %min3A_195 : bf16 to vector<1000x128xbf16>
    %min3A_197 = arith.minimumf %squeeze3A_191, %min3A_196 : vector<1000x128xbf16>
    %exp3A_198 = math.exp %min3A_197 : vector<1000x128xbf16>
    %sub3A_199 = arith.constant 1.000000e+00 : bf16
    %sub3A_200 = vector.broadcast %sub3A_199 : bf16 to vector<1000x128xbf16>
    %sub3A_201 = arith.subf %exp3A_198, %sub3A_200 : vector<1000x128xbf16>
    %select_n3A_202 = arith.select %gt3A_194, %squeeze3A_191, %sub3A_201 : vector<1000x128xi1>, vector<1000x128xbf16>
    %get3A_203 = arith.constant 9 : index
    %get3A_204 = arith.constant 0 : index
    %get3A_205 = arith.constant 0 : index
    %get3A_206 = vector.load %arg4[%get3A_203, %get3A_204, %get3A_205] : memref<16x128x128xbf16, #tpu.memory_space<vmem>>, vector<1x128x128xbf16>
    %get3A_207 = vector.shape_cast %get3A_206 : vector<1x128x128xbf16> to vector<128x128xbf16>
    %dot_general3A_208 = arith.constant dense<0.000000e+00> : vector<1000x128xf32>
    %dot_general3A_209 = tpu.matmul %select_n3A_202, %get3A_207, %dot_general3A_208 {dimension_numbers = #tpu.dot_dimension_numbers<[1], [0], [0], [1], [0, 0, 1, 1], [], []>, transpose_lhs_hint = false} : vector<1000x128xbf16>, vector<128x128xbf16>, vector<1000x128xf32> -> vector<1000x128xf32>
    %add3A_210 = arith.addf %add3A_189, %dot_general3A_209 : vector<1000x128xf32>
    %slice3A_211 = vector.extract_strided_slice %convert_element_type3A_7 {offsets = [0, 10, 0], sizes = [1000, 1, 128], strides = [1, 1, 1]} : vector<1000x16x128xbf16> to vector<1000x1x128xbf16>
    %squeeze3A_212 = vector.shape_cast %slice3A_211 : vector<1000x1x128xbf16> to vector<1000x128xbf16>
    %gt3A_213 = arith.constant 0.000000e+00 : bf16
    %gt3A_214 = vector.broadcast %gt3A_213 : bf16 to vector<1000x128xbf16>
    %gt3A_215 = arith.cmpf ogt, %squeeze3A_212, %gt3A_214 : vector<1000x128xbf16>
    %min3A_216 = arith.constant 0.000000e+00 : bf16
    %min3A_217 = vector.broadcast %min3A_216 : bf16 to vector<1000x128xbf16>
    %min3A_218 = arith.minimumf %squeeze3A_212, %min3A_217 : vector<1000x128xbf16>
    %exp3A_219 = math.exp %min3A_218 : vector<1000x128xbf16>
    %sub3A_220 = arith.constant 1.000000e+00 : bf16
    %sub3A_221 = vector.broadcast %sub3A_220 : bf16 to vector<1000x128xbf16>
    %sub3A_222 = arith.subf %exp3A_219, %sub3A_221 : vector<1000x128xbf16>
    %select_n3A_223 = arith.select %gt3A_215, %squeeze3A_212, %sub3A_222 : vector<1000x128xi1>, vector<1000x128xbf16>
    %get3A_224 = arith.constant 10 : index
    %get3A_225 = arith.constant 0 : index
    %get3A_226 = arith.constant 0 : index
    %get3A_227 = vector.load %arg4[%get3A_224, %get3A_225, %get3A_226] : memref<16x128x128xbf16, #tpu.memory_space<vmem>>, vector<1x128x128xbf16>
    %get3A_228 = vector.shape_cast %get3A_227 : vector<1x128x128xbf16> to vector<128x128xbf16>
    %dot_general3A_229 = arith.constant dense<0.000000e+00> : vector<1000x128xf32>
    %dot_general3A_230 = tpu.matmul %select_n3A_223, %get3A_228, %dot_general3A_229 {dimension_numbers = #tpu.dot_dimension_numbers<[1], [0], [0], [1], [0, 0, 1, 1], [], []>, transpose_lhs_hint = false} : vector<1000x128xbf16>, vector<128x128xbf16>, vector<1000x128xf32> -> vector<1000x128xf32>
    %add3A_231 = arith.addf %add3A_210, %dot_general3A_230 : vector<1000x128xf32>
    %slice3A_232 = vector.extract_strided_slice %convert_element_type3A_7 {offsets = [0, 11, 0], sizes = [1000, 1, 128], strides = [1, 1, 1]} : vector<1000x16x128xbf16> to vector<1000x1x128xbf16>
    %squeeze3A_233 = vector.shape_cast %slice3A_232 : vector<1000x1x128xbf16> to vector<1000x128xbf16>
    %gt3A_234 = arith.constant 0.000000e+00 : bf16
    %gt3A_235 = vector.broadcast %gt3A_234 : bf16 to vector<1000x128xbf16>
    %gt3A_236 = arith.cmpf ogt, %squeeze3A_233, %gt3A_235 : vector<1000x128xbf16>
    %min3A_237 = arith.constant 0.000000e+00 : bf16
    %min3A_238 = vector.broadcast %min3A_237 : bf16 to vector<1000x128xbf16>
    %min3A_239 = arith.minimumf %squeeze3A_233, %min3A_238 : vector<1000x128xbf16>
    %exp3A_240 = math.exp %min3A_239 : vector<1000x128xbf16>
    %sub3A_241 = arith.constant 1.000000e+00 : bf16
    %sub3A_242 = vector.broadcast %sub3A_241 : bf16 to vector<1000x128xbf16>
    %sub3A_243 = arith.subf %exp3A_240, %sub3A_242 : vector<1000x128xbf16>
    %select_n3A_244 = arith.select %gt3A_236, %squeeze3A_233, %sub3A_243 : vector<1000x128xi1>, vector<1000x128xbf16>
    %get3A_245 = arith.constant 11 : index
    %get3A_246 = arith.constant 0 : index
    %get3A_247 = arith.constant 0 : index
    %get3A_248 = vector.load %arg4[%get3A_245, %get3A_246, %get3A_247] : memref<16x128x128xbf16, #tpu.memory_space<vmem>>, vector<1x128x128xbf16>
    %get3A_249 = vector.shape_cast %get3A_248 : vector<1x128x128xbf16> to vector<128x128xbf16>
    %dot_general3A_250 = arith.constant dense<0.000000e+00> : vector<1000x128xf32>
    %dot_general3A_251 = tpu.matmul %select_n3A_244, %get3A_249, %dot_general3A_250 {dimension_numbers = #tpu.dot_dimension_numbers<[1], [0], [0], [1], [0, 0, 1, 1], [], []>, transpose_lhs_hint = false} : vector<1000x128xbf16>, vector<128x128xbf16>, vector<1000x128xf32> -> vector<1000x128xf32>
    %add3A_252 = arith.addf %add3A_231, %dot_general3A_251 : vector<1000x128xf32>
    %slice3A_253 = vector.extract_strided_slice %convert_element_type3A_7 {offsets = [0, 12, 0], sizes = [1000, 1, 128], strides = [1, 1, 1]} : vector<1000x16x128xbf16> to vector<1000x1x128xbf16>
    %squeeze3A_254 = vector.shape_cast %slice3A_253 : vector<1000x1x128xbf16> to vector<1000x128xbf16>
    %gt3A_255 = arith.constant 0.000000e+00 : bf16
    %gt3A_256 = vector.broadcast %gt3A_255 : bf16 to vector<1000x128xbf16>
    %gt3A_257 = arith.cmpf ogt, %squeeze3A_254, %gt3A_256 : vector<1000x128xbf16>
    %min3A_258 = arith.constant 0.000000e+00 : bf16
    %min3A_259 = vector.broadcast %min3A_258 : bf16 to vector<1000x128xbf16>
    %min3A_260 = arith.minimumf %squeeze3A_254, %min3A_259 : vector<1000x128xbf16>
    %exp3A_261 = math.exp %min3A_260 : vector<1000x128xbf16>
    %sub3A_262 = arith.constant 1.000000e+00 : bf16
    %sub3A_263 = vector.broadcast %sub3A_262 : bf16 to vector<1000x128xbf16>
    %sub3A_264 = arith.subf %exp3A_261, %sub3A_263 : vector<1000x128xbf16>
    %select_n3A_265 = arith.select %gt3A_257, %squeeze3A_254, %sub3A_264 : vector<1000x128xi1>, vector<1000x128xbf16>
    %get3A_266 = arith.constant 12 : index
    %get3A_267 = arith.constant 0 : index
    %get3A_268 = arith.constant 0 : index
    %get3A_269 = vector.load %arg4[%get3A_266, %get3A_267, %get3A_268] : memref<16x128x128xbf16, #tpu.memory_space<vmem>>, vector<1x128x128xbf16>
    %get3A_270 = vector.shape_cast %get3A_269 : vector<1x128x128xbf16> to vector<128x128xbf16>
    %dot_general3A_271 = arith.constant dense<0.000000e+00> : vector<1000x128xf32>
    %dot_general3A_272 = tpu.matmul %select_n3A_265, %get3A_270, %dot_general3A_271 {dimension_numbers = #tpu.dot_dimension_numbers<[1], [0], [0], [1], [0, 0, 1, 1], [], []>, transpose_lhs_hint = false} : vector<1000x128xbf16>, vector<128x128xbf16>, vector<1000x128xf32> -> vector<1000x128xf32>
    %add3A_273 = arith.addf %add3A_252, %dot_general3A_272 : vector<1000x128xf32>
    %slice3A_274 = vector.extract_strided_slice %convert_element_type3A_7 {offsets = [0, 13, 0], sizes = [1000, 1, 128], strides = [1, 1, 1]} : vector<1000x16x128xbf16> to vector<1000x1x128xbf16>
    %squeeze3A_275 = vector.shape_cast %slice3A_274 : vector<1000x1x128xbf16> to vector<1000x128xbf16>
    %gt3A_276 = arith.constant 0.000000e+00 : bf16
    %gt3A_277 = vector.broadcast %gt3A_276 : bf16 to vector<1000x128xbf16>
    %gt3A_278 = arith.cmpf ogt, %squeeze3A_275, %gt3A_277 : vector<1000x128xbf16>
    %min3A_279 = arith.constant 0.000000e+00 : bf16
    %min3A_280 = vector.broadcast %min3A_279 : bf16 to vector<1000x128xbf16>
    %min3A_281 = arith.minimumf %squeeze3A_275, %min3A_280 : vector<1000x128xbf16>
    %exp3A_282 = math.exp %min3A_281 : vector<1000x128xbf16>
    %sub3A_283 = arith.constant 1.000000e+00 : bf16
    %sub3A_284 = vector.broadcast %sub3A_283 : bf16 to vector<1000x128xbf16>
    %sub3A_285 = arith.subf %exp3A_282, %sub3A_284 : vector<1000x128xbf16>
    %select_n3A_286 = arith.select %gt3A_278, %squeeze3A_275, %sub3A_285 : vector<1000x128xi1>, vector<1000x128xbf16>
    %get3A_287 = arith.constant 13 : index
    %get3A_288 = arith.constant 0 : index
    %get3A_289 = arith.constant 0 : index
    %get3A_290 = vector.load %arg4[%get3A_287, %get3A_288, %get3A_289] : memref<16x128x128xbf16, #tpu.memory_space<vmem>>, vector<1x128x128xbf16>
    %get3A_291 = vector.shape_cast %get3A_290 : vector<1x128x128xbf16> to vector<128x128xbf16>
    %dot_general3A_292 = arith.constant dense<0.000000e+00> : vector<1000x128xf32>
    %dot_general3A_293 = tpu.matmul %select_n3A_286, %get3A_291, %dot_general3A_292 {dimension_numbers = #tpu.dot_dimension_numbers<[1], [0], [0], [1], [0, 0, 1, 1], [], []>, transpose_lhs_hint = false} : vector<1000x128xbf16>, vector<128x128xbf16>, vector<1000x128xf32> -> vector<1000x128xf32>
    %add3A_294 = arith.addf %add3A_273, %dot_general3A_293 : vector<1000x128xf32>
    %slice3A_295 = vector.extract_strided_slice %convert_element_type3A_7 {offsets = [0, 14, 0], sizes = [1000, 1, 128], strides = [1, 1, 1]} : vector<1000x16x128xbf16> to vector<1000x1x128xbf16>
    %squeeze3A_296 = vector.shape_cast %slice3A_295 : vector<1000x1x128xbf16> to vector<1000x128xbf16>
    %gt3A_297 = arith.constant 0.000000e+00 : bf16
    %gt3A_298 = vector.broadcast %gt3A_297 : bf16 to vector<1000x128xbf16>
    %gt3A_299 = arith.cmpf ogt, %squeeze3A_296, %gt3A_298 : vector<1000x128xbf16>
    %min3A_300 = arith.constant 0.000000e+00 : bf16
    %min3A_301 = vector.broadcast %min3A_300 : bf16 to vector<1000x128xbf16>
    %min3A_302 = arith.minimumf %squeeze3A_296, %min3A_301 : vector<1000x128xbf16>
    %exp3A_303 = math.exp %min3A_302 : vector<1000x128xbf16>
    %sub3A_304 = arith.constant 1.000000e+00 : bf16
    %sub3A_305 = vector.broadcast %sub3A_304 : bf16 to vector<1000x128xbf16>
    %sub3A_306 = arith.subf %exp3A_303, %sub3A_305 : vector<1000x128xbf16>
    %select_n3A_307 = arith.select %gt3A_299, %squeeze3A_296, %sub3A_306 : vector<1000x128xi1>, vector<1000x128xbf16>
    %get3A_308 = arith.constant 14 : index
    %get3A_309 = arith.constant 0 : index
    %get3A_310 = arith.constant 0 : index
    %get3A_311 = vector.load %arg4[%get3A_308, %get3A_309, %get3A_310] : memref<16x128x128xbf16, #tpu.memory_space<vmem>>, vector<1x128x128xbf16>
    %get3A_312 = vector.shape_cast %get3A_311 : vector<1x128x128xbf16> to vector<128x128xbf16>
    %dot_general3A_313 = arith.constant dense<0.000000e+00> : vector<1000x128xf32>
    %dot_general3A_314 = tpu.matmul %select_n3A_307, %get3A_312, %dot_general3A_313 {dimension_numbers = #tpu.dot_dimension_numbers<[1], [0], [0], [1], [0, 0, 1, 1], [], []>, transpose_lhs_hint = false} : vector<1000x128xbf16>, vector<128x128xbf16>, vector<1000x128xf32> -> vector<1000x128xf32>
    %add3A_315 = arith.addf %add3A_294, %dot_general3A_314 : vector<1000x128xf32>
    %slice3A_316 = vector.extract_strided_slice %convert_element_type3A_7 {offsets = [0, 15, 0], sizes = [1000, 1, 128], strides = [1, 1, 1]} : vector<1000x16x128xbf16> to vector<1000x1x128xbf16>
    %squeeze3A_317 = vector.shape_cast %slice3A_316 : vector<1000x1x128xbf16> to vector<1000x128xbf16>
    %gt3A_318 = arith.constant 0.000000e+00 : bf16
    %gt3A_319 = vector.broadcast %gt3A_318 : bf16 to vector<1000x128xbf16>
    %gt3A_320 = arith.cmpf ogt, %squeeze3A_317, %gt3A_319 : vector<1000x128xbf16>
    %min3A_321 = arith.constant 0.000000e+00 : bf16
    %min3A_322 = vector.broadcast %min3A_321 : bf16 to vector<1000x128xbf16>
    %min3A_323 = arith.minimumf %squeeze3A_317, %min3A_322 : vector<1000x128xbf16>
    %exp3A_324 = math.exp %min3A_323 : vector<1000x128xbf16>
    %sub3A_325 = arith.constant 1.000000e+00 : bf16
    %sub3A_326 = vector.broadcast %sub3A_325 : bf16 to vector<1000x128xbf16>
    %sub3A_327 = arith.subf %exp3A_324, %sub3A_326 : vector<1000x128xbf16>
    %select_n3A_328 = arith.select %gt3A_320, %squeeze3A_317, %sub3A_327 : vector<1000x128xi1>, vector<1000x128xbf16>
    %get3A_329 = arith.constant 15 : index
    %get3A_330 = arith.constant 0 : index
    %get3A_331 = arith.constant 0 : index
    %get3A_332 = vector.load %arg4[%get3A_329, %get3A_330, %get3A_331] : memref<16x128x128xbf16, #tpu.memory_space<vmem>>, vector<1x128x128xbf16>
    %get3A_333 = vector.shape_cast %get3A_332 : vector<1x128x128xbf16> to vector<128x128xbf16>
    %dot_general3A_334 = arith.constant dense<0.000000e+00> : vector<1000x128xf32>
    %dot_general3A_335 = tpu.matmul %select_n3A_328, %get3A_333, %dot_general3A_334 {dimension_numbers = #tpu.dot_dimension_numbers<[1], [0], [0], [1], [0, 0, 1, 1], [], []>, transpose_lhs_hint = false} : vector<1000x128xbf16>, vector<128x128xbf16>, vector<1000x128xf32> -> vector<1000x128xf32>
    %add3A_336 = arith.addf %add3A_315, %dot_general3A_335 : vector<1000x128xf32>
    %get3A_337 = arith.constant 0 : index
    %get3A_338 = arith.constant 0 : index
    %get3A_339 = vector.load %arg5[%get3A_337, %get3A_338] : memref<1x128xf32, #tpu.memory_space<vmem>>, vector<1x128xf32>
    %add3A_340 = vector.broadcast %get3A_339 : vector<1x128xf32> to vector<1000x128xf32>
    %add3A_341 = arith.addf %add3A_336, %add3A_340 : vector<1000x128xf32>
    %gt3A_342 = arith.constant 0.000000e+00 : f32
    %gt3A_343 = vector.broadcast %gt3A_342 : f32 to vector<1000x128xf32>
    %gt3A_344 = arith.cmpf ogt, %add3A_341, %gt3A_343 : vector<1000x128xf32>
    %min3A_345 = arith.constant 0.000000e+00 : f32
    %min3A_346 = vector.broadcast %min3A_345 : f32 to vector<1000x128xf32>
    %min3A_347 = arith.minimumf %add3A_341, %min3A_346 : vector<1000x128xf32>
    %exp3A_348 = math.exp %min3A_347 : vector<1000x128xf32>
    %sub3A_349 = arith.constant 1.000000e+00 : f32
    %sub3A_350 = vector.broadcast %sub3A_349 : f32 to vector<1000x128xf32>
    %sub3A_351 = arith.subf %exp3A_348, %sub3A_350 : vector<1000x128xf32>
    %select_n3A_352 = arith.select %gt3A_344, %add3A_341, %sub3A_351 : vector<1000x128xi1>, vector<1000x128xf32>
    %mul3A = arith.constant 1000 : i32
    %mul3A_353 = arith.muli %arg0, %mul3A : i32
    %add3A_354 = arith.constant 0 : i32
    %add3A_355 = arith.addi %add3A_354, %mul3A_353 : i32
    %iota3A = tpu.iota {dimensions = array<i32: 0>} : vector<1000x1xi32>
    %add3A_356 = vector.broadcast %add3A_355 : i32 to vector<1000x1xi32>
    %add3A_357 = arith.addi %add3A_356, %iota3A : vector<1000x1xi32>
    %ne3A = arith.constant 9999 : i32
    %ne3A_358 = vector.broadcast %ne3A : i32 to vector<1000x1xi32>
    %ne3A_359 = arith.cmpi ne, %add3A_357, %ne3A_358 : vector<1000x1xi32>
    %convert_element_type3A_360 = arith.extui %ne3A_359 : vector<1000x1xi1> to vector<1000x1xi32>
    %convert_element_type3A_361 = arith.sitofp %convert_element_type3A_360 : vector<1000x1xi32> to vector<1000x1xf32>
    %get3A_362 = arith.constant 0 : index
    %get3A_363 = arith.constant 0 : index
    %get3A_364 = vector.load %arg3[%get3A_362, %get3A_363] : memref<1000x128xf32, #tpu.memory_space<vmem>>, vector<1000x128xf32>
    %get3A_365 = arith.constant 0 : index
    %get3A_366 = arith.constant 0 : index
    %get3A_367 = vector.load %arg6[%get3A_365, %get3A_366] : memref<128x128xf32, #tpu.memory_space<vmem>>, vector<128x128xf32>
    %dot_general3A_368 = arith.constant dense<0.000000e+00> : vector<1000x128xf32>
    %dot_general3A_369 = tpu.matmul %get3A_364, %get3A_367, %dot_general3A_368 {dimension_numbers = #tpu.dot_dimension_numbers<[1], [0], [0], [1], [0, 0, 1, 1], [], []>, transpose_lhs_hint = false} : vector<1000x128xf32>, vector<128x128xf32>, vector<1000x128xf32> -> vector<1000x128xf32>
    %get3A_370 = arith.constant 0 : index
    %get3A_371 = arith.constant 0 : index
    %get3A_372 = vector.load %arg7[%get3A_370, %get3A_371] : memref<1x128xf32, #tpu.memory_space<vmem>>, vector<1x128xf32>
    %add3A_373 = vector.broadcast %get3A_372 : vector<1x128xf32> to vector<1000x128xf32>
    %add3A_374 = arith.addf %dot_general3A_369, %add3A_373 : vector<1000x128xf32>
    %mul3A_375 = vector.broadcast %convert_element_type3A_361 : vector<1000x1xf32> to vector<1000x128xf32>
    %mul3A_376 = arith.mulf %select_n3A_352, %mul3A_375 : vector<1000x128xf32>
    %add3A_377 = arith.addf %mul3A_376, %add3A_374 : vector<1000x128xf32>
    %swap3A = arith.constant 0 : index
    %swap3A_378 = arith.constant 0 : index
    %swap3A_379 = vector.load %arg8[%swap3A, %swap3A_378] : memref<1000x128xf32, #tpu.memory_space<vmem>>, vector<1000x128xf32>
    tpu.vector_store %arg8[%swap3A, %swap3A_378], %add3A_377 {strides = array<i32>} : memref<1000x128xf32, #tpu.memory_space<vmem>>, vector<1000x128xf32>,
    return
  }
  func.func @transform_0(%arg0: i32) -> (i32, i32) {
    %c0_i32 = arith.constant 0 : i32
    %c0_i32_0 = arith.constant 0 : i32
    return %arg0, %c0_i32 : i32, i32
  }
  func.func @transform_1(%arg0: i32) -> (i32, i32, i32) {
    %add3A = arith.constant 0 : i32
    %add3A_0 = arith.addi %add3A, %arg0 : i32
    %c0_i32 = arith.constant 0 : i32
    %c0_i32_1 = arith.constant 0 : i32
    %c0_i32_2 = arith.constant 0 : i32
    return %add3A_0, %c0_i32, %c0_i32_1 : i32, i32, i32
  }
  func.func @transform_2(%arg0: i32) -> (i32, i32) {
    %add3A = arith.constant 0 : i32
    %add3A_0 = arith.addi %add3A, %arg0 : i32
    %c0_i32 = arith.constant 0 : i32
    %c0_i32_1 = arith.constant 0 : i32
    return %add3A_0, %c0_i32 : i32, i32
  }
  func.func @transform_3(%arg0: i32) -> (i32, i32, i32) {
    %c0_i32 = arith.constant 0 : i32
    %c0_i32_0 = arith.constant 0 : i32
    %c0_i32_1 = arith.constant 0 : i32
    %c0_i32_2 = arith.constant 0 : i32
    return %c0_i32, %c0_i32_0, %c0_i32_1 : i32, i32, i32
  }
  func.func @transform_4(%arg0: i32) -> (i32, i32) {
    %c0_i32 = arith.constant 0 : i32
    %c0_i32_0 = arith.constant 0 : i32
    %c0_i32_1 = arith.constant 0 : i32
    return %c0_i32, %c0_i32_0 : i32, i32
  }
  func.func @transform_5(%arg0: i32) -> (i32, i32) {
    %c0_i32 = arith.constant 0 : i32
    %c0_i32_0 = arith.constant 0 : i32
    %c0_i32_1 = arith.constant 0 : i32
    return %c0_i32, %c0_i32_0 : i32, i32
  }
  func.func @transform_6(%arg0: i32) -> (i32, i32) {
    %c0_i32 = arith.constant 0 : i32
    %c0_i32_0 = arith.constant 0 : i32
    %c0_i32_1 = arith.constant 0 : i32
    return %c0_i32, %c0_i32_0 : i32, i32
  }
  func.func @transform_7(%arg0: i32) -> (i32, i32) {
    %c0_i32 = arith.constant 0 : i32
    %c0_i32_0 = arith.constant 0 : i32
    return %arg0, %c0_i32 : i32, i32
  }
}

</mosaic_0001>

<sc_bundles>
// kernel: kernel.11.cloned.1.call-start
scs
__scs_entry_jumppad:
0x0: {  	(pc) =	sbr.rel $0x88, $3  }
0x1: {  	(tag) =	ssettag $0x0;
	lr =	simm.s32 $0x1  }
0x2: {  	[smem:$0x3F9A] =	sst lr;
	_ =	strace $0xD0000000  }
0x3: {  	_ = 	snop  }
0x4: {  	_ = 	snop  }
0x5: {  	_ = 	snop  }
0x6: {  	_ = 	snop  }
0x7: {  	_ = 	snop  }
__scs_overlays_trampoline_lowered:
0x8: {  	[smem:$0x3FA9] =	sst s0  }
0x9: {  	[smem:$0x3FAA] =	sst s1  }
0xa: {  	[smem:$0x3FAB] =	sst s2  }
0xb: {  	[smem:$0x3FAC] =	sst s3  }
0xc: {  	[smem:$0x3FAD] =	sst s4  }
0xd: {  	[smem:$0x3FAE] =	sst s5  }
0xe: {  	[smem:$0x3FAF] =	sst s6  }
0xf: {  	[smem:$0x3FB0] =	sst s7  }
0x10: {  	[smem:$0x3FB1] =	sst s8  }
0x11: {  	[smem:$0x3FB2] =	sst s9;
	s0 =	simm.s32 @!p0 $0x0  }
0x12: {  	s1 =	sld [smem:$0x3F98];
	s0 =	simm.s32 @p0 $0x1  }
0x13: {  	[smem:$0x3FB3] =	sst s0;
	s0 =	simm.s32 @!p1 $0x0  }
0x14: {  	s2 =	sld [smem:$0x3F97];
	s0 =	simm.s32 @p1 $0x1  }
0x15: {  	[smem:$0x3FB4] =	sst s0;
	s0 =	simm.s32 @!p2 $0x0  }
0x16: {  	s3 =	sld [smem:$0x3FDB];
	s0 =	simm.s32 @p2 $0x1  }
0x17: {  	s4 =	simm.s32 $0x1BF5;
	[smem:$0x3FB6] =	sst s0  }
0x18: {  	s0 =	sld [smem:$0x3F99];
	_ =	swait.ge [sflag:s4], $0x0  }
0x19: {  	s7 =	sld [smem:$0x3F9A]  }
0x1a: {  	s8 =	sadd.s32 $0xFFFFE003, lr  }
0x1b: {  	s9 =	sadd.s32 $0xFFFFFEF7, lr;
	s5 =	simm.s32 $0xFFFFFFFF;
	p2 =	slt.u32 s8, $0xFFFFF086  }
0x1c: {  	p1 =	slt.u32 s9, $0xF7A;
	s5 =	simm.s32 @!p2 $0x0  }
0x1d: {  	s5 =	simm.s32 @p1 $0x1;
	p0 =	seq.s32 s7, s2  }
0x1e: {  	s7 =	smul.u32 @!p0 $0xF7A, s2;
	p2 =	seq.s32 @!p0 s5, $0x0  }
0x1f: {  	s9 =	smul.u32 $0xF7A, s1;
	s8 =	simm.s32 @!p0 $0x1BF5;
	p2 =	por !p2, p0  }
0x20: {  	[sflag:s8] =	ssyncset.s32 @!p0 $0xFFFFF086;
	s6 =	sadd.s32 @!p0 s3, s7;
	s7 =	simm.s32 @!p0 $0x108  }
0x21: {  	s3 =	sadd.s32 s3, s9;
	s6 =	sadd.s32 @!p0 $0x88, s6;
	s7 =	simm.s32 @p2 $0x1082  }
0x22: {  	[simem:s7], [sflag:s8] =	dma.local @!p0 [hbm:s6], $0xF7A  }
0x23: {  	s9 =	sor.u32 $0xD0000000, s2;
	s6 =	simm.s32 $0x108;
	_ =	swait.ge @!p0 [sflag:s8], $0x0  }
0x24: {  	s3 =	sadd.s32 $0x88, s3;
	s6 =	simm.s32 @!p1 $0x1082;
	[sflag:s4] =	ssyncset.s32 $0xFFFFF086  }
0x25: {  	[simem:s6], [sflag:s4] =	dma.local [hbm:s3], $0xF7A  }
0x26: {  	[smem:$0x3F9A] =	sst s1;
	(tag) =	ssettag s2;
	_ =	strace s9  }
0x27: {  	s1 =	sld [smem:$0x3FAA]  }
0x28: {  	s2 =	sld [smem:$0x3FAB]  }
0x29: {  	s4 =	sld [smem:$0x3FAD]  }
0x2a: {  	p0 =	seq.s32 s5, $0x0;
	s5 =	sld [smem:$0x3FAE]  }
0x2b: {  	s6 =	sld [smem:$0x3FAF]  }
0x2c: {  	s7 =	sld [smem:$0x3FB0]  }
0x2d: {  	s3 =	simm.s32 $0x108;
	s8 =	sld [smem:$0x3FB1]  }
0x2e: {  	s3 =	simm.s32 @!p0 $0x1082;
	s9 =	sld [smem:$0x3FB2]  }
0x2f: {  	lr =	sadd.s32 s0, s3;
	s0 =	sld [smem:$0x3FA9]  }
0x30: {  	s3 =	sld [smem:$0x3FAC]  }
0x31: {  	[smem:$0x3FB5] =	sst s10  }
0x32: {  	s10 =	sld [smem:$0x3FB3];
	_ =	sdelay $0x3  }
0x33: {  	p0 =	seq.s32 s10, $0x1;
	s10 =	sld [smem:$0x3FB5];
	_ =	sdelay $0x3  }
0x34: {  	[smem:$0x3FB5] =	sst s10  }
0x35: {  	s10 =	sld [smem:$0x3FB4];
	_ =	sdelay $0x3  }
0x36: {  	p1 =	seq.s32 s10, $0x1;
	s10 =	sld [smem:$0x3FB5];
	_ =	sdelay $0x3  }
0x37: {  	[smem:$0x3FB5] =	sst s10  }
0x38: {  	s10 =	sld [smem:$0x3FB6]  }
0x39: {  	_ = 	snop;
	(pc) =	sbr.ind lr, $3  }
0x3a: {  	_ = 	snop  }
0x3b: {  	_ = 	snop  }
0x3c: {  	p2 =	seq.s32 s10, $0x1;
	s10 =	sld [smem:$0x3FB5]  }
0x3d: {  	_ =	shalt  }
0x3e: {  	_ =	shalt  }
0x3f: {  	_ =	shalt  }
0x40: {  	_ =	shalt  }
0x41: {  	_ =	shalt  }
0x42: {  	_ =	shalt  }
0x43: {  	_ =	shalt  }
0x44: {  	_ =	shalt  }
0x45: {  	_ =	shalt  }
0x46: {  	_ =	shalt  }
0x47: {  	_ =	shalt  }
0x48: {  	_ =	shalt  }
0x49: {  	_ =	shalt  }
0x4a: {  	_ =	shalt  }
0x4b: {  	_ =	shalt  }
0x4c: {  	_ =	shalt  }
0x4d: {  	_ =	shalt  }
0x4e: {  	_ =	shalt  }
0x4f: {  	_ =	shalt  }
0x50: {  	_ =	shalt  }
0x51: {  	_ =	shalt  }
0x52: {  	_ =	shalt  }
0x53: {  	_ =	shalt  }
0x54: {  	_ =	shalt  }
0x55: {  	_ =	shalt  }
0x56: {  	_ =	shalt  }
0x57: {  	_ =	shalt  }
0x58: {  	_ =	shalt  }
0x59: {  	_ =	shalt  }
0x5a: {  	_ =	shalt  }
0x5b: {  	_ =	shalt  }
0x5c: {  	_ =	shalt  }
0x5d: {  	_ =	shalt  }
0x5e: {  	_ =	shalt  }
0x5f: {  	_ =	shalt  }
0x60: {  	_ =	shalt  }
0x61: {  	_ =	shalt  }
0x62: {  	_ =	shalt  }
0x63: {  	_ =	shalt  }
0x64: {  	_ =	shalt  }
0x65: {  	_ =	shalt  }
0x66: {  	_ =	shalt  }
0x67: {  	_ =	shalt  }
0x68: {  	_ =	shalt  }
0x69: {  	_ =	shalt  }
0x6a: {  	_ =	shalt  }
0x6b: {  	_ =	shalt  }
0x6c: {  	_ =	shalt  }
0x6d: {  	_ =	shalt  }
0x6e: {  	_ =	shalt  }
0x6f: {  	_ =	shalt  }
0x70: {  	_ =	shalt  }
0x71: {  	_ =	shalt  }
0x72: {  	_ =	shalt  }
0x73: {  	_ =	shalt  }
0x74: {  	_ =	shalt  }
0x75: {  	_ =	shalt  }
0x76: {  	_ =	shalt  }
0x77: {  	_ =	shalt  }
0x78: {  	_ =	shalt  }
0x79: {  	_ =	shalt  }
0x7a: {  	_ =	shalt  }
0x7b: {  	_ =	shalt  }
0x7c: {  	_ =	shalt  }
0x7d: {  	_ =	shalt  }
0x7e: {  	_ =	shalt  }
0x7f: {  	_ =	shalt  }
0x80: {  	_ =	shalt  }
0x81: {  	_ =	shalt  }
0x82: {  	_ =	shalt  }
0x83: {  	_ =	shalt  }
0x84: {  	_ =	shalt  }
0x85: {  	_ =	shalt  }
0x86: {  	_ =	shalt  }
0x87: {  	_ =	shalt  }
.Lfunc_end0:
.L_simem_size_0:
called_computation_lowered:
.L_overlay_start_0:
0x88: {  	s2 =	sld [smem:$0x3FD9]  }
0x89: {  	s3 =	sld [smem:$0x3FFE];
	_ =	sdelay $0x1  }
0x8a: {  	s1 =	srdreg.scid  }
0x8b: {  	s0 =	sand.u32 $0x1, s1  }
0x8c: {  	s17 =	sshll.u32 s0, $0xA;
	s2 =	sadd.s32 s3, s2  }
0x8d: {  	s2 =	sadd.s32 s2, s17  }
0x8e: {  	[smem:$0x3FC1] =	sst s2  }
0x8f: {  	_ = 	snop  }
0x90: {  	s18 =	sld [smem:$0x3FD0];
	(tm) =	ssettm $0x1  }
0x91: {  	s19 =	sld [smem:$0x3FFB];
	_ =	sdelay $0x3  }
0x92: {  	_ =	strace s19  }
0x93: {  	s2 =	sld [smem:$0x3FFC];
	_ =	sdelay $0x3  }
0x94: {  	_ =	strace s2  }
0x95: {  	s2 =	sld [smem:$0x3FFD];
	_ =	sdelay $0x3  }
0x96: {  	_ =	strace s2  }
0x97: {  	_ =	strace $0x8FFFFFFF  }
0x98: {  	s20 =	sld [smem:$0x3FDB];
	_ =	sdelay $0x1  }
0x99: {  	s4 =	simm.s32 $_scs_section_size  }
0x9a: {  	s5 =	simm.s32 $_size__tile_overlayer_lowered;
	s6 =	simm.s32 $_tile_overlayer_lowered  }
0x9b: {  	s7 =	simm.s32 $0x1BFF;
	s21 =	sshll.u32 s6, $0x1;
	s4 =	sadd.s32 s4, s20  }
0x9c: {  	s22 =	simm.s32 $0x0;
	s5 =	sshll.u32 s5, $0x1;
	s6 =	sadd.s32 s21, s4  }
0x9d: {  	[timem:s22], [sflag:s7] =	dma.local [hbm:s6], s5  }
0x9e: {  	_ =	swait.ge [sflag:s7], s5  }
0x9f: {  	s5 =	ssub.s32 $0x0, s5;
	[sflag:s7] =	ssyncset.done $0x0  }
0xa0: {  	[sflag:s7] =	ssyncadd.s32 s5;
	_ =	sdelay $0x1  }
0xa1: {  	s23 =	simm.s32 $0x1B8B  }
0xa2: {  	_ =	swait.ge [sflag:s23], $0x1  }
0xa3: {  	[sflag:s23] =	ssyncset.done $0x0  }
0xa4: {  	[sflag:s23] =	ssyncadd.s32 $0xFFFFFFFF  }
0xa5: {  	s5 =	sld [smem:$0x0]  }
0xa6: {  	s6 =	sand.u32 $0xFFFFFFFE, s1  }
0xa7: {  	p0 =	sne.s32 s1, s6  }
0xa8: {  	s6 =	sshll.u32 @p0 s6, $0xE  }
0xa9: {  	s6 =	sadd.s32 @p0 $0x11B8D, s6;
	s7 =	sshll.u32 @p0 s5, $0x11  }
0xaa: {  	s6 =	sor.u32 @p0 s7, s6  }
0xab: {  	[sflag:s6] =	ssyncadd.remote.s32 @p0 $0x1;
	_ =	sdelay $0x1  }
0xac: {  	s6 =	simm.s32 @p0 $0x1B8D  }
0xad: {  	_ =	swait.eq @p0 [sflag:s6], $0x1  }
0xae: {  	[sflag:s6] =	ssyncadd.s32 @p0 $0xFFFFFFFF  }
0xaf: {  	s7 =	sshll.u32 @!p0 s1, $0xE  }
0xb0: {  	s7 =	sor.u32 @!p0 $0x4000, s7;
	s6 =	simm.s32 @!p0 $0x1B8D  }
0xb1: {  	s5 =	sshll.u32 @!p0 s5, $0x11;
	s7 =	sadd.s32 @!p0 $0x11B8D, s7;
	_ =	swait.eq @!p0 [sflag:s6], $0x1  }
0xb2: {  	s5 =	sor.u32 @!p0 s5, s7;
	[sflag:s6] =	ssyncadd.s32 @!p0 $0xFFFFFFFF  }
0xb3: {  	s25 =	simm.s32 $0x1B8E;
	s24 =	sld [smem:$0x3FFE];
	[sflag:s5] =	ssyncadd.remote.s32 @!p0 $0x1  }
0xb4: {  	s26 =	simm.s32 $execute0_lowered;
	[smem:$0x3FD2] =	sst s25  }
0xb5: {  	s6 =	sshll.u32 s26, $0x1;
	_ =	strace $0x8000004F;
	[dreg:$0x1] =	wrdreg $0xFFFFFFFF  }
0xb6: {  	s28 =	simm.s32 $_size_execute0_lowered;
	s4 =	sadd.s32 s4, s6;
	[dreg:$0x0] =	wrdreg $0x0  }
0xb7: {  	s6 =	sshll.u32 s28, $0x1;
	[dreg:$0x2] =	wrdreg s4  }
0xb8: {  	[dreg:$0x3] =	wrdreg s6  }
0xb9: {  	[dreg:$0x4] =	wrdreg $0xC0  }
0xba: {  	_ =	task [dreg:s22], $0x5FFFF  }
0xbb: {  	[dreg:$0x1] =	wrdreg $0xFFFFFFFF  }
0xbc: {  	[dreg:$0x0] =	wrdreg $0x60  }
0xbd: {  	[dreg:$0x2] =	wrdreg s18  }
0xbe: {  	[dreg:$0x3] =	wrdreg s24  }
0xbf: {  	[dreg:$0x4] =	wrdreg $0x9  }
0xc0: {  	_ =	task.clear_ibuf [dreg:s22], $0x5FFFF;
	_ =	strace $0x9000004F  }
0xc1: {  	s29 =	simm.s32 $0x9;
	_ =	strace $0x80000051  }
0xc2: {  	_ =	swait.ge [sflag:s29], $0x1  }
0xc3: {  	[sflag:s29] =	ssyncadd.s32 $0xFFFFFFFF  }
0xc4: {  	_ =	strace $0x90000051  }
0xc5: {  	_ =	sfence  }
0xc6: {  	s30 =	sld [smem:$0x0];
	_ =	sdelay $0x2  }
0xc7: {  	s31 =	sshll.u32 s1, $0xD;
	s1 =	sshrl.u32 s1, $0x2  }
0xc8: {  	s4 =	sand.u32 $0x4000, s31;
	s1 =	sadd.s32 s1, s30  }
0xc9: {  	s0 =	sor.u32 s4, s0;
	s1 =	sshll.u32 s1, $0x11  }
0xca: {  	s0 =	sor.u32 s1, s0  }
0xcb: {  	s0 =	sadd.s32 $0x8F2B, s0  }
0xcc: {  	[sflag:s0] =	ssyncadd.remote.s32 $0x1  }
0xcd: {  	_ =	sfence.sel $0xFFFF  }
0xce: {  	[dreg:$0x0] =	wrdreg $0xFFFFFFFF;
	(pc) =	sbr.abs _section_cstart, $3  }
0xcf: {  	[dreg:$0x1] =	wrdreg $0xFFFFFFFF  }
0xd0: {  	_ =	task.clear_ibuf [dreg:s22], $0x2FFFF;
	_ =	strace $0x9FFFFFFF  }
0xd1: {  	(tm) =	ssettm $0x7FFFFFFF  }
tec
execute0_lowered:
.L_overlay_start_1:
0x0: {  	(tag) =	ssettag $0x1  }
0x1: {  	s2 =	rddreg [dreg:$0x0];
	s1 =	srdreg.scid  }
0x2: {  	s0 =	stileid.u32;
	s5 =	rddreg [dreg:$0x1];
	s3 =	simm.s32 $0x0  }
0x3: {  	s16 =	simm.s32 $0x200;
	s17 =	simm.s32 $0x8200;
	s13 =	smul.u32 $0xA0000, s0  }
0x4: {  	s18 =	simm.s32 $0x1;
	s19 =	simm.s32 $0x2;
	s15 =	smul.u32 $0x1400, s0  }
0x5: {  	s10 =	sand.u32 $0x1, s1;
	s1 =	rddreg [dreg:$0x2];
	s25 =	smul.u32 $0x14000, s0  }
0x6: {  	s4 =	sshll.u32 s0, $0x1;
	[smem:$0x7FF] =	sst s3;
	s14 =	smul.u32 $0x50000, s10  }
0x7: {  	s11 =	sadd.s32 $0x3CE200, s5;
	s6 =	sor.u32 s10, s4;
	s24 =	smul.u32 $0xA00, s10  }
0x8: {  	_ =	strace $0x80000050;
	s8 =	ssub.s32 $0x2, s10;
	s26 =	smul.u32 $0xA000, s10  }
0x9: {  	s4 =	sadd.s32 $0xBA00, s5;
	s7 =	smul.u32 $0xA00, s6;
	s20 =	sshrl.u32 s8, $0x1  }
0xa: {  	s21 =	smul.u32 $0x50000, s6;
	s28 =	sadd.s32 s25, s11;
	s8 =	ssub.s32 s8, s20  }
0xb: {  	s13 =	sadd.s32 s14, s13;
	s30 =	sadd.s32 s26, s28;
	s14 =	simm.s32 $0x3  }
0xc: {  	s20 =	simm.s32 $0x0;
	s9 =	sshrl.u32 s7, $0x3;
	s6 =	smax.u32 s8, $0x1  }
0xd: {  	s12 =	sadd.s32 $0x900, s7;
	s22 =	sshrl.u32 s21, $0x3;
	s13 =	sshrl.u32 s13, $0x3  }
0xe: {  	s5 =	sadd.s32 s4, s9;
	s7 =	sshrl.u32 s12, $0x3;
	s8 =	sadd.s32 s11, s22  }
0xf: {  	s23 =	sshll.u32 s12, $0x4;
	s12 =	sadd.s32 s24, s15;
	s10 =	sadd.s32 s13, s11  }
0x10: {  	s15 =	simm.s32 $0x100;
	s7 =	sadd.s32 s4, s7;
	s29 =	sor.u32 $0x100, s12  }
0x11: {  	s8 =	sadd.s32 $0x8000, s8;
	s9 =	sadd.s32 s11, s23;
	s31 =	sshrl.u32 s29, $0x3  }
0x12: {  	s11 =	sadd.s32 $0x200, s12;
	s12 =	sadd.s32 $0x1000, s30;
	s13 =	sadd.s32 s31, s4  }
.LBB2_1:
0x13: {  	[tilespmem:s3], [sflag:$0x3] =	stream.linear.gather [hbm4b:s5+s3], $0x100, $0x38;
	[tilespmem:$0x10200] =	vst v63  }
0x14: {  	_ =	swait.ge [sflag:s14], $0x100  }
0x15: {  	[sflag:s14] =	ssyncset.done $0x0  }
0x16: {  	[sflag:s14] =	ssyncadd.s32 $0xFFFFFF00  }
0x17: {  	[tilespmem:s16], [sflag:$0x1] =	stream.indirect.gather [hbm4b:s2+s15], $0x80, s3, s15, $0xb8;
	[tilespmem:$0x10200] =	vst v63  }
0x18: {  	_ = 	snop  }
0x19: {  	[tilespmem:s15], [sflag:$0x3] =	stream.linear.gather [hbm4b:s13+s3], $0x100, $0x38;
	[tilespmem:$0x10200] =	vst v63  }
0x1a: {  	_ =	swait.ge [sflag:s14], $0x100  }
0x1b: {  	[sflag:s14] =	ssyncset.done $0x0  }
0x1c: {  	[sflag:s14] =	ssyncadd.s32 $0xFFFFFF00  }
0x1d: {  	[tilespmem:s17], [sflag:$0x2] =	stream.indirect.gather [hbm4b:s2+s15], $0x80, s15, s15, $0xb8;
	[tilespmem:$0x10200] =	vst v63  }
0x1e: {  	_ =	swait.ge [sflag:s18], $0x8000  }
0x1f: {  	[sflag:s18] =	ssyncset.done $0x0  }
0x20: {  	s21 =	sadd.s32 $0x0, s10;
	[sflag:s18] =	ssyncadd.s32 $0xFFFF8000  }
0x21: {  	[hbm4b:s21+s3] =	stream.linear.scatter [tilespmem:s16], [sflag:$0x3], $0x8000, $0x38;
	[tilespmem:$0x10200] =	vst v63  }
0x22: {  	_ =	swait.ge [sflag:s14], $0x8000  }
0x23: {  	s30 =	sshrl.u32 s11, $0x3;
	[sflag:s14] =	ssyncset.done $0x0  }
0x24: {  	s21 =	sadd.s32 s4, s30;
	[sflag:s14] =	ssyncadd.s32 $0xFFFF8000  }
0x25: {  	[tilespmem:s3], [sflag:$0x3] =	stream.linear.gather [hbm4b:s21+s3], $0x100, $0x38;
	[tilespmem:$0x10200] =	vst v63  }
0x26: {  	_ =	swait.ge [sflag:s14], $0x100  }
0x27: {  	[sflag:s14] =	ssyncset.done $0x0  }
0x28: {  	[sflag:s14] =	ssyncadd.s32 $0xFFFFFF00  }
0x29: {  	[tilespmem:s16], [sflag:$0x1] =	stream.indirect.gather [hbm4b:s2+s15], $0x80, s3, s15, $0xb8;
	[tilespmem:$0x10200] =	vst v63  }
0x2a: {  	_ =	swait.ge [sflag:s19], $0x8000  }
0x2b: {  	[sflag:s19] =	ssyncset.done $0x0  }
0x2c: {  	s31 =	sadd.s32 $0x0, s12;
	[sflag:s19] =	ssyncadd.s32 $0xFFFF8000  }
0x2d: {  	[hbm4b:s31+s3] =	stream.linear.scatter [tilespmem:s17], [sflag:$0x3], $0x8000, $0x38;
	[tilespmem:$0x10200] =	vst v63  }
0x2e: {  	s22 =	smov.u32 s11;
	_ =	swait.ge [sflag:s14], $0x8000  }
0x2f: {  	s23 =	smov.u32 s13;
	s21 =	simm.s32 $0x2000;
	[sflag:s14] =	ssyncset.done $0x0  }
.LBB2_2:
0x30: {  	[sflag:s14] =	ssyncadd.s32 $0xFFFF8000  }
0x31: {  	s22 =	sadd.s32 $0x200, s22;
	s23 =	sadd.s32 $0x40, s23;
	s24 =	smov.u32 s21  }
0x32: {  	[tilespmem:s15], [sflag:$0x3] =	stream.linear.gather [hbm4b:s23+s3], $0x100, $0x38;
	[tilespmem:$0x10200] =	vst v63  }
0x33: {  	p0 =	sne.s32 s21, $0x6000;
	s21 =	sadd.s32 $0x2000, s21;
	_ =	swait.ge [sflag:s14], $0x100  }
0x34: {  	[sflag:s14] =	ssyncset.done $0x0  }
0x35: {  	[sflag:s14] =	ssyncadd.s32 $0xFFFFFF00  }
0x36: {  	[tilespmem:s17], [sflag:$0x2] =	stream.indirect.gather [hbm4b:s2+s15], $0x80, s15, s15, $0xb8;
	[tilespmem:$0x10200] =	vst v63  }
0x37: {  	_ =	swait.ge [sflag:s18], $0x8000  }
0x38: {  	[sflag:s18] =	ssyncset.done $0x0  }
0x39: {  	s25 =	sadd.s32 s24, s10;
	[sflag:s18] =	ssyncadd.s32 $0xFFFF8000  }
0x3a: {  	[hbm4b:s25+s3] =	stream.linear.scatter [tilespmem:s16], [sflag:$0x3], $0x8000, $0x38;
	[tilespmem:$0x10200] =	vst v63  }
0x3b: {  	_ =	swait.ge [sflag:s14], $0x8000  }
0x3c: {  	s25 =	sshrl.u32 s22, $0x3;
	[sflag:s14] =	ssyncset.done $0x0  }
0x3d: {  	s25 =	sadd.s32 s4, s25;
	[sflag:s14] =	ssyncadd.s32 $0xFFFF8000  }
0x3e: {  	[tilespmem:s3], [sflag:$0x3] =	stream.linear.gather [hbm4b:s25+s3], $0x100, $0x38;
	[tilespmem:$0x10200] =	vst v63  }
0x3f: {  	_ =	swait.ge [sflag:s14], $0x100  }
0x40: {  	[sflag:s14] =	ssyncset.done $0x0  }
0x41: {  	[sflag:s14] =	ssyncadd.s32 $0xFFFFFF00  }
0x42: {  	[tilespmem:s16], [sflag:$0x1] =	stream.indirect.gather [hbm4b:s2+s15], $0x80, s3, s15, $0xb8;
	[tilespmem:$0x10200] =	vst v63  }
0x43: {  	_ =	swait.ge [sflag:s19], $0x8000  }
.Ltmp0:
0x44: {  	[sflag:s19] =	ssyncset.done $0x0;
	(pc) =	sbr.rel @p0 .LBB2_2-.Ltmp0, $4  }
0x45: {  	s24 =	sadd.s32 s24, s12;
	[sflag:s19] =	ssyncadd.s32 $0xFFFF8000  }
0x46: {  	[hbm4b:s24+s3] =	stream.linear.scatter [tilespmem:s17], [sflag:$0x3], $0x8000, $0x38;
	[tilespmem:$0x10200] =	vst v63  }
0x47: {  	_ =	swait.ge [sflag:s14], $0x8000  }
0x48: {  	[sflag:s14] =	ssyncset.done $0x0  }
0x49: {  	[sflag:s14] =	ssyncadd.s32 $0xFFFF8000  }
0x4a: {  	[tilespmem:s15], [sflag:$0x3] =	stream.linear.gather [hbm4b:s7+s3], $0x100, $0x38;
	[tilespmem:$0x10200] =	vst v63  }
0x4b: {  	_ =	swait.ge [sflag:s14], $0x100  }
0x4c: {  	[sflag:s14] =	ssyncset.done $0x0  }
0x4d: {  	[sflag:s14] =	ssyncadd.s32 $0xFFFFFF00  }
0x4e: {  	[tilespmem:s17], [sflag:$0x2] =	stream.indirect.gather [hbm4b:s2+s15], $0x80, s15, s15, $0xb8;
	[tilespmem:$0x10200] =	vst v63  }
0x4f: {  	_ =	swait.ge [sflag:s18], $0x8000  }
0x50: {  	[sflag:s18] =	ssyncset.done $0x0  }
0x51: {  	[sflag:s18] =	ssyncadd.s32 $0xFFFF8000  }
0x52: {  	[hbm4b:s8+s3] =	stream.linear.scatter [tilespmem:s16], [sflag:$0x3], $0x8000, $0x38;
	[tilespmem:$0x10200] =	vst v63  }
0x53: {  	_ =	swait.ge [sflag:s14], $0x8000  }
0x54: {  	[sflag:s14] =	ssyncset.done $0x0  }
0x55: {  	[sflag:s14] =	ssyncadd.s32 $0xFFFF8000  }
0x56: {  	s20 =	sadd.s32 $0x1, s20;
	_ =	swait.ge [sflag:s19], $0x8000  }
0x57: {  	p0 =	sne.s32 s20, s6;
	[sflag:s19] =	ssyncset.done $0x0  }
.Ltmp1:
0x58: {  	[sflag:s19] =	ssyncadd.s32 $0xFFFF8000;
	(pc) =	sbr.rel @p0 .LBB2_1-.Ltmp1, $4  }
0x59: {  	[hbm4b:s9+s3] =	stream.linear.scatter [tilespmem:s17], [sflag:$0x3], $0x8000, $0x38;
	[tilespmem:$0x10200] =	vst v63  }
0x5a: {  	_ =	swait.ge [sflag:s14], $0x8000  }
0x5b: {  	[sflag:s14] =	ssyncset.done $0x0  }
0x5c: {  	[sflag:s14] =	ssyncadd.s32 $0xFFFF8000  }
0x5d: {  	_ =	sfence.sel $0x180000  }
0x5e: {  	[bflag:$0x0] =	sbarrier.arrive $0xFFFF  }
0x5f: {  	p0 =	sne.s32 s0, $0x0;
	_ =	strace $0x90000050  }
0x60: {  	s0 =	sadd.s32 @!p0 $0x100000, s1;
	[bflag:$0x2] =	sbarrier.arrive $0xFFFF  }
0x61: {  	[sflag:s0] =	ssyncadd.tile.s32 @!p0 $0x1;
	_ =	shalt  }
.Lfunc_end2:
_tile_overlayer_lowered:
.L_overlay_start_2:
0x62: {  	(tag) =	ssettag $0x2  }
0x63: {  	s0 =	rddreg [dreg:$0x0];
	s2 =	stileid.u32  }
0x64: {  	s1 =	rddreg [dreg:$0x1];
	p0 =	sne.s32 s2, $0x0  }
0x65: {  	s3 =	rddreg [dreg:$0x2];
	[bflag:$0x3] =	sbarrier.arrive $0xFFFF;
	s2 =	simm.s32 @!p0 $0x1C03  }
0x66: {  	[timem:s3], [sflag:s2] =	dma.local @!p0 [hbm:s0], s1  }
0x67: {  	s0 =	simm.s32 @!p0 $0x3  }
0x68: {  	_ =	swait.ge @!p0 [sflag:s0], s1  }
0x69: {  	s1 =	ssub.s32 @!p0 $0x0, s1;
	[sflag:s0] =	ssyncset.done @!p0 $0x0  }
0x6a: {  	[sflag:s0] =	ssyncadd.s32 @!p0 s1  }
0x6b: {  	[bflag:$0x3] =	sbarrier.arrive $0xFFFF  }
0x6c: {  	_ =	shalt  }

// kernel: kernel.14.cloned.1.call-start
scs
__scs_entry_jumppad:
0x0: {  	(pc) =	sbr.rel $0x88, $3  }
0x1: {  	(tag) =	ssettag $0x0;
	lr =	simm.s32 $0x1  }
0x2: {  	[smem:$0x3F9A] =	sst lr;
	_ =	strace $0xD0000000  }
0x3: {  	_ = 	snop  }
0x4: {  	_ = 	snop  }
0x5: {  	_ = 	snop  }
0x6: {  	_ = 	snop  }
0x7: {  	_ = 	snop  }
__scs_overlays_trampoline_lowered:
0x8: {  	[smem:$0x3FA9] =	sst s0  }
0x9: {  	[smem:$0x3FAA] =	sst s1  }
0xa: {  	[smem:$0x3FAB] =	sst s2  }
0xb: {  	[smem:$0x3FAC] =	sst s3  }
0xc: {  	[smem:$0x3FAD] =	sst s4  }
0xd: {  	[smem:$0x3FAE] =	sst s5  }
0xe: {  	[smem:$0x3FAF] =	sst s6  }
0xf: {  	[smem:$0x3FB0] =	sst s7  }
0x10: {  	[smem:$0x3FB1] =	sst s8  }
0x11: {  	[smem:$0x3FB2] =	sst s9;
	s0 =	simm.s32 @!p0 $0x0  }
0x12: {  	s1 =	sld [smem:$0x3F98];
	s0 =	simm.s32 @p0 $0x1  }
0x13: {  	[smem:$0x3FB3] =	sst s0;
	s0 =	simm.s32 @!p1 $0x0  }
0x14: {  	s2 =	sld [smem:$0x3F97];
	s0 =	simm.s32 @p1 $0x1  }
0x15: {  	[smem:$0x3FB4] =	sst s0;
	s0 =	simm.s32 @!p2 $0x0  }
0x16: {  	s3 =	sld [smem:$0x3FDB];
	s0 =	simm.s32 @p2 $0x1  }
0x17: {  	s4 =	simm.s32 $0x1BF5;
	[smem:$0x3FB6] =	sst s0  }
0x18: {  	s0 =	sld [smem:$0x3F99];
	_ =	swait.ge [sflag:s4], $0x0  }
0x19: {  	s7 =	sld [smem:$0x3F9A]  }
0x1a: {  	s8 =	sadd.s32 $0xFFFFE003, lr  }
0x1b: {  	s9 =	sadd.s32 $0xFFFFFEF7, lr;
	s5 =	simm.s32 $0xFFFFFFFF;
	p2 =	slt.u32 s8, $0xFFFFF086  }
0x1c: {  	p1 =	slt.u32 s9, $0xF7A;
	s5 =	simm.s32 @!p2 $0x0  }
0x1d: {  	s5 =	simm.s32 @p1 $0x1;
	p0 =	seq.s32 s7, s2  }
0x1e: {  	s7 =	smul.u32 @!p0 $0xF7A, s2;
	p2 =	seq.s32 @!p0 s5, $0x0  }
0x1f: {  	s9 =	smul.u32 $0xF7A, s1;
	s8 =	simm.s32 @!p0 $0x1BF5;
	p2 =	por !p2, p0  }
0x20: {  	[sflag:s8] =	ssyncset.s32 @!p0 $0xFFFFF086;
	s6 =	sadd.s32 @!p0 s3, s7;
	s7 =	simm.s32 @!p0 $0x108  }
0x21: {  	s3 =	sadd.s32 s3, s9;
	s6 =	sadd.s32 @!p0 $0x88, s6;
	s7 =	simm.s32 @p2 $0x1082  }
0x22: {  	[simem:s7], [sflag:s8] =	dma.local @!p0 [hbm:s6], $0xF7A  }
0x23: {  	s9 =	sor.u32 $0xD0000000, s2;
	s6 =	simm.s32 $0x108;
	_ =	swait.ge @!p0 [sflag:s8], $0x0  }
0x24: {  	s3 =	sadd.s32 $0x88, s3;
	s6 =	simm.s32 @!p1 $0x1082;
	[sflag:s4] =	ssyncset.s32 $0xFFFFF086  }
0x25: {  	[simem:s6], [sflag:s4] =	dma.local [hbm:s3], $0xF7A  }
0x26: {  	[smem:$0x3F9A] =	sst s1;
	(tag) =	ssettag s2;
	_ =	strace s9  }
0x27: {  	s1 =	sld [smem:$0x3FAA]  }
0x28: {  	s2 =	sld [smem:$0x3FAB]  }
0x29: {  	s4 =	sld [smem:$0x3FAD]  }
0x2a: {  	p0 =	seq.s32 s5, $0x0;
	s5 =	sld [smem:$0x3FAE]  }
0x2b: {  	s6 =	sld [smem:$0x3FAF]  }
0x2c: {  	s7 =	sld [smem:$0x3FB0]  }
0x2d: {  	s3 =	simm.s32 $0x108;
	s8 =	sld [smem:$0x3FB1]  }
0x2e: {  	s3 =	simm.s32 @!p0 $0x1082;
	s9 =	sld [smem:$0x3FB2]  }
0x2f: {  	lr =	sadd.s32 s0, s3;
	s0 =	sld [smem:$0x3FA9]  }
0x30: {  	s3 =	sld [smem:$0x3FAC]  }
0x31: {  	[smem:$0x3FB5] =	sst s10  }
0x32: {  	s10 =	sld [smem:$0x3FB3];
	_ =	sdelay $0x3  }
0x33: {  	p0 =	seq.s32 s10, $0x1;
	s10 =	sld [smem:$0x3FB5];
	_ =	sdelay $0x3  }
0x34: {  	[smem:$0x3FB5] =	sst s10  }
0x35: {  	s10 =	sld [smem:$0x3FB4];
	_ =	sdelay $0x3  }
0x36: {  	p1 =	seq.s32 s10, $0x1;
	s10 =	sld [smem:$0x3FB5];
	_ =	sdelay $0x3  }
0x37: {  	[smem:$0x3FB5] =	sst s10  }
0x38: {  	s10 =	sld [smem:$0x3FB6]  }
0x39: {  	_ = 	snop;
	(pc) =	sbr.ind lr, $3  }
0x3a: {  	_ = 	snop  }
0x3b: {  	_ = 	snop  }
0x3c: {  	p2 =	seq.s32 s10, $0x1;
	s10 =	sld [smem:$0x3FB5]  }
0x3d: {  	_ =	shalt  }
0x3e: {  	_ =	shalt  }
0x3f: {  	_ =	shalt  }
0x40: {  	_ =	shalt  }
0x41: {  	_ =	shalt  }
0x42: {  	_ =	shalt  }
0x43: {  	_ =	shalt  }
0x44: {  	_ =	shalt  }
0x45: {  	_ =	shalt  }
0x46: {  	_ =	shalt  }
0x47: {  	_ =	shalt  }
0x48: {  	_ =	shalt  }
0x49: {  	_ =	shalt  }
0x4a: {  	_ =	shalt  }
0x4b: {  	_ =	shalt  }
0x4c: {  	_ =	shalt  }
0x4d: {  	_ =	shalt  }
0x4e: {  	_ =	shalt  }
0x4f: {  	_ =	shalt  }
0x50: {  	_ =	shalt  }
0x51: {  	_ =	shalt  }
0x52: {  	_ =	shalt  }
0x53: {  	_ =	shalt  }
0x54: {  	_ =	shalt  }
0x55: {  	_ =	shalt  }
0x56: {  	_ =	shalt  }
0x57: {  	_ =	shalt  }
0x58: {  	_ =	shalt  }
0x59: {  	_ =	shalt  }
0x5a: {  	_ =	shalt  }
0x5b: {  	_ =	shalt  }
0x5c: {  	_ =	shalt  }
0x5d: {  	_ =	shalt  }
0x5e: {  	_ =	shalt  }
0x5f: {  	_ =	shalt  }
0x60: {  	_ =	shalt  }
0x61: {  	_ =	shalt  }
0x62: {  	_ =	shalt  }
0x63: {  	_ =	shalt  }
0x64: {  	_ =	shalt  }
0x65: {  	_ =	shalt  }
0x66: {  	_ =	shalt  }
0x67: {  	_ =	shalt  }
0x68: {  	_ =	shalt  }
0x69: {  	_ =	shalt  }
0x6a: {  	_ =	shalt  }
0x6b: {  	_ =	shalt  }
0x6c: {  	_ =	shalt  }
0x6d: {  	_ =	shalt  }
0x6e: {  	_ =	shalt  }
0x6f: {  	_ =	shalt  }
0x70: {  	_ =	shalt  }
0x71: {  	_ =	shalt  }
0x72: {  	_ =	shalt  }
0x73: {  	_ =	shalt  }
0x74: {  	_ =	shalt  }
0x75: {  	_ =	shalt  }
0x76: {  	_ =	shalt  }
0x77: {  	_ =	shalt  }
0x78: {  	_ =	shalt  }
0x79: {  	_ =	shalt  }
0x7a: {  	_ =	shalt  }
0x7b: {  	_ =	shalt  }
0x7c: {  	_ =	shalt  }
0x7d: {  	_ =	shalt  }
0x7e: {  	_ =	shalt  }
0x7f: {  	_ =	shalt  }
0x80: {  	_ =	shalt  }
0x81: {  	_ =	shalt  }
0x82: {  	_ =	shalt  }
0x83: {  	_ =	shalt  }
0x84: {  	_ =	shalt  }
0x85: {  	_ =	shalt  }
0x86: {  	_ =	shalt  }
0x87: {  	_ =	shalt  }
.Lfunc_end0:
.L_simem_size_0:
called_computation.1_lowered:
.L_overlay_start_0:
0x88: {  	s2 =	sld [smem:$0x3FD9]  }
0x89: {  	s3 =	sld [smem:$0x3FFE];
	_ =	sdelay $0x1  }
0x8a: {  	s1 =	srdreg.scid  }
0x8b: {  	s0 =	sand.u32 $0x1, s1  }
0x8c: {  	s17 =	sshll.u32 s0, $0xA;
	s2 =	sadd.s32 s3, s2  }
0x8d: {  	s2 =	sadd.s32 s2, s17  }
0x8e: {  	[smem:$0x3FC1] =	sst s2  }
0x8f: {  	_ = 	snop  }
0x90: {  	s18 =	sld [smem:$0x3FD0];
	(tm) =	ssettm $0x1  }
0x91: {  	s19 =	sld [smem:$0x3FFB];
	_ =	sdelay $0x3  }
0x92: {  	_ =	strace s19  }
0x93: {  	s2 =	sld [smem:$0x3FFC];
	_ =	sdelay $0x3  }
0x94: {  	_ =	strace s2  }
0x95: {  	s2 =	sld [smem:$0x3FFD];
	_ =	sdelay $0x3  }
0x96: {  	_ =	strace s2  }
0x97: {  	_ =	strace $0x8FFFFFFF  }
0x98: {  	s20 =	sld [smem:$0x3FDB];
	_ =	sdelay $0x1  }
0x99: {  	s4 =	simm.s32 $_scs_section_size  }
0x9a: {  	s5 =	simm.s32 $_size__tile_overlayer_lowered;
	s6 =	simm.s32 $_tile_overlayer_lowered  }
0x9b: {  	s7 =	simm.s32 $0x1BFF;
	s21 =	sshll.u32 s6, $0x1;
	s4 =	sadd.s32 s4, s20  }
0x9c: {  	s22 =	simm.s32 $0x0;
	s5 =	sshll.u32 s5, $0x1;
	s6 =	sadd.s32 s21, s4  }
0x9d: {  	[timem:s22], [sflag:s7] =	dma.local [hbm:s6], s5  }
0x9e: {  	_ =	swait.ge [sflag:s7], s5  }
0x9f: {  	s5 =	ssub.s32 $0x0, s5;
	[sflag:s7] =	ssyncset.done $0x0  }
0xa0: {  	[sflag:s7] =	ssyncadd.s32 s5;
	_ =	sdelay $0x1  }
0xa1: {  	s23 =	simm.s32 $0x1B8B  }
0xa2: {  	_ =	swait.ge [sflag:s23], $0x1  }
0xa3: {  	[sflag:s23] =	ssyncset.done $0x0  }
0xa4: {  	[sflag:s23] =	ssyncadd.s32 $0xFFFFFFFF  }
0xa5: {  	s5 =	sld [smem:$0x0]  }
0xa6: {  	s6 =	sand.u32 $0xFFFFFFFE, s1  }
0xa7: {  	p0 =	sne.s32 s1, s6  }
0xa8: {  	s6 =	sshll.u32 @p0 s6, $0xE  }
0xa9: {  	s6 =	sadd.s32 @p0 $0x11B8D, s6;
	s7 =	sshll.u32 @p0 s5, $0x11  }
0xaa: {  	s6 =	sor.u32 @p0 s7, s6  }
0xab: {  	[sflag:s6] =	ssyncadd.remote.s32 @p0 $0x1;
	_ =	sdelay $0x1  }
0xac: {  	s6 =	simm.s32 @p0 $0x1B8D  }
0xad: {  	_ =	swait.eq @p0 [sflag:s6], $0x1  }
0xae: {  	[sflag:s6] =	ssyncadd.s32 @p0 $0xFFFFFFFF  }
0xaf: {  	s7 =	sshll.u32 @!p0 s1, $0xE  }
0xb0: {  	s7 =	sor.u32 @!p0 $0x4000, s7;
	s6 =	simm.s32 @!p0 $0x1B8D  }
0xb1: {  	s5 =	sshll.u32 @!p0 s5, $0x11;
	s7 =	sadd.s32 @!p0 $0x11B8D, s7;
	_ =	swait.eq @!p0 [sflag:s6], $0x1  }
0xb2: {  	s5 =	sor.u32 @!p0 s5, s7;
	[sflag:s6] =	ssyncadd.s32 @!p0 $0xFFFFFFFF  }
0xb3: {  	s25 =	simm.s32 $0x1B8E;
	s24 =	sld [smem:$0x3FFE];
	[sflag:s5] =	ssyncadd.remote.s32 @!p0 $0x1  }
0xb4: {  	s26 =	simm.s32 $execute0_lowered;
	[smem:$0x3FD2] =	sst s25  }
0xb5: {  	s6 =	sshll.u32 s26, $0x1;
	_ =	strace $0x8000004C;
	[dreg:$0x1] =	wrdreg $0xFFFFFFFF  }
0xb6: {  	s28 =	simm.s32 $_size_execute0_lowered;
	s4 =	sadd.s32 s4, s6;
	[dreg:$0x0] =	wrdreg $0x0  }
0xb7: {  	s6 =	sshll.u32 s28, $0x1;
	[dreg:$0x2] =	wrdreg s4  }
0xb8: {  	[dreg:$0x3] =	wrdreg s6  }
0xb9: {  	[dreg:$0x4] =	wrdreg $0xC0  }
0xba: {  	_ =	task [dreg:s22], $0x5FFFF  }
0xbb: {  	[dreg:$0x1] =	wrdreg $0xFFFFFFFF  }
0xbc: {  	[dreg:$0x0] =	wrdreg $0x60  }
0xbd: {  	[dreg:$0x2] =	wrdreg s18  }
0xbe: {  	[dreg:$0x3] =	wrdreg s24  }
0xbf: {  	[dreg:$0x4] =	wrdreg $0xA  }
0xc0: {  	_ =	task.clear_ibuf [dreg:s22], $0x5FFFF;
	_ =	strace $0x9000004C  }
0xc1: {  	s29 =	simm.s32 $0xA;
	_ =	strace $0x8000004E  }
0xc2: {  	_ =	swait.ge [sflag:s29], $0x1  }
0xc3: {  	[sflag:s29] =	ssyncadd.s32 $0xFFFFFFFF  }
0xc4: {  	_ =	strace $0x9000004E  }
0xc5: {  	_ =	sfence  }
0xc6: {  	s30 =	sld [smem:$0x0];
	_ =	sdelay $0x2  }
0xc7: {  	s31 =	sshll.u32 s1, $0xD;
	s1 =	sshrl.u32 s1, $0x2  }
0xc8: {  	s4 =	sand.u32 $0x4000, s31;
	s1 =	sadd.s32 s1, s30  }
0xc9: {  	s0 =	sor.u32 s4, s0;
	s1 =	sshll.u32 s1, $0x11  }
0xca: {  	s0 =	sor.u32 s1, s0  }
0xcb: {  	s0 =	sadd.s32 $0x8F2B, s0  }
0xcc: {  	[sflag:s0] =	ssyncadd.remote.s32 $0x1  }
0xcd: {  	_ =	sfence.sel $0xFFFF  }
0xce: {  	[dreg:$0x0] =	wrdreg $0xFFFFFFFF;
	(pc) =	sbr.abs _section_cstart, $3  }
0xcf: {  	[dreg:$0x1] =	wrdreg $0xFFFFFFFF  }
0xd0: {  	_ =	task.clear_ibuf [dreg:s22], $0x2FFFF;
	_ =	strace $0x9FFFFFFF  }
0xd1: {  	(tm) =	ssettm $0x7FFFFFFF  }
tec
execute0_lowered:
.L_overlay_start_1:
0x0: {  	(tag) =	ssettag $0x1  }
0x1: {  	s2 =	rddreg [dreg:$0x0];
	s1 =	srdreg.scid  }
0x2: {  	s0 =	stileid.u32;
	s5 =	rddreg [dreg:$0x1];
	s3 =	simm.s32 $0x0  }
0x3: {  	s16 =	simm.s32 $0x200;
	s17 =	simm.s32 $0x8200;
	s13 =	smul.u32 $0xA0000, s0  }
0x4: {  	s18 =	simm.s32 $0x1;
	s19 =	simm.s32 $0x2;
	s15 =	smul.u32 $0x1400, s0  }
0x5: {  	s10 =	sand.u32 $0x1, s1;
	s1 =	rddreg [dreg:$0x2];
	s25 =	smul.u32 $0x14000, s0  }
0x6: {  	s4 =	sshll.u32 s0, $0x1;
	[smem:$0x7FF] =	sst s3;
	s14 =	smul.u32 $0x50000, s10  }
0x7: {  	s11 =	sadd.s32 $0x28E200, s5;
	s6 =	sor.u32 s10, s4;
	s24 =	smul.u32 $0xA00, s10  }
0x8: {  	_ =	strace $0x8000004D;
	s8 =	ssub.s32 $0x2, s10;
	s26 =	smul.u32 $0xA000, s10  }
0x9: {  	s4 =	sadd.s32 $0x9200, s5;
	s7 =	smul.u32 $0xA00, s6;
	s20 =	sshrl.u32 s8, $0x1  }
0xa: {  	s21 =	smul.u32 $0x50000, s6;
	s28 =	sadd.s32 s25, s11;
	s8 =	ssub.s32 s8, s20  }
0xb: {  	s13 =	sadd.s32 s14, s13;
	s30 =	sadd.s32 s26, s28;
	s14 =	simm.s32 $0x3  }
0xc: {  	s20 =	simm.s32 $0x0;
	s9 =	sshrl.u32 s7, $0x3;
	s6 =	smax.u32 s8, $0x1  }
0xd: {  	s12 =	sadd.s32 $0x900, s7;
	s22 =	sshrl.u32 s21, $0x3;
	s13 =	sshrl.u32 s13, $0x3  }
0xe: {  	s5 =	sadd.s32 s4, s9;
	s7 =	sshrl.u32 s12, $0x3;
	s8 =	sadd.s32 s11, s22  }
0xf: {  	s23 =	sshll.u32 s12, $0x4;
	s12 =	sadd.s32 s24, s15;
	s10 =	sadd.s32 s13, s11  }
0x10: {  	s15 =	simm.s32 $0x100;
	s7 =	sadd.s32 s4, s7;
	s29 =	sor.u32 $0x100, s12  }
0x11: {  	s8 =	sadd.s32 $0x8000, s8;
	s9 =	sadd.s32 s11, s23;
	s31 =	sshrl.u32 s29, $0x3  }
0x12: {  	s11 =	sadd.s32 $0x200, s12;
	s12 =	sadd.s32 $0x1000, s30;
	s13 =	sadd.s32 s31, s4  }
.LBB2_1:
0x13: {  	[tilespmem:s3], [sflag:$0x3] =	stream.linear.gather [hbm4b:s5+s3], $0x100, $0x38;
	[tilespmem:$0x10200] =	vst v63  }
0x14: {  	_ =	swait.ge [sflag:s14], $0x100  }
0x15: {  	[sflag:s14] =	ssyncset.done $0x0  }
0x16: {  	[sflag:s14] =	ssyncadd.s32 $0xFFFFFF00  }
0x17: {  	[tilespmem:s16], [sflag:$0x1] =	stream.indirect.gather [hbm4b:s2+s15], $0x80, s3, s15, $0xb8;
	[tilespmem:$0x10200] =	vst v63  }
0x18: {  	_ = 	snop  }
0x19: {  	[tilespmem:s15], [sflag:$0x3] =	stream.linear.gather [hbm4b:s13+s3], $0x100, $0x38;
	[tilespmem:$0x10200] =	vst v63  }
0x1a: {  	_ =	swait.ge [sflag:s14], $0x100  }
0x1b: {  	[sflag:s14] =	ssyncset.done $0x0  }
0x1c: {  	[sflag:s14] =	ssyncadd.s32 $0xFFFFFF00  }
0x1d: {  	[tilespmem:s17], [sflag:$0x2] =	stream.indirect.gather [hbm4b:s2+s15], $0x80, s15, s15, $0xb8;
	[tilespmem:$0x10200] =	vst v63  }
0x1e: {  	_ =	swait.ge [sflag:s18], $0x8000  }
0x1f: {  	[sflag:s18] =	ssyncset.done $0x0  }
0x20: {  	s21 =	sadd.s32 $0x0, s10;
	[sflag:s18] =	ssyncadd.s32 $0xFFFF8000  }
0x21: {  	[hbm4b:s21+s3] =	stream.linear.scatter [tilespmem:s16], [sflag:$0x3], $0x8000, $0x38;
	[tilespmem:$0x10200] =	vst v63  }
0x22: {  	_ =	swait.ge [sflag:s14], $0x8000  }
0x23: {  	s30 =	sshrl.u32 s11, $0x3;
	[sflag:s14] =	ssyncset.done $0x0  }
0x24: {  	s21 =	sadd.s32 s4, s30;
	[sflag:s14] =	ssyncadd.s32 $0xFFFF8000  }
0x25: {  	[tilespmem:s3], [sflag:$0x3] =	stream.linear.gather [hbm4b:s21+s3], $0x100, $0x38;
	[tilespmem:$0x10200] =	vst v63  }
0x26: {  	_ =	swait.ge [sflag:s14], $0x100  }
0x27: {  	[sflag:s14] =	ssyncset.done $0x0  }
0x28: {  	[sflag:s14] =	ssyncadd.s32 $0xFFFFFF00  }
0x29: {  	[tilespmem:s16], [sflag:$0x1] =	stream.indirect.gather [hbm4b:s2+s15], $0x80, s3, s15, $0xb8;
	[tilespmem:$0x10200] =	vst v63  }
0x2a: {  	_ =	swait.ge [sflag:s19], $0x8000  }
0x2b: {  	[sflag:s19] =	ssyncset.done $0x0  }
0x2c: {  	s31 =	sadd.s32 $0x0, s12;
	[sflag:s19] =	ssyncadd.s32 $0xFFFF8000  }
0x2d: {  	[hbm4b:s31+s3] =	stream.linear.scatter [tilespmem:s17], [sflag:$0x3], $0x8000, $0x38;
	[tilespmem:$0x10200] =	vst v63  }
0x2e: {  	s22 =	smov.u32 s11;
	_ =	swait.ge [sflag:s14], $0x8000  }
0x2f: {  	s23 =	smov.u32 s13;
	s21 =	simm.s32 $0x2000;
	[sflag:s14] =	ssyncset.done $0x0  }
.LBB2_2:
0x30: {  	[sflag:s14] =	ssyncadd.s32 $0xFFFF8000  }
0x31: {  	s22 =	sadd.s32 $0x200, s22;
	s23 =	sadd.s32 $0x40, s23;
	s24 =	smov.u32 s21  }
0x32: {  	[tilespmem:s15], [sflag:$0x3] =	stream.linear.gather [hbm4b:s23+s3], $0x100, $0x38;
	[tilespmem:$0x10200] =	vst v63  }
0x33: {  	p0 =	sne.s32 s21, $0x6000;
	s21 =	sadd.s32 $0x2000, s21;
	_ =	swait.ge [sflag:s14], $0x100  }
0x34: {  	[sflag:s14] =	ssyncset.done $0x0  }
0x35: {  	[sflag:s14] =	ssyncadd.s32 $0xFFFFFF00  }
0x36: {  	[tilespmem:s17], [sflag:$0x2] =	stream.indirect.gather [hbm4b:s2+s15], $0x80, s15, s15, $0xb8;
	[tilespmem:$0x10200] =	vst v63  }
0x37: {  	_ =	swait.ge [sflag:s18], $0x8000  }
0x38: {  	[sflag:s18] =	ssyncset.done $0x0  }
0x39: {  	s25 =	sadd.s32 s24, s10;
	[sflag:s18] =	ssyncadd.s32 $0xFFFF8000  }
0x3a: {  	[hbm4b:s25+s3] =	stream.linear.scatter [tilespmem:s16], [sflag:$0x3], $0x8000, $0x38;
	[tilespmem:$0x10200] =	vst v63  }
0x3b: {  	_ =	swait.ge [sflag:s14], $0x8000  }
0x3c: {  	s25 =	sshrl.u32 s22, $0x3;
	[sflag:s14] =	ssyncset.done $0x0  }
0x3d: {  	s25 =	sadd.s32 s4, s25;
	[sflag:s14] =	ssyncadd.s32 $0xFFFF8000  }
0x3e: {  	[tilespmem:s3], [sflag:$0x3] =	stream.linear.gather [hbm4b:s25+s3], $0x100, $0x38;
	[tilespmem:$0x10200] =	vst v63  }
0x3f: {  	_ =	swait.ge [sflag:s14], $0x100  }
0x40: {  	[sflag:s14] =	ssyncset.done $0x0  }
0x41: {  	[sflag:s14] =	ssyncadd.s32 $0xFFFFFF00  }
0x42: {  	[tilespmem:s16], [sflag:$0x1] =	stream.indirect.gather [hbm4b:s2+s15], $0x80, s3, s15, $0xb8;
	[tilespmem:$0x10200] =	vst v63  }
0x43: {  	_ =	swait.ge [sflag:s19], $0x8000  }
.Ltmp0:
0x44: {  	[sflag:s19] =	ssyncset.done $0x0;
	(pc) =	sbr.rel @p0 .LBB2_2-.Ltmp0, $4  }
0x45: {  	s24 =	sadd.s32 s24, s12;
	[sflag:s19] =	ssyncadd.s32 $0xFFFF8000  }
0x46: {  	[hbm4b:s24+s3] =	stream.linear.scatter [tilespmem:s17], [sflag:$0x3], $0x8000, $0x38;
	[tilespmem:$0x10200] =	vst v63  }
0x47: {  	_ =	swait.ge [sflag:s14], $0x8000  }
0x48: {  	[sflag:s14] =	ssyncset.done $0x0  }
0x49: {  	[sflag:s14] =	ssyncadd.s32 $0xFFFF8000  }
0x4a: {  	[tilespmem:s15], [sflag:$0x3] =	stream.linear.gather [hbm4b:s7+s3], $0x100, $0x38;
	[tilespmem:$0x10200] =	vst v63  }
0x4b: {  	_ =	swait.ge [sflag:s14], $0x100  }
0x4c: {  	[sflag:s14] =	ssyncset.done $0x0  }
0x4d: {  	[sflag:s14] =	ssyncadd.s32 $0xFFFFFF00  }
0x4e: {  	[tilespmem:s17], [sflag:$0x2] =	stream.indirect.gather [hbm4b:s2+s15], $0x80, s15, s15, $0xb8;
	[tilespmem:$0x10200] =	vst v63  }
0x4f: {  	_ =	swait.ge [sflag:s18], $0x8000  }
0x50: {  	[sflag:s18] =	ssyncset.done $0x0  }
0x51: {  	[sflag:s18] =	ssyncadd.s32 $0xFFFF8000  }
0x52: {  	[hbm4b:s8+s3] =	stream.linear.scatter [tilespmem:s16], [sflag:$0x3], $0x8000, $0x38;
	[tilespmem:$0x10200] =	vst v63  }
0x53: {  	_ =	swait.ge [sflag:s14], $0x8000  }
0x54: {  	[sflag:s14] =	ssyncset.done $0x0  }
0x55: {  	[sflag:s14] =	ssyncadd.s32 $0xFFFF8000  }
0x56: {  	s20 =	sadd.s32 $0x1, s20;
	_ =	swait.ge [sflag:s19], $0x8000  }
0x57: {  	p0 =	sne.s32 s20, s6;
	[sflag:s19] =	ssyncset.done $0x0  }
.Ltmp1:
0x58: {  	[sflag:s19] =	ssyncadd.s32 $0xFFFF8000;
	(pc) =	sbr.rel @p0 .LBB2_1-.Ltmp1, $4  }
0x59: {  	[hbm4b:s9+s3] =	stream.linear.scatter [tilespmem:s17], [sflag:$0x3], $0x8000, $0x38;
	[tilespmem:$0x10200] =	vst v63  }
0x5a: {  	_ =	swait.ge [sflag:s14], $0x8000  }
0x5b: {  	[sflag:s14] =	ssyncset.done $0x0  }
0x5c: {  	[sflag:s14] =	ssyncadd.s32 $0xFFFF8000  }
0x5d: {  	_ =	sfence.sel $0x180000  }
0x5e: {  	[bflag:$0x0] =	sbarrier.arrive $0xFFFF  }
0x5f: {  	p0 =	sne.s32 s0, $0x0;
	_ =	strace $0x9000004D  }
0x60: {  	s0 =	sadd.s32 @!p0 $0x100000, s1;
	[bflag:$0x2] =	sbarrier.arrive $0xFFFF  }
0x61: {  	[sflag:s0] =	ssyncadd.tile.s32 @!p0 $0x1;
	_ =	shalt  }
.Lfunc_end2:
_tile_overlayer_lowered:
.L_overlay_start_2:
0x62: {  	(tag) =	ssettag $0x2  }
0x63: {  	s0 =	rddreg [dreg:$0x0];
	s2 =	stileid.u32  }
0x64: {  	s1 =	rddreg [dreg:$0x1];
	p0 =	sne.s32 s2, $0x0  }
0x65: {  	s3 =	rddreg [dreg:$0x2];
	[bflag:$0x3] =	sbarrier.arrive $0xFFFF;
	s2 =	simm.s32 @!p0 $0x1C03  }
0x66: {  	[timem:s3], [sflag:s2] =	dma.local @!p0 [hbm:s0], s1  }
0x67: {  	s0 =	simm.s32 @!p0 $0x3  }
0x68: {  	_ =	swait.ge @!p0 [sflag:s0], s1  }
0x69: {  	s1 =	ssub.s32 @!p0 $0x0, s1;
	[sflag:s0] =	ssyncset.done @!p0 $0x0  }
0x6a: {  	[sflag:s0] =	ssyncadd.s32 @!p0 s1  }
0x6b: {  	[bflag:$0x3] =	sbarrier.arrive $0xFFFF  }
0x6c: {  	_ =	shalt  }

// kernel: kernel.17.cloned.1.call-start
scs
__scs_entry_jumppad:
0x0: {  	(pc) =	sbr.rel $0x88, $3  }
0x1: {  	(tag) =	ssettag $0x0;
	lr =	simm.s32 $0x1  }
0x2: {  	[smem:$0x3F9A] =	sst lr;
	_ =	strace $0xD0000000  }
0x3: {  	_ = 	snop  }
0x4: {  	_ = 	snop  }
0x5: {  	_ = 	snop  }
0x6: {  	_ = 	snop  }
0x7: {  	_ = 	snop  }
__scs_overlays_trampoline_lowered:
0x8: {  	[smem:$0x3FA9] =	sst s0  }
0x9: {  	[smem:$0x3FAA] =	sst s1  }
0xa: {  	[smem:$0x3FAB] =	sst s2  }
0xb: {  	[smem:$0x3FAC] =	sst s3  }
0xc: {  	[smem:$0x3FAD] =	sst s4  }
0xd: {  	[smem:$0x3FAE] =	sst s5  }
0xe: {  	[smem:$0x3FAF] =	sst s6  }
0xf: {  	[smem:$0x3FB0] =	sst s7  }
0x10: {  	[smem:$0x3FB1] =	sst s8  }
0x11: {  	[smem:$0x3FB2] =	sst s9;
	s0 =	simm.s32 @!p0 $0x0  }
0x12: {  	s1 =	sld [smem:$0x3F98];
	s0 =	simm.s32 @p0 $0x1  }
0x13: {  	[smem:$0x3FB3] =	sst s0;
	s0 =	simm.s32 @!p1 $0x0  }
0x14: {  	s2 =	sld [smem:$0x3F97];
	s0 =	simm.s32 @p1 $0x1  }
0x15: {  	[smem:$0x3FB4] =	sst s0;
	s0 =	simm.s32 @!p2 $0x0  }
0x16: {  	s3 =	sld [smem:$0x3FDB];
	s0 =	simm.s32 @p2 $0x1  }
0x17: {  	s4 =	simm.s32 $0x1BF5;
	[smem:$0x3FB6] =	sst s0  }
0x18: {  	s0 =	sld [smem:$0x3F99];
	_ =	swait.ge [sflag:s4], $0x0  }
0x19: {  	s7 =	sld [smem:$0x3F9A]  }
0x1a: {  	s8 =	sadd.s32 $0xFFFFE003, lr  }
0x1b: {  	s9 =	sadd.s32 $0xFFFFFEF7, lr;
	s5 =	simm.s32 $0xFFFFFFFF;
	p2 =	slt.u32 s8, $0xFFFFF086  }
0x1c: {  	p1 =	slt.u32 s9, $0xF7A;
	s5 =	simm.s32 @!p2 $0x0  }
0x1d: {  	s5 =	simm.s32 @p1 $0x1;
	p0 =	seq.s32 s7, s2  }
0x1e: {  	s7 =	smul.u32 @!p0 $0xF7A, s2;
	p2 =	seq.s32 @!p0 s5, $0x0  }
0x1f: {  	s9 =	smul.u32 $0xF7A, s1;
	s8 =	simm.s32 @!p0 $0x1BF5;
	p2 =	por !p2, p0  }
0x20: {  	[sflag:s8] =	ssyncset.s32 @!p0 $0xFFFFF086;
	s6 =	sadd.s32 @!p0 s3, s7;
	s7 =	simm.s32 @!p0 $0x108  }
0x21: {  	s3 =	sadd.s32 s3, s9;
	s6 =	sadd.s32 @!p0 $0x88, s6;
	s7 =	simm.s32 @p2 $0x1082  }
0x22: {  	[simem:s7], [sflag:s8] =	dma.local @!p0 [hbm:s6], $0xF7A  }
0x23: {  	s9 =	sor.u32 $0xD0000000, s2;
	s6 =	simm.s32 $0x108;
	_ =	swait.ge @!p0 [sflag:s8], $0x0  }
0x24: {  	s3 =	sadd.s32 $0x88, s3;
	s6 =	simm.s32 @!p1 $0x1082;
	[sflag:s4] =	ssyncset.s32 $0xFFFFF086  }
0x25: {  	[simem:s6], [sflag:s4] =	dma.local [hbm:s3], $0xF7A  }
0x26: {  	[smem:$0x3F9A] =	sst s1;
	(tag) =	ssettag s2;
	_ =	strace s9  }
0x27: {  	s1 =	sld [smem:$0x3FAA]  }
0x28: {  	s2 =	sld [smem:$0x3FAB]  }
0x29: {  	s4 =	sld [smem:$0x3FAD]  }
0x2a: {  	p0 =	seq.s32 s5, $0x0;
	s5 =	sld [smem:$0x3FAE]  }
0x2b: {  	s6 =	sld [smem:$0x3FAF]  }
0x2c: {  	s7 =	sld [smem:$0x3FB0]  }
0x2d: {  	s3 =	simm.s32 $0x108;
	s8 =	sld [smem:$0x3FB1]  }
0x2e: {  	s3 =	simm.s32 @!p0 $0x1082;
	s9 =	sld [smem:$0x3FB2]  }
0x2f: {  	lr =	sadd.s32 s0, s3;
	s0 =	sld [smem:$0x3FA9]  }
0x30: {  	s3 =	sld [smem:$0x3FAC]  }
0x31: {  	[smem:$0x3FB5] =	sst s10  }
0x32: {  	s10 =	sld [smem:$0x3FB3];
	_ =	sdelay $0x3  }
0x33: {  	p0 =	seq.s32 s10, $0x1;
	s10 =	sld [smem:$0x3FB5];
	_ =	sdelay $0x3  }
0x34: {  	[smem:$0x3FB5] =	sst s10  }
0x35: {  	s10 =	sld [smem:$0x3FB4];
	_ =	sdelay $0x3  }
0x36: {  	p1 =	seq.s32 s10, $0x1;
	s10 =	sld [smem:$0x3FB5];
	_ =	sdelay $0x3  }
0x37: {  	[smem:$0x3FB5] =	sst s10  }
0x38: {  	s10 =	sld [smem:$0x3FB6]  }
0x39: {  	_ = 	snop;
	(pc) =	sbr.ind lr, $3  }
0x3a: {  	_ = 	snop  }
0x3b: {  	_ = 	snop  }
0x3c: {  	p2 =	seq.s32 s10, $0x1;
	s10 =	sld [smem:$0x3FB5]  }
0x3d: {  	_ =	shalt  }
0x3e: {  	_ =	shalt  }
0x3f: {  	_ =	shalt  }
0x40: {  	_ =	shalt  }
0x41: {  	_ =	shalt  }
0x42: {  	_ =	shalt  }
0x43: {  	_ =	shalt  }
0x44: {  	_ =	shalt  }
0x45: {  	_ =	shalt  }
0x46: {  	_ =	shalt  }
0x47: {  	_ =	shalt  }
0x48: {  	_ =	shalt  }
0x49: {  	_ =	shalt  }
0x4a: {  	_ =	shalt  }
0x4b: {  	_ =	shalt  }
0x4c: {  	_ =	shalt  }
0x4d: {  	_ =	shalt  }
0x4e: {  	_ =	shalt  }
0x4f: {  	_ =	shalt  }
0x50: {  	_ =	shalt  }
0x51: {  	_ =	shalt  }
0x52: {  	_ =	shalt  }
0x53: {  	_ =	shalt  }
0x54: {  	_ =	shalt  }
0x55: {  	_ =	shalt  }
0x56: {  	_ =	shalt  }
0x57: {  	_ =	shalt  }
0x58: {  	_ =	shalt  }
0x59: {  	_ =	shalt  }
0x5a: {  	_ =	shalt  }
0x5b: {  	_ =	shalt  }
0x5c: {  	_ =	shalt  }
0x5d: {  	_ =	shalt  }
0x5e: {  	_ =	shalt  }
0x5f: {  	_ =	shalt  }
0x60: {  	_ =	shalt  }
0x61: {  	_ =	shalt  }
0x62: {  	_ =	shalt  }
0x63: {  	_ =	shalt  }
0x64: {  	_ =	shalt  }
0x65: {  	_ =	shalt  }
0x66: {  	_ =	shalt  }
0x67: {  	_ =	shalt  }
0x68: {  	_ =	shalt  }
0x69: {  	_ =	shalt  }
0x6a: {  	_ =	shalt  }
0x6b: {  	_ =	shalt  }
0x6c: {  	_ =	shalt  }
0x6d: {  	_ =	shalt  }
0x6e: {  	_ =	shalt  }
0x6f: {  	_ =	shalt  }
0x70: {  	_ =	shalt  }
0x71: {  	_ =	shalt  }
0x72: {  	_ =	shalt  }
0x73: {  	_ =	shalt  }
0x74: {  	_ =	shalt  }
0x75: {  	_ =	shalt  }
0x76: {  	_ =	shalt  }
0x77: {  	_ =	shalt  }
0x78: {  	_ =	shalt  }
0x79: {  	_ =	shalt  }
0x7a: {  	_ =	shalt  }
0x7b: {  	_ =	shalt  }
0x7c: {  	_ =	shalt  }
0x7d: {  	_ =	shalt  }
0x7e: {  	_ =	shalt  }
0x7f: {  	_ =	shalt  }
0x80: {  	_ =	shalt  }
0x81: {  	_ =	shalt  }
0x82: {  	_ =	shalt  }
0x83: {  	_ =	shalt  }
0x84: {  	_ =	shalt  }
0x85: {  	_ =	shalt  }
0x86: {  	_ =	shalt  }
0x87: {  	_ =	shalt  }
.Lfunc_end0:
.L_simem_size_0:
called_computation.2_lowered:
.L_overlay_start_0:
0x88: {  	s2 =	sld [smem:$0x3FD9]  }
0x89: {  	s3 =	sld [smem:$0x3FFE];
	_ =	sdelay $0x1  }
0x8a: {  	s1 =	srdreg.scid  }
0x8b: {  	s0 =	sand.u32 $0x1, s1  }
0x8c: {  	s17 =	sshll.u32 s0, $0xA;
	s2 =	sadd.s32 s3, s2  }
0x8d: {  	s2 =	sadd.s32 s2, s17  }
0x8e: {  	[smem:$0x3FC1] =	sst s2  }
0x8f: {  	_ = 	snop  }
0x90: {  	s18 =	sld [smem:$0x3FD0];
	(tm) =	ssettm $0x1  }
0x91: {  	s19 =	sld [smem:$0x3FFB];
	_ =	sdelay $0x3  }
0x92: {  	_ =	strace s19  }
0x93: {  	s2 =	sld [smem:$0x3FFC];
	_ =	sdelay $0x3  }
0x94: {  	_ =	strace s2  }
0x95: {  	s2 =	sld [smem:$0x3FFD];
	_ =	sdelay $0x3  }
0x96: {  	_ =	strace s2  }
0x97: {  	_ =	strace $0x8FFFFFFF  }
0x98: {  	s20 =	sld [smem:$0x3FDB];
	_ =	sdelay $0x1  }
0x99: {  	s4 =	simm.s32 $_scs_section_size  }
0x9a: {  	s5 =	simm.s32 $_size__tile_overlayer_lowered;
	s6 =	simm.s32 $_tile_overlayer_lowered  }
0x9b: {  	s7 =	simm.s32 $0x1BFF;
	s21 =	sshll.u32 s6, $0x1;
	s4 =	sadd.s32 s4, s20  }
0x9c: {  	s22 =	simm.s32 $0x0;
	s5 =	sshll.u32 s5, $0x1;
	s6 =	sadd.s32 s21, s4  }
0x9d: {  	[timem:s22], [sflag:s7] =	dma.local [hbm:s6], s5  }
0x9e: {  	_ =	swait.ge [sflag:s7], s5  }
0x9f: {  	s5 =	ssub.s32 $0x0, s5;
	[sflag:s7] =	ssyncset.done $0x0  }
0xa0: {  	[sflag:s7] =	ssyncadd.s32 s5;
	_ =	sdelay $0x1  }
0xa1: {  	s23 =	simm.s32 $0x1B8B  }
0xa2: {  	_ =	swait.ge [sflag:s23], $0x1  }
0xa3: {  	[sflag:s23] =	ssyncset.done $0x0  }
0xa4: {  	[sflag:s23] =	ssyncadd.s32 $0xFFFFFFFF  }
0xa5: {  	s5 =	sld [smem:$0x0]  }
0xa6: {  	s6 =	sand.u32 $0xFFFFFFFE, s1  }
0xa7: {  	p0 =	sne.s32 s1, s6  }
0xa8: {  	s6 =	sshll.u32 @p0 s6, $0xE  }
0xa9: {  	s6 =	sadd.s32 @p0 $0x11B8D, s6;
	s7 =	sshll.u32 @p0 s5, $0x11  }
0xaa: {  	s6 =	sor.u32 @p0 s7, s6  }
0xab: {  	[sflag:s6] =	ssyncadd.remote.s32 @p0 $0x1;
	_ =	sdelay $0x1  }
0xac: {  	s6 =	simm.s32 @p0 $0x1B8D  }
0xad: {  	_ =	swait.eq @p0 [sflag:s6], $0x1  }
0xae: {  	[sflag:s6] =	ssyncadd.s32 @p0 $0xFFFFFFFF  }
0xaf: {  	s7 =	sshll.u32 @!p0 s1, $0xE  }
0xb0: {  	s7 =	sor.u32 @!p0 $0x4000, s7;
	s6 =	simm.s32 @!p0 $0x1B8D  }
0xb1: {  	s5 =	sshll.u32 @!p0 s5, $0x11;
	s7 =	sadd.s32 @!p0 $0x11B8D, s7;
	_ =	swait.eq @!p0 [sflag:s6], $0x1  }
0xb2: {  	s5 =	sor.u32 @!p0 s5, s7;
	[sflag:s6] =	ssyncadd.s32 @!p0 $0xFFFFFFFF  }
0xb3: {  	s25 =	simm.s32 $0x1B8E;
	s24 =	sld [smem:$0x3FFE];
	[sflag:s5] =	ssyncadd.remote.s32 @!p0 $0x1  }
0xb4: {  	s26 =	simm.s32 $execute0_lowered;
	[smem:$0x3FD2] =	sst s25  }
0xb5: {  	s6 =	sshll.u32 s26, $0x1;
	_ =	strace $0x80000049;
	[dreg:$0x1] =	wrdreg $0xFFFFFFFF  }
0xb6: {  	s28 =	simm.s32 $_size_execute0_lowered;
	s4 =	sadd.s32 s4, s6;
	[dreg:$0x0] =	wrdreg $0x0  }
0xb7: {  	s6 =	sshll.u32 s28, $0x1;
	[dreg:$0x2] =	wrdreg s4  }
0xb8: {  	[dreg:$0x3] =	wrdreg s6  }
0xb9: {  	[dreg:$0x4] =	wrdreg $0xC0  }
0xba: {  	_ =	task [dreg:s22], $0x5FFFF  }
0xbb: {  	[dreg:$0x1] =	wrdreg $0xFFFFFFFF  }
0xbc: {  	[dreg:$0x0] =	wrdreg $0x60  }
0xbd: {  	[dreg:$0x2] =	wrdreg s18  }
0xbe: {  	[dreg:$0x3] =	wrdreg s24  }
0xbf: {  	[dreg:$0x4] =	wrdreg $0xB  }
0xc0: {  	_ =	task.clear_ibuf [dreg:s22], $0x5FFFF;
	_ =	strace $0x90000049  }
0xc1: {  	s29 =	simm.s32 $0xB;
	_ =	strace $0x8000004B  }
0xc2: {  	_ =	swait.ge [sflag:s29], $0x1  }
0xc3: {  	[sflag:s29] =	ssyncadd.s32 $0xFFFFFFFF  }
0xc4: {  	_ =	strace $0x9000004B  }
0xc5: {  	_ =	sfence  }
0xc6: {  	s30 =	sld [smem:$0x0];
	_ =	sdelay $0x2  }
0xc7: {  	s31 =	sshll.u32 s1, $0xD;
	s1 =	sshrl.u32 s1, $0x2  }
0xc8: {  	s4 =	sand.u32 $0x4000, s31;
	s1 =	sadd.s32 s1, s30  }
0xc9: {  	s0 =	sor.u32 s4, s0;
	s1 =	sshll.u32 s1, $0x11  }
0xca: {  	s0 =	sor.u32 s1, s0  }
0xcb: {  	s0 =	sadd.s32 $0x8F2B, s0  }
0xcc: {  	[sflag:s0] =	ssyncadd.remote.s32 $0x1  }
0xcd: {  	_ =	sfence.sel $0xFFFF  }
0xce: {  	[dreg:$0x0] =	wrdreg $0xFFFFFFFF;
	(pc) =	sbr.abs _section_cstart, $3  }
0xcf: {  	[dreg:$0x1] =	wrdreg $0xFFFFFFFF  }
0xd0: {  	_ =	task.clear_ibuf [dreg:s22], $0x2FFFF;
	_ =	strace $0x9FFFFFFF  }
0xd1: {  	(tm) =	ssettm $0x7FFFFFFF  }
tec
execute0_lowered:
.L_overlay_start_1:
0x0: {  	(tag) =	ssettag $0x1  }
0x1: {  	s2 =	rddreg [dreg:$0x0];
	s1 =	srdreg.scid  }
0x2: {  	s0 =	stileid.u32;
	s5 =	rddreg [dreg:$0x1];
	s3 =	simm.s32 $0x0  }
0x3: {  	s16 =	simm.s32 $0x200;
	s17 =	simm.s32 $0x8200;
	s13 =	smul.u32 $0xA0000, s0  }
0x4: {  	s18 =	simm.s32 $0x1;
	s19 =	simm.s32 $0x2;
	s15 =	smul.u32 $0x1400, s0  }
0x5: {  	s10 =	sand.u32 $0x1, s1;
	s1 =	rddreg [dreg:$0x2];
	s25 =	smul.u32 $0x14000, s0  }
0x6: {  	s4 =	sshll.u32 s0, $0x1;
	[smem:$0x7FF] =	sst s3;
	s14 =	smul.u32 $0x50000, s10  }
0x7: {  	s11 =	sadd.s32 $0x14E200, s5;
	s6 =	sor.u32 s10, s4;
	s24 =	smul.u32 $0xA00, s10  }
0x8: {  	_ =	strace $0x8000004A;
	s8 =	ssub.s32 $0x2, s10;
	s26 =	smul.u32 $0xA000, s10  }
0x9: {  	s4 =	sadd.s32 $0x6A00, s5;
	s7 =	smul.u32 $0xA00, s6;
	s20 =	sshrl.u32 s8, $0x1  }
0xa: {  	s21 =	smul.u32 $0x50000, s6;
	s28 =	sadd.s32 s25, s11;
	s8 =	ssub.s32 s8, s20  }
0xb: {  	s13 =	sadd.s32 s14, s13;
	s30 =	sadd.s32 s26, s28;
	s14 =	simm.s32 $0x3  }
0xc: {  	s20 =	simm.s32 $0x0;
	s9 =	sshrl.u32 s7, $0x3;
	s6 =	smax.u32 s8, $0x1  }
0xd: {  	s12 =	sadd.s32 $0x900, s7;
	s22 =	sshrl.u32 s21, $0x3;
	s13 =	sshrl.u32 s13, $0x3  }
0xe: {  	s5 =	sadd.s32 s4, s9;
	s7 =	sshrl.u32 s12, $0x3;
	s8 =	sadd.s32 s11, s22  }
0xf: {  	s23 =	sshll.u32 s12, $0x4;
	s12 =	sadd.s32 s24, s15;
	s10 =	sadd.s32 s13, s11  }
0x10: {  	s15 =	simm.s32 $0x100;
	s7 =	sadd.s32 s4, s7;
	s29 =	sor.u32 $0x100, s12  }
0x11: {  	s8 =	sadd.s32 $0x8000, s8;
	s9 =	sadd.s32 s11, s23;
	s31 =	sshrl.u32 s29, $0x3  }
0x12: {  	s11 =	sadd.s32 $0x200, s12;
	s12 =	sadd.s32 $0x1000, s30;
	s13 =	sadd.s32 s31, s4  }
.LBB2_1:
0x13: {  	[tilespmem:s3], [sflag:$0x3] =	stream.linear.gather [hbm4b:s5+s3], $0x100, $0x38;
	[tilespmem:$0x10200] =	vst v63  }
0x14: {  	_ =	swait.ge [sflag:s14], $0x100  }
0x15: {  	[sflag:s14] =	ssyncset.done $0x0  }
0x16: {  	[sflag:s14] =	ssyncadd.s32 $0xFFFFFF00  }
0x17: {  	[tilespmem:s16], [sflag:$0x1] =	stream.indirect.gather [hbm4b:s2+s15], $0x80, s3, s15, $0xb8;
	[tilespmem:$0x10200] =	vst v63  }
0x18: {  	_ = 	snop  }
0x19: {  	[tilespmem:s15], [sflag:$0x3] =	stream.linear.gather [hbm4b:s13+s3], $0x100, $0x38;
	[tilespmem:$0x10200] =	vst v63  }
0x1a: {  	_ =	swait.ge [sflag:s14], $0x100  }
0x1b: {  	[sflag:s14] =	ssyncset.done $0x0  }
0x1c: {  	[sflag:s14] =	ssyncadd.s32 $0xFFFFFF00  }
0x1d: {  	[tilespmem:s17], [sflag:$0x2] =	stream.indirect.gather [hbm4b:s2+s15], $0x80, s15, s15, $0xb8;
	[tilespmem:$0x10200] =	vst v63  }
0x1e: {  	_ =	swait.ge [sflag:s18], $0x8000  }
0x1f: {  	[sflag:s18] =	ssyncset.done $0x0  }
0x20: {  	s21 =	sadd.s32 $0x0, s10;
	[sflag:s18] =	ssyncadd.s32 $0xFFFF8000  }
0x21: {  	[hbm4b:s21+s3] =	stream.linear.scatter [tilespmem:s16], [sflag:$0x3], $0x8000, $0x38;
	[tilespmem:$0x10200] =	vst v63  }
0x22: {  	_ =	swait.ge [sflag:s14], $0x8000  }
0x23: {  	s30 =	sshrl.u32 s11, $0x3;
	[sflag:s14] =	ssyncset.done $0x0  }
0x24: {  	s21 =	sadd.s32 s4, s30;
	[sflag:s14] =	ssyncadd.s32 $0xFFFF8000  }
0x25: {  	[tilespmem:s3], [sflag:$0x3] =	stream.linear.gather [hbm4b:s21+s3], $0x100, $0x38;
	[tilespmem:$0x10200] =	vst v63  }
0x26: {  	_ =	swait.ge [sflag:s14], $0x100  }
0x27: {  	[sflag:s14] =	ssyncset.done $0x0  }
0x28: {  	[sflag:s14] =	ssyncadd.s32 $0xFFFFFF00  }
0x29: {  	[tilespmem:s16], [sflag:$0x1] =	stream.indirect.gather [hbm4b:s2+s15], $0x80, s3, s15, $0xb8;
	[tilespmem:$0x10200] =	vst v63  }
0x2a: {  	_ =	swait.ge [sflag:s19], $0x8000  }
0x2b: {  	[sflag:s19] =	ssyncset.done $0x0  }
0x2c: {  	s31 =	sadd.s32 $0x0, s12;
	[sflag:s19] =	ssyncadd.s32 $0xFFFF8000  }
0x2d: {  	[hbm4b:s31+s3] =	stream.linear.scatter [tilespmem:s17], [sflag:$0x3], $0x8000, $0x38;
	[tilespmem:$0x10200] =	vst v63  }
0x2e: {  	s22 =	smov.u32 s11;
	_ =	swait.ge [sflag:s14], $0x8000  }
0x2f: {  	s23 =	smov.u32 s13;
	s21 =	simm.s32 $0x2000;
	[sflag:s14] =	ssyncset.done $0x0  }
.LBB2_2:
0x30: {  	[sflag:s14] =	ssyncadd.s32 $0xFFFF8000  }
0x31: {  	s22 =	sadd.s32 $0x200, s22;
	s23 =	sadd.s32 $0x40, s23;
	s24 =	smov.u32 s21  }
0x32: {  	[tilespmem:s15], [sflag:$0x3] =	stream.linear.gather [hbm4b:s23+s3], $0x100, $0x38;
	[tilespmem:$0x10200] =	vst v63  }
0x33: {  	p0 =	sne.s32 s21, $0x6000;
	s21 =	sadd.s32 $0x2000, s21;
	_ =	swait.ge [sflag:s14], $0x100  }
0x34: {  	[sflag:s14] =	ssyncset.done $0x0  }
0x35: {  	[sflag:s14] =	ssyncadd.s32 $0xFFFFFF00  }
0x36: {  	[tilespmem:s17], [sflag:$0x2] =	stream.indirect.gather [hbm4b:s2+s15], $0x80, s15, s15, $0xb8;
	[tilespmem:$0x10200] =	vst v63  }
0x37: {  	_ =	swait.ge [sflag:s18], $0x8000  }
0x38: {  	[sflag:s18] =	ssyncset.done $0x0  }
0x39: {  	s25 =	sadd.s32 s24, s10;
	[sflag:s18] =	ssyncadd.s32 $0xFFFF8000  }
0x3a: {  	[hbm4b:s25+s3] =	stream.linear.scatter [tilespmem:s16], [sflag:$0x3], $0x8000, $0x38;
	[tilespmem:$0x10200] =	vst v63  }
0x3b: {  	_ =	swait.ge [sflag:s14], $0x8000  }
0x3c: {  	s25 =	sshrl.u32 s22, $0x3;
	[sflag:s14] =	ssyncset.done $0x0  }
0x3d: {  	s25 =	sadd.s32 s4, s25;
	[sflag:s14] =	ssyncadd.s32 $0xFFFF8000  }
0x3e: {  	[tilespmem:s3], [sflag:$0x3] =	stream.linear.gather [hbm4b:s25+s3], $0x100, $0x38;
	[tilespmem:$0x10200] =	vst v63  }
0x3f: {  	_ =	swait.ge [sflag:s14], $0x100  }
0x40: {  	[sflag:s14] =	ssyncset.done $0x0  }
0x41: {  	[sflag:s14] =	ssyncadd.s32 $0xFFFFFF00  }
0x42: {  	[tilespmem:s16], [sflag:$0x1] =	stream.indirect.gather [hbm4b:s2+s15], $0x80, s3, s15, $0xb8;
	[tilespmem:$0x10200] =	vst v63  }
0x43: {  	_ =	swait.ge [sflag:s19], $0x8000  }
.Ltmp0:
0x44: {  	[sflag:s19] =	ssyncset.done $0x0;
	(pc) =	sbr.rel @p0 .LBB2_2-.Ltmp0, $4  }
0x45: {  	s24 =	sadd.s32 s24, s12;
	[sflag:s19] =	ssyncadd.s32 $0xFFFF8000  }
0x46: {  	[hbm4b:s24+s3] =	stream.linear.scatter [tilespmem:s17], [sflag:$0x3], $0x8000, $0x38;
	[tilespmem:$0x10200] =	vst v63  }
0x47: {  	_ =	swait.ge [sflag:s14], $0x8000  }
0x48: {  	[sflag:s14] =	ssyncset.done $0x0  }
0x49: {  	[sflag:s14] =	ssyncadd.s32 $0xFFFF8000  }
0x4a: {  	[tilespmem:s15], [sflag:$0x3] =	stream.linear.gather [hbm4b:s7+s3], $0x100, $0x38;
	[tilespmem:$0x10200] =	vst v63  }
0x4b: {  	_ =	swait.ge [sflag:s14], $0x100  }
0x4c: {  	[sflag:s14] =	ssyncset.done $0x0  }
0x4d: {  	[sflag:s14] =	ssyncadd.s32 $0xFFFFFF00  }
0x4e: {  	[tilespmem:s17], [sflag:$0x2] =	stream.indirect.gather [hbm4b:s2+s15], $0x80, s15, s15, $0xb8;
	[tilespmem:$0x10200] =	vst v63  }
0x4f: {  	_ =	swait.ge [sflag:s18], $0x8000  }
0x50: {  	[sflag:s18] =	ssyncset.done $0x0  }
0x51: {  	[sflag:s18] =	ssyncadd.s32 $0xFFFF8000  }
0x52: {  	[hbm4b:s8+s3] =	stream.linear.scatter [tilespmem:s16], [sflag:$0x3], $0x8000, $0x38;
	[tilespmem:$0x10200] =	vst v63  }
0x53: {  	_ =	swait.ge [sflag:s14], $0x8000  }
0x54: {  	[sflag:s14] =	ssyncset.done $0x0  }
0x55: {  	[sflag:s14] =	ssyncadd.s32 $0xFFFF8000  }
0x56: {  	s20 =	sadd.s32 $0x1, s20;
	_ =	swait.ge [sflag:s19], $0x8000  }
0x57: {  	p0 =	sne.s32 s20, s6;
	[sflag:s19] =	ssyncset.done $0x0  }
.Ltmp1:
0x58: {  	[sflag:s19] =	ssyncadd.s32 $0xFFFF8000;
	(pc) =	sbr.rel @p0 .LBB2_1-.Ltmp1, $4  }
0x59: {  	[hbm4b:s9+s3] =	stream.linear.scatter [tilespmem:s17], [sflag:$0x3], $0x8000, $0x38;
	[tilespmem:$0x10200] =	vst v63  }
0x5a: {  	_ =	swait.ge [sflag:s14], $0x8000  }
0x5b: {  	[sflag:s14] =	ssyncset.done $0x0  }
0x5c: {  	[sflag:s14] =	ssyncadd.s32 $0xFFFF8000  }
0x5d: {  	_ =	sfence.sel $0x180000  }
0x5e: {  	[bflag:$0x0] =	sbarrier.arrive $0xFFFF  }
0x5f: {  	p0 =	sne.s32 s0, $0x0;
	_ =	strace $0x9000004A  }
0x60: {  	s0 =	sadd.s32 @!p0 $0x100000, s1;
	[bflag:$0x2] =	sbarrier.arrive $0xFFFF  }
0x61: {  	[sflag:s0] =	ssyncadd.tile.s32 @!p0 $0x1;
	_ =	shalt  }
.Lfunc_end2:
_tile_overlayer_lowered:
.L_overlay_start_2:
0x62: {  	(tag) =	ssettag $0x2  }
0x63: {  	s0 =	rddreg [dreg:$0x0];
	s2 =	stileid.u32  }
0x64: {  	s1 =	rddreg [dreg:$0x1];
	p0 =	sne.s32 s2, $0x0  }
0x65: {  	s3 =	rddreg [dreg:$0x2];
	[bflag:$0x3] =	sbarrier.arrive $0xFFFF;
	s2 =	simm.s32 @!p0 $0x1C03  }
0x66: {  	[timem:s3], [sflag:s2] =	dma.local @!p0 [hbm:s0], s1  }
0x67: {  	s0 =	simm.s32 @!p0 $0x3  }
0x68: {  	_ =	swait.ge @!p0 [sflag:s0], s1  }
0x69: {  	s1 =	ssub.s32 @!p0 $0x0, s1;
	[sflag:s0] =	ssyncset.done @!p0 $0x0  }
0x6a: {  	[sflag:s0] =	ssyncadd.s32 @!p0 s1  }
0x6b: {  	[bflag:$0x3] =	sbarrier.arrive $0xFFFF  }
0x6c: {  	_ =	shalt  }

// kernel: kernel.20.cloned.1.call-start
scs
__scs_entry_jumppad:
0x0: {  	(pc) =	sbr.rel $0x88, $3  }
0x1: {  	(tag) =	ssettag $0x0;
	lr =	simm.s32 $0x1  }
0x2: {  	[smem:$0x3F9A] =	sst lr;
	_ =	strace $0xD0000000  }
0x3: {  	_ = 	snop  }
0x4: {  	_ = 	snop  }
0x5: {  	_ = 	snop  }
0x6: {  	_ = 	snop  }
0x7: {  	_ = 	snop  }
__scs_overlays_trampoline_lowered:
0x8: {  	[smem:$0x3FA9] =	sst s0  }
0x9: {  	[smem:$0x3FAA] =	sst s1  }
0xa: {  	[smem:$0x3FAB] =	sst s2  }
0xb: {  	[smem:$0x3FAC] =	sst s3  }
0xc: {  	[smem:$0x3FAD] =	sst s4  }
0xd: {  	[smem:$0x3FAE] =	sst s5  }
0xe: {  	[smem:$0x3FAF] =	sst s6  }
0xf: {  	[smem:$0x3FB0] =	sst s7  }
0x10: {  	[smem:$0x3FB1] =	sst s8  }
0x11: {  	[smem:$0x3FB2] =	sst s9;
	s0 =	simm.s32 @!p0 $0x0  }
0x12: {  	s1 =	sld [smem:$0x3F98];
	s0 =	simm.s32 @p0 $0x1  }
0x13: {  	[smem:$0x3FB3] =	sst s0;
	s0 =	simm.s32 @!p1 $0x0  }
0x14: {  	s2 =	sld [smem:$0x3F97];
	s0 =	simm.s32 @p1 $0x1  }
0x15: {  	[smem:$0x3FB4] =	sst s0;
	s0 =	simm.s32 @!p2 $0x0  }
0x16: {  	s3 =	sld [smem:$0x3FDB];
	s0 =	simm.s32 @p2 $0x1  }
0x17: {  	s4 =	simm.s32 $0x1BF5;
	[smem:$0x3FB6] =	sst s0  }
0x18: {  	s0 =	sld [smem:$0x3F99];
	_ =	swait.ge [sflag:s4], $0x0  }
0x19: {  	s7 =	sld [smem:$0x3F9A]  }
0x1a: {  	s8 =	sadd.s32 $0xFFFFE003, lr  }
0x1b: {  	s9 =	sadd.s32 $0xFFFFFEF7, lr;
	s5 =	simm.s32 $0xFFFFFFFF;
	p2 =	slt.u32 s8, $0xFFFFF086  }
0x1c: {  	p1 =	slt.u32 s9, $0xF7A;
	s5 =	simm.s32 @!p2 $0x0  }
0x1d: {  	s5 =	simm.s32 @p1 $0x1;
	p0 =	seq.s32 s7, s2  }
0x1e: {  	s7 =	smul.u32 @!p0 $0xF7A, s2;
	p2 =	seq.s32 @!p0 s5, $0x0  }
0x1f: {  	s9 =	smul.u32 $0xF7A, s1;
	s8 =	simm.s32 @!p0 $0x1BF5;
	p2 =	por !p2, p0  }
0x20: {  	[sflag:s8] =	ssyncset.s32 @!p0 $0xFFFFF086;
	s6 =	sadd.s32 @!p0 s3, s7;
	s7 =	simm.s32 @!p0 $0x108  }
0x21: {  	s3 =	sadd.s32 s3, s9;
	s6 =	sadd.s32 @!p0 $0x88, s6;
	s7 =	simm.s32 @p2 $0x1082  }
0x22: {  	[simem:s7], [sflag:s8] =	dma.local @!p0 [hbm:s6], $0xF7A  }
0x23: {  	s9 =	sor.u32 $0xD0000000, s2;
	s6 =	simm.s32 $0x108;
	_ =	swait.ge @!p0 [sflag:s8], $0x0  }
0x24: {  	s3 =	sadd.s32 $0x88, s3;
	s6 =	simm.s32 @!p1 $0x1082;
	[sflag:s4] =	ssyncset.s32 $0xFFFFF086  }
0x25: {  	[simem:s6], [sflag:s4] =	dma.local [hbm:s3], $0xF7A  }
0x26: {  	[smem:$0x3F9A] =	sst s1;
	(tag) =	ssettag s2;
	_ =	strace s9  }
0x27: {  	s1 =	sld [smem:$0x3FAA]  }
0x28: {  	s2 =	sld [smem:$0x3FAB]  }
0x29: {  	s4 =	sld [smem:$0x3FAD]  }
0x2a: {  	p0 =	seq.s32 s5, $0x0;
	s5 =	sld [smem:$0x3FAE]  }
0x2b: {  	s6 =	sld [smem:$0x3FAF]  }
0x2c: {  	s7 =	sld [smem:$0x3FB0]  }
0x2d: {  	s3 =	simm.s32 $0x108;
	s8 =	sld [smem:$0x3FB1]  }
0x2e: {  	s3 =	simm.s32 @!p0 $0x1082;
	s9 =	sld [smem:$0x3FB2]  }
0x2f: {  	lr =	sadd.s32 s0, s3;
	s0 =	sld [smem:$0x3FA9]  }
0x30: {  	s3 =	sld [smem:$0x3FAC]  }
0x31: {  	[smem:$0x3FB5] =	sst s10  }
0x32: {  	s10 =	sld [smem:$0x3FB3];
	_ =	sdelay $0x3  }
0x33: {  	p0 =	seq.s32 s10, $0x1;
	s10 =	sld [smem:$0x3FB5];
	_ =	sdelay $0x3  }
0x34: {  	[smem:$0x3FB5] =	sst s10  }
0x35: {  	s10 =	sld [smem:$0x3FB4];
	_ =	sdelay $0x3  }
0x36: {  	p1 =	seq.s32 s10, $0x1;
	s10 =	sld [smem:$0x3FB5];
	_ =	sdelay $0x3  }
0x37: {  	[smem:$0x3FB5] =	sst s10  }
0x38: {  	s10 =	sld [smem:$0x3FB6]  }
0x39: {  	_ = 	snop;
	(pc) =	sbr.ind lr, $3  }
0x3a: {  	_ = 	snop  }
0x3b: {  	_ = 	snop  }
0x3c: {  	p2 =	seq.s32 s10, $0x1;
	s10 =	sld [smem:$0x3FB5]  }
0x3d: {  	_ =	shalt  }
0x3e: {  	_ =	shalt  }
0x3f: {  	_ =	shalt  }
0x40: {  	_ =	shalt  }
0x41: {  	_ =	shalt  }
0x42: {  	_ =	shalt  }
0x43: {  	_ =	shalt  }
0x44: {  	_ =	shalt  }
0x45: {  	_ =	shalt  }
0x46: {  	_ =	shalt  }
0x47: {  	_ =	shalt  }
0x48: {  	_ =	shalt  }
0x49: {  	_ =	shalt  }
0x4a: {  	_ =	shalt  }
0x4b: {  	_ =	shalt  }
0x4c: {  	_ =	shalt  }
0x4d: {  	_ =	shalt  }
0x4e: {  	_ =	shalt  }
0x4f: {  	_ =	shalt  }
0x50: {  	_ =	shalt  }
0x51: {  	_ =	shalt  }
0x52: {  	_ =	shalt  }
0x53: {  	_ =	shalt  }
0x54: {  	_ =	shalt  }
0x55: {  	_ =	shalt  }
0x56: {  	_ =	shalt  }
0x57: {  	_ =	shalt  }
0x58: {  	_ =	shalt  }
0x59: {  	_ =	shalt  }
0x5a: {  	_ =	shalt  }
0x5b: {  	_ =	shalt  }
0x5c: {  	_ =	shalt  }
0x5d: {  	_ =	shalt  }
0x5e: {  	_ =	shalt  }
0x5f: {  	_ =	shalt  }
0x60: {  	_ =	shalt  }
0x61: {  	_ =	shalt  }
0x62: {  	_ =	shalt  }
0x63: {  	_ =	shalt  }
0x64: {  	_ =	shalt  }
0x65: {  	_ =	shalt  }
0x66: {  	_ =	shalt  }
0x67: {  	_ =	shalt  }
0x68: {  	_ =	shalt  }
0x69: {  	_ =	shalt  }
0x6a: {  	_ =	shalt  }
0x6b: {  	_ =	shalt  }
0x6c: {  	_ =	shalt  }
0x6d: {  	_ =	shalt  }
0x6e: {  	_ =	shalt  }
0x6f: {  	_ =	shalt  }
0x70: {  	_ =	shalt  }
0x71: {  	_ =	shalt  }
0x72: {  	_ =	shalt  }
0x73: {  	_ =	shalt  }
0x74: {  	_ =	shalt  }
0x75: {  	_ =	shalt  }
0x76: {  	_ =	shalt  }
0x77: {  	_ =	shalt  }
0x78: {  	_ =	shalt  }
0x79: {  	_ =	shalt  }
0x7a: {  	_ =	shalt  }
0x7b: {  	_ =	shalt  }
0x7c: {  	_ =	shalt  }
0x7d: {  	_ =	shalt  }
0x7e: {  	_ =	shalt  }
0x7f: {  	_ =	shalt  }
0x80: {  	_ =	shalt  }
0x81: {  	_ =	shalt  }
0x82: {  	_ =	shalt  }
0x83: {  	_ =	shalt  }
0x84: {  	_ =	shalt  }
0x85: {  	_ =	shalt  }
0x86: {  	_ =	shalt  }
0x87: {  	_ =	shalt  }
.Lfunc_end0:
.L_simem_size_0:
called_computation.3_lowered:
.L_overlay_start_0:
0x88: {  	s2 =	sld [smem:$0x3FD9]  }
0x89: {  	s3 =	sld [smem:$0x3FFE];
	_ =	sdelay $0x1  }
0x8a: {  	s1 =	srdreg.scid  }
0x8b: {  	s0 =	sand.u32 $0x1, s1  }
0x8c: {  	s17 =	sshll.u32 s0, $0xA;
	s2 =	sadd.s32 s3, s2  }
0x8d: {  	s2 =	sadd.s32 s2, s17  }
0x8e: {  	[smem:$0x3FC1] =	sst s2  }
0x8f: {  	_ = 	snop  }
0x90: {  	s2 =	sld [smem:$0x3FD0];
	(tm) =	ssettm $0x1  }
0x91: {  	s18 =	sld [smem:$0x3FFB];
	_ =	sdelay $0x3  }
0x92: {  	_ =	strace s18  }
0x93: {  	s3 =	sld [smem:$0x3FFC];
	_ =	sdelay $0x3  }
0x94: {  	_ =	strace s3  }
0x95: {  	s3 =	sld [smem:$0x3FFD];
	_ =	sdelay $0x3  }
0x96: {  	_ =	strace s3  }
0x97: {  	_ =	strace $0x8FFFFFFF  }
0x98: {  	s19 =	sld [smem:$0x3FDB];
	_ =	sdelay $0x1  }
0x99: {  	s4 =	simm.s32 $_scs_section_size  }
0x9a: {  	s5 =	simm.s32 $_size__tile_overlayer_lowered;
	s6 =	simm.s32 $_tile_overlayer_lowered  }
0x9b: {  	s22 =	simm.s32 $0x1BFF;
	s21 =	sshll.u32 s6, $0x1;
	s3 =	sadd.s32 s4, s19  }
0x9c: {  	s7 =	simm.s32 $0x0;
	s20 =	sshll.u32 s5, $0x1;
	s5 =	sadd.s32 s21, s3  }
0x9d: {  	[timem:s7], [sflag:s22] =	dma.local [hbm:s5], s20  }
0x9e: {  	_ =	swait.ge [sflag:s22], s20  }
0x9f: {  	s4 =	ssub.s32 $0x0, s20;
	[sflag:s22] =	ssyncset.done $0x0  }
0xa0: {  	[sflag:s22] =	ssyncadd.s32 s4;
	_ =	sdelay $0x1  }
0xa1: {  	s23 =	simm.s32 $0x1B8B  }
0xa2: {  	_ =	swait.ge [sflag:s23], $0x1  }
0xa3: {  	[sflag:s23] =	ssyncset.done $0x0  }
0xa4: {  	s25 =	simm.s32 $0x1B8E;
	s24 =	sld [smem:$0x3FFE];
	[sflag:s23] =	ssyncadd.s32 $0xFFFFFFFF  }
0xa5: {  	s26 =	simm.s32 $execute0_lowered;
	[smem:$0x3FD2] =	sst s25  }
0xa6: {  	s5 =	sshll.u32 s26, $0x1;
	_ =	strace $0x80000046;
	[dreg:$0x1] =	wrdreg $0xFFFFFFFF  }
0xa7: {  	s28 =	simm.s32 $_size_execute0_lowered;
	s3 =	sadd.s32 s3, s5;
	[dreg:$0x0] =	wrdreg $0x0  }
0xa8: {  	s5 =	sshll.u32 s28, $0x1;
	[dreg:$0x2] =	wrdreg s3  }
0xa9: {  	[dreg:$0x3] =	wrdreg s5  }
0xaa: {  	[dreg:$0x4] =	wrdreg $0xC0  }
0xab: {  	_ =	task [dreg:s7], $0x5FFFF  }
0xac: {  	[dreg:$0x1] =	wrdreg $0xFFFFFFFF  }
0xad: {  	[dreg:$0x0] =	wrdreg $0x60  }
0xae: {  	[dreg:$0x2] =	wrdreg s2  }
0xaf: {  	[dreg:$0x3] =	wrdreg s24  }
0xb0: {  	[dreg:$0x4] =	wrdreg $0xC  }
0xb1: {  	_ =	task.clear_ibuf [dreg:s7], $0x5FFFF;
	_ =	strace $0x90000046  }
0xb2: {  	s29 =	simm.s32 $0xC;
	_ =	strace $0x80000048  }
0xb3: {  	_ =	swait.ge [sflag:s29], $0x1  }
0xb4: {  	[sflag:s29] =	ssyncadd.s32 $0xFFFFFFFF  }
0xb5: {  	_ =	strace $0x90000048  }
0xb6: {  	_ =	sfence  }
0xb7: {  	s30 =	sld [smem:$0x0];
	_ =	sdelay $0x2  }
0xb8: {  	s31 =	sshll.u32 s1, $0xD;
	s1 =	sshrl.u32 s1, $0x2  }
0xb9: {  	s3 =	sand.u32 $0x4000, s31;
	s1 =	sadd.s32 s1, s30  }
0xba: {  	s0 =	sor.u32 s3, s0;
	s1 =	sshll.u32 s1, $0x11  }
0xbb: {  	s0 =	sor.u32 s1, s0  }
0xbc: {  	s0 =	sadd.s32 $0x8F2B, s0  }
0xbd: {  	[sflag:s0] =	ssyncadd.remote.s32 $0x1  }
0xbe: {  	_ =	sfence.sel $0xFFFF  }
0xbf: {  	[dreg:$0x0] =	wrdreg $0xFFFFFFFF;
	(pc) =	sbr.abs _section_cstart, $3  }
0xc0: {  	[dreg:$0x1] =	wrdreg $0xFFFFFFFF  }
0xc1: {  	_ =	task.clear_ibuf [dreg:s7], $0x2FFFF;
	_ =	strace $0x9FFFFFFF  }
0xc2: {  	(tm) =	ssettm $0x7FFFFFFF  }
0xc3: {  	_ =	shalt  }
tec
execute0_lowered:
.L_overlay_start_1:
0x0: {  	(tag) =	ssettag $0x1  }
0x1: {  	s2 =	rddreg [dreg:$0x0];
	s1 =	srdreg.scid  }
0x2: {  	s0 =	stileid.u32;
	s5 =	rddreg [dreg:$0x1];
	s3 =	simm.s32 $0x0  }
0x3: {  	s16 =	simm.s32 $0x200;
	s17 =	simm.s32 $0x8200;
	s13 =	smul.u32 $0xA0000, s0  }
0x4: {  	s18 =	simm.s32 $0x1;
	s19 =	simm.s32 $0x2;
	s15 =	smul.u32 $0x1400, s0  }
0x5: {  	s10 =	sand.u32 $0x1, s1;
	s1 =	rddreg [dreg:$0x2];
	s25 =	smul.u32 $0x14000, s0  }
0x6: {  	s4 =	sshll.u32 s0, $0x1;
	[smem:$0x7FF] =	sst s3;
	s14 =	smul.u32 $0x50000, s10  }
0x7: {  	s11 =	sadd.s32 $0xE200, s5;
	s6 =	sor.u32 s10, s4;
	s24 =	smul.u32 $0xA00, s10  }
0x8: {  	_ =	strace $0x80000047;
	s8 =	ssub.s32 $0x2, s10;
	s26 =	smul.u32 $0xA000, s10  }
0x9: {  	s4 =	sadd.s32 $0x4200, s5;
	s7 =	smul.u32 $0xA00, s6;
	s20 =	sshrl.u32 s8, $0x1  }
0xa: {  	s21 =	smul.u32 $0x50000, s6;
	s28 =	sadd.s32 s25, s11;
	s8 =	ssub.s32 s8, s20  }
0xb: {  	s13 =	sadd.s32 s14, s13;
	s30 =	sadd.s32 s26, s28;
	s14 =	simm.s32 $0x3  }
0xc: {  	s20 =	simm.s32 $0x0;
	s9 =	sshrl.u32 s7, $0x3;
	s6 =	smax.u32 s8, $0x1  }
0xd: {  	s12 =	sadd.s32 $0x900, s7;
	s22 =	sshrl.u32 s21, $0x3;
	s13 =	sshrl.u32 s13, $0x3  }
0xe: {  	s5 =	sadd.s32 s4, s9;
	s7 =	sshrl.u32 s12, $0x3;
	s8 =	sadd.s32 s11, s22  }
0xf: {  	s23 =	sshll.u32 s12, $0x4;
	s12 =	sadd.s32 s24, s15;
	s10 =	sadd.s32 s13, s11  }
0x10: {  	s15 =	simm.s32 $0x100;
	s7 =	sadd.s32 s4, s7;
	s29 =	sor.u32 $0x100, s12  }
0x11: {  	s8 =	sadd.s32 $0x8000, s8;
	s9 =	sadd.s32 s11, s23;
	s31 =	sshrl.u32 s29, $0x3  }
0x12: {  	s11 =	sadd.s32 $0x200, s12;
	s12 =	sadd.s32 $0x1000, s30;
	s13 =	sadd.s32 s31, s4  }
.LBB2_1:
0x13: {  	[tilespmem:s3], [sflag:$0x3] =	stream.linear.gather [hbm4b:s5+s3], $0x100, $0x38;
	[tilespmem:$0x10200] =	vst v63  }
0x14: {  	_ =	swait.ge [sflag:s14], $0x100  }
0x15: {  	[sflag:s14] =	ssyncset.done $0x0  }
0x16: {  	[sflag:s14] =	ssyncadd.s32 $0xFFFFFF00  }
0x17: {  	[tilespmem:s16], [sflag:$0x1] =	stream.indirect.gather [hbm4b:s2+s15], $0x80, s3, s15, $0xb8;
	[tilespmem:$0x10200] =	vst v63  }
0x18: {  	_ = 	snop  }
0x19: {  	[tilespmem:s15], [sflag:$0x3] =	stream.linear.gather [hbm4b:s13+s3], $0x100, $0x38;
	[tilespmem:$0x10200] =	vst v63  }
0x1a: {  	_ =	swait.ge [sflag:s14], $0x100  }
0x1b: {  	[sflag:s14] =	ssyncset.done $0x0  }
0x1c: {  	[sflag:s14] =	ssyncadd.s32 $0xFFFFFF00  }
0x1d: {  	[tilespmem:s17], [sflag:$0x2] =	stream.indirect.gather [hbm4b:s2+s15], $0x80, s15, s15, $0xb8;
	[tilespmem:$0x10200] =	vst v63  }
0x1e: {  	_ =	swait.ge [sflag:s18], $0x8000  }
0x1f: {  	[sflag:s18] =	ssyncset.done $0x0  }
0x20: {  	s21 =	sadd.s32 $0x0, s10;
	[sflag:s18] =	ssyncadd.s32 $0xFFFF8000  }
0x21: {  	[hbm4b:s21+s3] =	stream.linear.scatter [tilespmem:s16], [sflag:$0x3], $0x8000, $0x38;
	[tilespmem:$0x10200] =	vst v63  }
0x22: {  	_ =	swait.ge [sflag:s14], $0x8000  }
0x23: {  	s30 =	sshrl.u32 s11, $0x3;
	[sflag:s14] =	ssyncset.done $0x0  }
0x24: {  	s21 =	sadd.s32 s4, s30;
	[sflag:s14] =	ssyncadd.s32 $0xFFFF8000  }
0x25: {  	[tilespmem:s3], [sflag:$0x3] =	stream.linear.gather [hbm4b:s21+s3], $0x100, $0x38;
	[tilespmem:$0x10200] =	vst v63  }
0x26: {  	_ =	swait.ge [sflag:s14], $0x100  }
0x27: {  	[sflag:s14] =	ssyncset.done $0x0  }
0x28: {  	[sflag:s14] =	ssyncadd.s32 $0xFFFFFF00  }
0x29: {  	[tilespmem:s16], [sflag:$0x1] =	stream.indirect.gather [hbm4b:s2+s15], $0x80, s3, s15, $0xb8;
	[tilespmem:$0x10200] =	vst v63  }
0x2a: {  	_ =	swait.ge [sflag:s19], $0x8000  }
0x2b: {  	[sflag:s19] =	ssyncset.done $0x0  }
0x2c: {  	s31 =	sadd.s32 $0x0, s12;
	[sflag:s19] =	ssyncadd.s32 $0xFFFF8000  }
0x2d: {  	[hbm4b:s31+s3] =	stream.linear.scatter [tilespmem:s17], [sflag:$0x3], $0x8000, $0x38;
	[tilespmem:$0x10200] =	vst v63  }
0x2e: {  	s22 =	smov.u32 s11;
	_ =	swait.ge [sflag:s14], $0x8000  }
0x2f: {  	s23 =	smov.u32 s13;
	s21 =	simm.s32 $0x2000;
	[sflag:s14] =	ssyncset.done $0x0  }
.LBB2_2:
0x30: {  	[sflag:s14] =	ssyncadd.s32 $0xFFFF8000  }
0x31: {  	s22 =	sadd.s32 $0x200, s22;
	s23 =	sadd.s32 $0x40, s23;
	s24 =	smov.u32 s21  }
0x32: {  	[tilespmem:s15], [sflag:$0x3] =	stream.linear.gather [hbm4b:s23+s3], $0x100, $0x38;
	[tilespmem:$0x10200] =	vst v63  }
0x33: {  	p0 =	sne.s32 s21, $0x6000;
	s21 =	sadd.s32 $0x2000, s21;
	_ =	swait.ge [sflag:s14], $0x100  }
0x34: {  	[sflag:s14] =	ssyncset.done $0x0  }
0x35: {  	[sflag:s14] =	ssyncadd.s32 $0xFFFFFF00  }
0x36: {  	[tilespmem:s17], [sflag:$0x2] =	stream.indirect.gather [hbm4b:s2+s15], $0x80, s15, s15, $0xb8;
	[tilespmem:$0x10200] =	vst v63  }
0x37: {  	_ =	swait.ge [sflag:s18], $0x8000  }
0x38: {  	[sflag:s18] =	ssyncset.done $0x0  }
0x39: {  	s25 =	sadd.s32 s24, s10;
	[sflag:s18] =	ssyncadd.s32 $0xFFFF8000  }
0x3a: {  	[hbm4b:s25+s3] =	stream.linear.scatter [tilespmem:s16], [sflag:$0x3], $0x8000, $0x38;
	[tilespmem:$0x10200] =	vst v63  }
0x3b: {  	_ =	swait.ge [sflag:s14], $0x8000  }
0x3c: {  	s25 =	sshrl.u32 s22, $0x3;
	[sflag:s14] =	ssyncset.done $0x0  }
0x3d: {  	s25 =	sadd.s32 s4, s25;
	[sflag:s14] =	ssyncadd.s32 $0xFFFF8000  }
0x3e: {  	[tilespmem:s3], [sflag:$0x3] =	stream.linear.gather [hbm4b:s25+s3], $0x100, $0x38;
	[tilespmem:$0x10200] =	vst v63  }
0x3f: {  	_ =	swait.ge [sflag:s14], $0x100  }
0x40: {  	[sflag:s14] =	ssyncset.done $0x0  }
0x41: {  	[sflag:s14] =	ssyncadd.s32 $0xFFFFFF00  }
0x42: {  	[tilespmem:s16], [sflag:$0x1] =	stream.indirect.gather [hbm4b:s2+s15], $0x80, s3, s15, $0xb8;
	[tilespmem:$0x10200] =	vst v63  }
0x43: {  	_ =	swait.ge [sflag:s19], $0x8000  }
.Ltmp0:
0x44: {  	[sflag:s19] =	ssyncset.done $0x0;
	(pc) =	sbr.rel @p0 .LBB2_2-.Ltmp0, $4  }
0x45: {  	s24 =	sadd.s32 s24, s12;
	[sflag:s19] =	ssyncadd.s32 $0xFFFF8000  }
0x46: {  	[hbm4b:s24+s3] =	stream.linear.scatter [tilespmem:s17], [sflag:$0x3], $0x8000, $0x38;
	[tilespmem:$0x10200] =	vst v63  }
0x47: {  	_ =	swait.ge [sflag:s14], $0x8000  }
0x48: {  	[sflag:s14] =	ssyncset.done $0x0  }
0x49: {  	[sflag:s14] =	ssyncadd.s32 $0xFFFF8000  }
0x4a: {  	[tilespmem:s15], [sflag:$0x3] =	stream.linear.gather [hbm4b:s7+s3], $0x100, $0x38;
	[tilespmem:$0x10200] =	vst v63  }
0x4b: {  	_ =	swait.ge [sflag:s14], $0x100  }
0x4c: {  	[sflag:s14] =	ssyncset.done $0x0  }
0x4d: {  	[sflag:s14] =	ssyncadd.s32 $0xFFFFFF00  }
0x4e: {  	[tilespmem:s17], [sflag:$0x2] =	stream.indirect.gather [hbm4b:s2+s15], $0x80, s15, s15, $0xb8;
	[tilespmem:$0x10200] =	vst v63  }
0x4f: {  	_ =	swait.ge [sflag:s18], $0x8000  }
0x50: {  	[sflag:s18] =	ssyncset.done $0x0  }
0x51: {  	[sflag:s18] =	ssyncadd.s32 $0xFFFF8000  }
0x52: {  	[hbm4b:s8+s3] =	stream.linear.scatter [tilespmem:s16], [sflag:$0x3], $0x8000, $0x38;
	[tilespmem:$0x10200] =	vst v63  }
0x53: {  	_ =	swait.ge [sflag:s14], $0x8000  }
0x54: {  	[sflag:s14] =	ssyncset.done $0x0  }
0x55: {  	[sflag:s14] =	ssyncadd.s32 $0xFFFF8000  }
0x56: {  	s20 =	sadd.s32 $0x1, s20;
	_ =	swait.ge [sflag:s19], $0x8000  }
0x57: {  	p0 =	sne.s32 s20, s6;
	[sflag:s19] =	ssyncset.done $0x0  }
.Ltmp1:
0x58: {  	[sflag:s19] =	ssyncadd.s32 $0xFFFF8000;
	(pc) =	sbr.rel @p0 .LBB2_1-.Ltmp1, $4  }
0x59: {  	[hbm4b:s9+s3] =	stream.linear.scatter [tilespmem:s17], [sflag:$0x3], $0x8000, $0x38;
	[tilespmem:$0x10200] =	vst v63  }
0x5a: {  	_ =	swait.ge [sflag:s14], $0x8000  }
0x5b: {  	[sflag:s14] =	ssyncset.done $0x0  }
0x5c: {  	[sflag:s14] =	ssyncadd.s32 $0xFFFF8000  }
0x5d: {  	_ =	sfence.sel $0x180000  }
0x5e: {  	[bflag:$0x0] =	sbarrier.arrive $0xFFFF  }
0x5f: {  	p0 =	sne.s32 s0, $0x0;
	_ =	strace $0x90000047  }
0x60: {  	s0 =	sadd.s32 @!p0 $0x100000, s1;
	[bflag:$0x2] =	sbarrier.arrive $0xFFFF  }
0x61: {  	[sflag:s0] =	ssyncadd.tile.s32 @!p0 $0x1;
	_ =	shalt  }
.Lfunc_end2:
_tile_overlayer_lowered:
.L_overlay_start_2:
0x62: {  	(tag) =	ssettag $0x2  }
0x63: {  	s0 =	rddreg [dreg:$0x0];
	s2 =	stileid.u32  }
0x64: {  	s1 =	rddreg [dreg:$0x1];
	p0 =	sne.s32 s2, $0x0  }
0x65: {  	s3 =	rddreg [dreg:$0x2];
	[bflag:$0x3] =	sbarrier.arrive $0xFFFF;
	s2 =	simm.s32 @!p0 $0x1C03  }
0x66: {  	[timem:s3], [sflag:s2] =	dma.local @!p0 [hbm:s0], s1  }
0x67: {  	s0 =	simm.s32 @!p0 $0x3  }
0x68: {  	_ =	swait.ge @!p0 [sflag:s0], s1  }
0x69: {  	s1 =	ssub.s32 @!p0 $0x0, s1;
	[sflag:s0] =	ssyncset.done @!p0 $0x0  }
0x6a: {  	[sflag:s0] =	ssyncadd.s32 @!p0 s1  }
0x6b: {  	[bflag:$0x3] =	sbarrier.arrive $0xFFFF  }
0x6c: {  	_ =	shalt  }

</sc_bundles>
